<compile_context>
chip_gen: v7x
topology: tpu7x:2x2x1
jax: 0.10.2.dev20260603
libtpu: 0.0.44.dev20260713+nightly
codegen_flags: <defaults>
</compile_context>

<pallas_src>
import functools

import jax
import jax.numpy as jnp
from jax import lax
from jax.experimental import pallas as pl
from jax.experimental.pallas import tpu as pltpu
from jax.experimental.pallas import tpu_sc as plsc

IMG_W = 512.0
IMG_H = 512.0

_NC = 2
_NS = 16
_NW = _NC * _NS

_L_PER_W = 1024 // _NW
_GROUPS = _L_PER_W // 16
_C = 256
_OUT_PER_W = _L_PER_W * _C


def _splat(vec, i):
    idx = jnp.full((16, 1), i, jnp.int32)
    dnums = lax.GatherDimensionNumbers(
        offset_dims=(), collapsed_slice_dims=(0,), start_index_map=(0,))
    return lax.gather(vec, idx, dnums, (1,),
                      mode=lax.GatherScatterMode.PROMISE_IN_BOUNDS)


def _sc_body(rows_hbm, bbt_hbm, wt_hbm, b_hbm, out_hbm,
             bb_v, wt_v, b_v, idx_v, feat_v, out_v,
             sem0, sem1, sem2, sem3, semw):
    cell_w = jnp.float32(IMG_W / 32.0)
    cell_h = jnp.float32(IMG_H / 32.0)

    wid = lax.axis_index("s") * _NC + lax.axis_index("c")

    wt_cp = pltpu.async_copy(wt_hbm, wt_v, semw)
    b_cp = pltpu.async_copy(b_hbm, b_v, semw)
    pltpu.sync_copy(bbt_hbm.at[wid], bb_v)

    iota = lax.iota(jnp.int32, 16)

    lab_g = []
    for g in range(_GROUPS):
        x = bb_v[0, pl.ds(g * 16, 16)]
        y = bb_v[1, pl.ds(g * 16, 16)]
        w = bb_v[2, pl.ds(g * 16, 16)]
        h = bb_v[3, pl.ds(g * 16, 16)]
        xc = x + (w / 2.0).astype(jnp.int32).astype(jnp.float32)
        yc = y + (h / 2.0).astype(jnp.int32).astype(jnp.float32)
        cx = (xc / cell_w).astype(jnp.int32)
        cy = (yc / cell_h).astype(jnp.int32)
        lid = wid * _L_PER_W + g * 16 + iota
        bi = lax.shift_right_logical(lid, 3)
        r0 = ((bi * 32 + cy) * 64
              + lax.shift_right_logical(cx, 3) * 16 + (cx & 7))
        idx_v[pl.ds(g * 16, 16)] = r0
        idx_v[pl.ds(32 + g * 16, 16)] = r0 + 8

        cxf = cx.astype(jnp.float32)
        cyf = cy.astype(jnp.float32)
        lab_g.append(((xc - cxf * cell_w) / cell_w,
                      (yc - cyf * cell_h) / cell_h,
                      w / IMG_W,
                      h / IMG_H))

    sems = [sem0, sem1, sem2, sem3]
    copies = []
    for s in range(4):
        copies.append(pltpu.async_copy(
            rows_hbm.at[idx_v.at[pl.ds(((s % 2) * 16 + (s // 2) * 32), 16)]],
            feat_v.at[pl.ds(((s % 2) * 16 + (s // 2) * 32), 16)], sems[s]))
    wt_cp.wait()
    b_cp.wait()

    waited = set()
    for q in range(4):
        half, cb = q // 2, (q % 2) * 64
        wr = [[wt_v[k, pl.ds(q * 64 + j * 16, 16)] for j in range(4)]
              for k in range(4)]
        br = [b_v[0, pl.ds(q * 64 + j * 16, 16)] for j in range(4)]
        for g in range(_GROUPS):
            s = half * 2 + g
            if s not in waited:
                copies[s].wait()
                waited.add(s)
            lx, ly, lw, lh = lab_g[g]

            def _fuse(li, _, half=half, cb=cb, g=g, wr=wr, br=br,
                      lx=lx, ly=ly, lw=lw, lh=lh):
                l = g * 16 + li
                lxb = _splat(lx, li)
                lyb = _splat(ly, li)
                lwb = _splat(lw, li)
                lhb = _splat(lh, li)
                frow = half * _L_PER_W + l
                obase = (lax.shift_right_logical(l, 3) * 16
                         + half * 8 + (l & 7)) * 128 + cb
                for j in range(4):
                    acc = ((feat_v[frow, pl.ds(cb + j * 16, 16)] + br[j])
                           + ((lxb * wr[0][j] + lyb * wr[1][j])
                              + (lwb * wr[2][j] + lhb * wr[3][j])))
                    out_v[pl.ds(obase + j * 16, 16)] = acc
                return 0

            lax.fori_loop(0, 16, _fuse, 0)

    pltpu.sync_copy(out_v, out_hbm.at[pl.ds(wid * _OUT_PER_W, _OUT_PER_W)])


def kernel(input, bboxes, W, b):
    B, K, N, _ = bboxes.shape
    C = input.shape[1]
    fh, fw = input.shape[2], input.shape[3]
    rows = (input.transpose(0, 2, 3, 1)
            .reshape(B * K, fh, fw // 8, 8, C // 128, 128)
            .transpose(0, 1, 2, 4, 3, 5)
            .reshape(B * K * fh * (fw // 8) * (C // 128) * 8, 128))
    bbt = (bboxes.reshape(_NW, _L_PER_W, 4)
           .transpose(0, 2, 1).reshape(_NW, 4, _L_PER_W))
    wt = W.T
    b2 = b.reshape(1, C)

    mesh = plsc.VectorSubcoreMesh(core_axis_name="c", subcore_axis_name="s")
    run = functools.partial(
        pl.kernel, mesh=mesh,
        out_type=jax.ShapeDtypeStruct((B * K * N * C,), jnp.float32),
        scratch_types=[
            pltpu.VMEM((4, _L_PER_W), jnp.float32),
            pltpu.VMEM((4, _C), jnp.float32),
            pltpu.VMEM((1, _C), jnp.float32),
            pltpu.VMEM((2 * _L_PER_W,), jnp.int32),
            pltpu.VMEM((2 * _L_PER_W, 128), jnp.float32),
            pltpu.VMEM((_OUT_PER_W,), jnp.float32),
            pltpu.SemaphoreType.DMA,
            pltpu.SemaphoreType.DMA,
            pltpu.SemaphoreType.DMA,
            pltpu.SemaphoreType.DMA,
            pltpu.SemaphoreType.DMA,
        ],
    )(_sc_body)
    out = run(rows, bbt, wt, b2)
    return (out.reshape(B * K, C // 128, N, 128)
            .transpose(0, 2, 1, 3)
            .reshape(B, K, N, C))

# --- scband reference (transcript-rebuilt; emitter-appended) ---
"""Pipeline reference for scband-center-pool-18545668784867 (READ-ONLY COPY).

The authoritative reference and input builder live on the scoring server;
editing this copy changes nothing except your own understanding.
"""

import jax, jax.numpy as jnp
import numpy as np

IMG_W, IMG_H = 512, 512

def setup_inputs(seed: int = 0):
    key = jax.random.key(seed)
    k1, k2, k3, k4 = jax.random.split(key, 4)
    inp = jax.random.normal(k1, (128, 256, 32, 32), dtype=jnp.float32)
    bboxes = jax.random.uniform(k2, (32, 4, 8, 4), dtype=jnp.float32)
    W = jax.random.normal(k3, (256, 4), dtype=jnp.float32) * 0.1
    b = jax.random.normal(k4, (256,), dtype=jnp.float32) * 0.1
    return {"input": inp, "bboxes": bboxes, "W": W, "b": b}

def reference(input, bboxes, W, b):
    B, K, N, _ = bboxes.shape
    fm_w, fm_h = input.shape[-2], input.shape[-1]
    cell_w = IMG_W / fm_w
    cell_h = IMG_H / fm_h
    x = bboxes[..., 0]
    y = bboxes[..., 1]
    w = bboxes[..., 2]
    h = bboxes[..., 3]
    # bbox[0] + bbox[2] // 2  (float floor-div, matching torch semantics)
    xc = x + jnp.floor_divide(w, 2.0)
    yc = y + jnp.floor_divide(h, 2.0)
    # int() truncation; values are non-negative so floor == trunc
    cell_x = jax.lax.stop_gradient(jnp.floor(xc / cell_w)).astype(jnp.int32)
    cell_y = jax.lax.stop_gradient(jnp.floor(yc / cell_h)).astype(jnp.int32)
    batch_idx = (jnp.arange(B)[:, None] * K + jnp.arange(K)[None, :])[:, :, None]
    batch_idx = jnp.broadcast_to(batch_idx, (B, K, N))
    # gather: input[i*k_shot+j, :, cell_y, cell_x] -> [B, K, N, C]
    feat = input[batch_idx, :, cell_y, cell_x]
    label = jnp.stack([
        (xc - cell_x.astype(jnp.float32) * cell_w) / cell_w,
        (yc - cell_y.astype(jnp.float32) * cell_h) / cell_h,
        w / IMG_W,
        h / IMG_H,
    ], axis=-1)
    # LabelFuser: feature_vector + Linear(label)
    out = feat + label @ W.T + b
    return out

if __name__ == "__main__":
    import jax
    _d = setup_inputs()
    print(jax.jit(kernel)(*tuple(_d.values())))

</pallas_src>

<mosaic_0001>
#map = affine_map<(d0, d1) -> (0, 0)>
#map1 = affine_map<(d0, d1) -> (0, 0, 0)>
#map2 = affine_map<(d0, d1) -> (0)>
module attributes {stable_mosaic.version = 14 : i64} {
  func.func @_sc_body(%arg0: i32, %arg1: i32, %arg2: memref<262144x128xf32, #tpu.memory_space<hbm>>, %arg3: memref<32x4x32xf32, #tpu.memory_space<hbm>>, %arg4: memref<4x256xf32, #tpu.memory_space<hbm>>, %arg5: memref<1x256xf32, #tpu.memory_space<hbm>>, %arg6: memref<262144xf32, #tpu.memory_space<hbm>>, %arg7: memref<4x32xf32, #tpu.memory_space<vmem>>, %arg8: memref<4x256xf32, #tpu.memory_space<vmem>>, %arg9: memref<1x256xf32, #tpu.memory_space<vmem>>, %arg10: memref<64xi32, #tpu.memory_space<vmem>>, %arg11: memref<64x128xf32, #tpu.memory_space<vmem>>, %arg12: memref<8192xf32, #tpu.memory_space<vmem>>, %arg13: memref<!tpu.dma_semaphore, #tpu.memory_space<semaphore_mem>>, %arg14: memref<!tpu.dma_semaphore, #tpu.memory_space<semaphore_mem>>, %arg15: memref<!tpu.dma_semaphore, #tpu.memory_space<semaphore_mem>>, %arg16: memref<!tpu.dma_semaphore, #tpu.memory_space<semaphore_mem>>, %arg17: memref<!tpu.dma_semaphore, #tpu.memory_space<semaphore_mem>>) attributes {dimension_semantics = [#tpu.dimension_semantics<core_parallel>, #tpu.dimension_semantics<subcore_parallel>], iteration_bounds = array<i64: 2, 16>, scalar_prefetch = 0 : i64, scratch_operands = 11 : i64, tpu.core_type = #tpu.core_type<sc_vector_subcore>, window_params = [{transform_indices = #map}, {transform_indices = #map1}, {transform_indices = #map}, {transform_indices = #map}, {transform_indices = #map2}]} {
    %mul3A = arith.constant 2 : i32
    %mul3A_0 = arith.muli %arg1, %mul3A : i32
    %add3A = arith.addi %mul3A_0, %arg0 : i32
    tpu.enqueue_dma source(%arg4 : memref<4x256xf32, #tpu.memory_space<hbm>>) target(%arg8 : memref<4x256xf32, #tpu.memory_space<vmem>>) target_semaphore(%arg17 : memref<!tpu.dma_semaphore, #tpu.memory_space<semaphore_mem>>)
    tpu.enqueue_dma source(%arg5 : memref<1x256xf32, #tpu.memory_space<hbm>>) target(%arg9 : memref<1x256xf32, #tpu.memory_space<vmem>>) target_semaphore(%arg17 : memref<!tpu.dma_semaphore, #tpu.memory_space<semaphore_mem>>)
    "tpu.region"() ({
      %run_scoped3A = tpu.sem_alloc : memref<!tpu.dma_semaphore, #tpu.memory_space<semaphore_mem>>
      %dma_start3A_713 = arith.constant 0 : i32
      %dma_start3A_714 = arith.constant 0 : i32
      %dma_start3A_715 = tpu.memref_slice %arg3[%add3A, %dma_start3A_713, %dma_start3A_714] : memref<32x4x32xf32, #tpu.memory_space<hbm>> -> memref<1x4x32xf32, #tpu.memory_space<hbm>>
      %dma_start3A_716 = tpu.memref_squeeze %dma_start3A_715 : memref<1x4x32xf32, #tpu.memory_space<hbm>> -> memref<4x32xf32, #tpu.memory_space<hbm>>
      %dma_start3A_717 = arith.constant 0 : i32
      %dma_start3A_718 = arith.constant 0 : i32
      %dma_start3A_719 = tpu.memref_slice %arg3[%add3A, %dma_start3A_717, %dma_start3A_718] : memref<32x4x32xf32, #tpu.memory_space<hbm>> -> memref<1x4x32xf32, #tpu.memory_space<hbm>>
      %dma_start3A_720 = tpu.memref_squeeze %dma_start3A_719 : memref<1x4x32xf32, #tpu.memory_space<hbm>> -> memref<4x32xf32, #tpu.memory_space<hbm>>
      tpu.enqueue_dma source(%dma_start3A_720 : memref<4x32xf32, #tpu.memory_space<hbm>>) target(%arg7 : memref<4x32xf32, #tpu.memory_space<vmem>>) target_semaphore(%run_scoped3A : memref<!tpu.dma_semaphore, #tpu.memory_space<semaphore_mem>>)
      %dma_wait3A_721 = arith.constant 0 : i32
      %dma_wait3A_722 = arith.constant 0 : i32
      %dma_wait3A_723 = tpu.memref_slice %arg3[%add3A, %dma_wait3A_721, %dma_wait3A_722] : memref<32x4x32xf32, #tpu.memory_space<hbm>> -> memref<1x4x32xf32, #tpu.memory_space<hbm>>
      %dma_wait3A_724 = tpu.memref_squeeze %dma_wait3A_723 : memref<1x4x32xf32, #tpu.memory_space<hbm>> -> memref<4x32xf32, #tpu.memory_space<hbm>>
      %dma_wait3A_725 = arith.constant 0 : i32
      %dma_wait3A_726 = arith.constant 0 : i32
      %dma_wait3A_727 = tpu.memref_slice %arg3[%add3A, %dma_wait3A_725, %dma_wait3A_726] : memref<32x4x32xf32, #tpu.memory_space<hbm>> -> memref<1x4x32xf32, #tpu.memory_space<hbm>>
      %dma_wait3A_728 = tpu.memref_squeeze %dma_wait3A_727 : memref<1x4x32xf32, #tpu.memory_space<hbm>> -> memref<4x32xf32, #tpu.memory_space<hbm>>
      tpu.wait_dma2 semaphore(%run_scoped3A : memref<!tpu.dma_semaphore, #tpu.memory_space<semaphore_mem>>) src(%dma_wait3A_728 : memref<4x32xf32, #tpu.memory_space<hbm>>) dst(%arg7 : memref<4x32xf32, #tpu.memory_space<vmem>>)
      tpu.yield
    }) : () -> ()
    %iota3A = tpu.iota {dimensions = array<i32: 0>} : vector<16xi32>
    %get3A = arith.constant 0 : i32
    %get3A_1 = arith.index_cast %get3A : i32 to index
    %get3A_2 = arith.constant 0 : index
    %get3A_3 = tpu.vector_load %arg7[%get3A_1, %get3A_2] {strides = array<i32>} : memref<4x32xf32, #tpu.memory_space<vmem>>, vector<1x16xf32>,
    %get3A_4 = vector.shape_cast %get3A_3 : vector<1x16xf32> to vector<16xf32>
    %get3A_5 = arith.constant 1 : i32
    %get3A_6 = arith.index_cast %get3A_5 : i32 to index
    %get3A_7 = arith.constant 0 : index
    %get3A_8 = tpu.vector_load %arg7[%get3A_6, %get3A_7] {strides = array<i32>} : memref<4x32xf32, #tpu.memory_space<vmem>>, vector<1x16xf32>,
    %get3A_9 = vector.shape_cast %get3A_8 : vector<1x16xf32> to vector<16xf32>
    %get3A_10 = arith.constant 2 : i32
    %get3A_11 = arith.index_cast %get3A_10 : i32 to index
    %get3A_12 = arith.constant 0 : index
    %get3A_13 = tpu.vector_load %arg7[%get3A_11, %get3A_12] {strides = array<i32>} : memref<4x32xf32, #tpu.memory_space<vmem>>, vector<1x16xf32>,
    %get3A_14 = vector.shape_cast %get3A_13 : vector<1x16xf32> to vector<16xf32>
    %get3A_15 = arith.constant 3 : i32
    %get3A_16 = arith.index_cast %get3A_15 : i32 to index
    %get3A_17 = arith.constant 0 : index
    %get3A_18 = tpu.vector_load %arg7[%get3A_16, %get3A_17] {strides = array<i32>} : memref<4x32xf32, #tpu.memory_space<vmem>>, vector<1x16xf32>,
    %get3A_19 = vector.shape_cast %get3A_18 : vector<1x16xf32> to vector<16xf32>
    %div3A = arith.constant 2.000000e+00 : f32
    %div3A_20 = vector.broadcast %div3A : f32 to vector<16xf32>
    %div3A_21 = arith.divf %get3A_14, %div3A_20 : vector<16xf32>
    %convert_element_type3A = arith.fptosi %div3A_21 : vector<16xf32> to vector<16xi32>
    %convert_element_type3A_22 = arith.sitofp %convert_element_type3A : vector<16xi32> to vector<16xf32>
    %add3A_23 = arith.addf %get3A_4, %convert_element_type3A_22 : vector<16xf32>
    %div3A_24 = arith.constant 2.000000e+00 : f32
    %div3A_25 = vector.broadcast %div3A_24 : f32 to vector<16xf32>
    %div3A_26 = arith.divf %get3A_19, %div3A_25 : vector<16xf32>
    %convert_element_type3A_27 = arith.fptosi %div3A_26 : vector<16xf32> to vector<16xi32>
    %convert_element_type3A_28 = arith.sitofp %convert_element_type3A_27 : vector<16xi32> to vector<16xf32>
    %add3A_29 = arith.addf %get3A_9, %convert_element_type3A_28 : vector<16xf32>
    %div3A_30 = arith.constant 1.600000e+01 : f32
    %div3A_31 = vector.broadcast %div3A_30 : f32 to vector<16xf32>
    %div3A_32 = arith.divf %add3A_23, %div3A_31 : vector<16xf32>
    %convert_element_type3A_33 = arith.fptosi %div3A_32 : vector<16xf32> to vector<16xi32>
    %div3A_34 = arith.constant 1.600000e+01 : f32
    %div3A_35 = vector.broadcast %div3A_34 : f32 to vector<16xf32>
    %div3A_36 = arith.divf %add3A_29, %div3A_35 : vector<16xf32>
    %convert_element_type3A_37 = arith.fptosi %div3A_36 : vector<16xf32> to vector<16xi32>
    %mul3A_38 = arith.constant 32 : i32
    %mul3A_39 = arith.muli %add3A, %mul3A_38 : i32
    %add3A_40 = arith.constant 0 : i32
    %add3A_41 = arith.addi %mul3A_39, %add3A_40 : i32
    %add3A_42 = vector.broadcast %add3A_41 : i32 to vector<16xi32>
    %add3A_43 = arith.addi %add3A_42, %iota3A : vector<16xi32>
    %shift_right_logical3A = arith.constant 3 : i32
    %shift_right_logical3A_44 = vector.broadcast %shift_right_logical3A : i32 to vector<16xi32>
    %shift_right_logical3A_45 = arith.shrui %add3A_43, %shift_right_logical3A_44 : vector<16xi32>
    %mul3A_46 = arith.constant 32 : i32
    %mul3A_47 = vector.broadcast %mul3A_46 : i32 to vector<16xi32>
    %mul3A_48 = arith.muli %shift_right_logical3A_45, %mul3A_47 : vector<16xi32>
    %add3A_49 = arith.addi %mul3A_48, %convert_element_type3A_37 : vector<16xi32>
    %mul3A_50 = arith.constant 64 : i32
    %mul3A_51 = vector.broadcast %mul3A_50 : i32 to vector<16xi32>
    %mul3A_52 = arith.muli %add3A_49, %mul3A_51 : vector<16xi32>
    %shift_right_logical3A_53 = arith.constant 3 : i32
    %shift_right_logical3A_54 = vector.broadcast %shift_right_logical3A_53 : i32 to vector<16xi32>
    %shift_right_logical3A_55 = arith.shrui %convert_element_type3A_33, %shift_right_logical3A_54 : vector<16xi32>
    %mul3A_56 = arith.constant 16 : i32
    %mul3A_57 = vector.broadcast %mul3A_56 : i32 to vector<16xi32>
    %mul3A_58 = arith.muli %shift_right_logical3A_55, %mul3A_57 : vector<16xi32>
    %add3A_59 = arith.addi %mul3A_52, %mul3A_58 : vector<16xi32>
    %and3A = arith.constant 7 : i32
    %and3A_60 = vector.broadcast %and3A : i32 to vector<16xi32>
    %and3A_61 = arith.andi %convert_element_type3A_33, %and3A_60 : vector<16xi32>
    %add3A_62 = arith.addi %add3A_59, %and3A_61 : vector<16xi32>
    %swap3A = arith.constant 0 : index
    %swap3A_63 = tpu.vector_load %arg10[%swap3A] {strides = array<i32>} : memref<64xi32, #tpu.memory_space<vmem>>, vector<16xi32>,
    %swap3A_64 = vector.shape_cast %swap3A_63 : vector<16xi32> to vector<16xi32>
    %swap3A_65 = vector.shape_cast %add3A_62 : vector<16xi32> to vector<16xi32>
    tpu.vector_store %arg10[%swap3A], %swap3A_65 {strides = array<i32>} : memref<64xi32, #tpu.memory_space<vmem>>, vector<16xi32>,
    %add3A_66 = arith.constant 8 : i32
    %add3A_67 = vector.broadcast %add3A_66 : i32 to vector<16xi32>
    %add3A_68 = arith.addi %add3A_62, %add3A_67 : vector<16xi32>
    %swap3A_69 = arith.constant 32 : index
    %swap3A_70 = tpu.vector_load %arg10[%swap3A_69] {strides = array<i32>} : memref<64xi32, #tpu.memory_space<vmem>>, vector<16xi32>,
    %swap3A_71 = vector.shape_cast %swap3A_70 : vector<16xi32> to vector<16xi32>
    %swap3A_72 = vector.shape_cast %add3A_68 : vector<16xi32> to vector<16xi32>
    tpu.vector_store %arg10[%swap3A_69], %swap3A_72 {strides = array<i32>} : memref<64xi32, #tpu.memory_space<vmem>>, vector<16xi32>,
    %convert_element_type3A_73 = arith.sitofp %convert_element_type3A_33 : vector<16xi32> to vector<16xf32>
    %convert_element_type3A_74 = arith.sitofp %convert_element_type3A_37 : vector<16xi32> to vector<16xf32>
    %mul3A_75 = arith.constant 1.600000e+01 : f32
    %mul3A_76 = vector.broadcast %mul3A_75 : f32 to vector<16xf32>
    %mul3A_77 = arith.mulf %convert_element_type3A_73, %mul3A_76 : vector<16xf32>
    %sub3A = arith.subf %add3A_23, %mul3A_77 : vector<16xf32>
    %div3A_78 = arith.constant 1.600000e+01 : f32
    %div3A_79 = vector.broadcast %div3A_78 : f32 to vector<16xf32>
    %div3A_80 = arith.divf %sub3A, %div3A_79 : vector<16xf32>
    %mul3A_81 = arith.constant 1.600000e+01 : f32
    %mul3A_82 = vector.broadcast %mul3A_81 : f32 to vector<16xf32>
    %mul3A_83 = arith.mulf %convert_element_type3A_74, %mul3A_82 : vector<16xf32>
    %sub3A_84 = arith.subf %add3A_29, %mul3A_83 : vector<16xf32>
    %div3A_85 = arith.constant 1.600000e+01 : f32
    %div3A_86 = vector.broadcast %div3A_85 : f32 to vector<16xf32>
    %div3A_87 = arith.divf %sub3A_84, %div3A_86 : vector<16xf32>
    %div3A_88 = arith.constant 5.120000e+02 : f32
    %div3A_89 = vector.broadcast %div3A_88 : f32 to vector<16xf32>
    %div3A_90 = arith.divf %get3A_14, %div3A_89 : vector<16xf32>
    %div3A_91 = arith.constant 5.120000e+02 : f32
    %div3A_92 = vector.broadcast %div3A_91 : f32 to vector<16xf32>
    %div3A_93 = arith.divf %get3A_19, %div3A_92 : vector<16xf32>
    %get3A_94 = arith.constant 0 : i32
    %get3A_95 = arith.index_cast %get3A_94 : i32 to index
    %get3A_96 = arith.constant 16 : index
    %get3A_97 = tpu.vector_load %arg7[%get3A_95, %get3A_96] {strides = array<i32>} : memref<4x32xf32, #tpu.memory_space<vmem>>, vector<1x16xf32>,
    %get3A_98 = vector.shape_cast %get3A_97 : vector<1x16xf32> to vector<16xf32>
    %get3A_99 = arith.constant 1 : i32
    %get3A_100 = arith.index_cast %get3A_99 : i32 to index
    %get3A_101 = arith.constant 16 : index
    %get3A_102 = tpu.vector_load %arg7[%get3A_100, %get3A_101] {strides = array<i32>} : memref<4x32xf32, #tpu.memory_space<vmem>>, vector<1x16xf32>,
    %get3A_103 = vector.shape_cast %get3A_102 : vector<1x16xf32> to vector<16xf32>
    %get3A_104 = arith.constant 2 : i32
    %get3A_105 = arith.index_cast %get3A_104 : i32 to index
    %get3A_106 = arith.constant 16 : index
    %get3A_107 = tpu.vector_load %arg7[%get3A_105, %get3A_106] {strides = array<i32>} : memref<4x32xf32, #tpu.memory_space<vmem>>, vector<1x16xf32>,
    %get3A_108 = vector.shape_cast %get3A_107 : vector<1x16xf32> to vector<16xf32>
    %get3A_109 = arith.constant 3 : i32
    %get3A_110 = arith.index_cast %get3A_109 : i32 to index
    %get3A_111 = arith.constant 16 : index
    %get3A_112 = tpu.vector_load %arg7[%get3A_110, %get3A_111] {strides = array<i32>} : memref<4x32xf32, #tpu.memory_space<vmem>>, vector<1x16xf32>,
    %get3A_113 = vector.shape_cast %get3A_112 : vector<1x16xf32> to vector<16xf32>
    %div3A_114 = arith.constant 2.000000e+00 : f32
    %div3A_115 = vector.broadcast %div3A_114 : f32 to vector<16xf32>
    %div3A_116 = arith.divf %get3A_108, %div3A_115 : vector<16xf32>
    %convert_element_type3A_117 = arith.fptosi %div3A_116 : vector<16xf32> to vector<16xi32>
    %convert_element_type3A_118 = arith.sitofp %convert_element_type3A_117 : vector<16xi32> to vector<16xf32>
    %add3A_119 = arith.addf %get3A_98, %convert_element_type3A_118 : vector<16xf32>
    %div3A_120 = arith.constant 2.000000e+00 : f32
    %div3A_121 = vector.broadcast %div3A_120 : f32 to vector<16xf32>
    %div3A_122 = arith.divf %get3A_113, %div3A_121 : vector<16xf32>
    %convert_element_type3A_123 = arith.fptosi %div3A_122 : vector<16xf32> to vector<16xi32>
    %convert_element_type3A_124 = arith.sitofp %convert_element_type3A_123 : vector<16xi32> to vector<16xf32>
    %add3A_125 = arith.addf %get3A_103, %convert_element_type3A_124 : vector<16xf32>
    %div3A_126 = arith.constant 1.600000e+01 : f32
    %div3A_127 = vector.broadcast %div3A_126 : f32 to vector<16xf32>
    %div3A_128 = arith.divf %add3A_119, %div3A_127 : vector<16xf32>
    %convert_element_type3A_129 = arith.fptosi %div3A_128 : vector<16xf32> to vector<16xi32>
    %div3A_130 = arith.constant 1.600000e+01 : f32
    %div3A_131 = vector.broadcast %div3A_130 : f32 to vector<16xf32>
    %div3A_132 = arith.divf %add3A_125, %div3A_131 : vector<16xf32>
    %convert_element_type3A_133 = arith.fptosi %div3A_132 : vector<16xf32> to vector<16xi32>
    %mul3A_134 = arith.constant 32 : i32
    %mul3A_135 = arith.muli %add3A, %mul3A_134 : i32
    %add3A_136 = arith.constant 16 : i32
    %add3A_137 = arith.addi %mul3A_135, %add3A_136 : i32
    %add3A_138 = vector.broadcast %add3A_137 : i32 to vector<16xi32>
    %add3A_139 = arith.addi %add3A_138, %iota3A : vector<16xi32>
    %shift_right_logical3A_140 = arith.constant 3 : i32
    %shift_right_logical3A_141 = vector.broadcast %shift_right_logical3A_140 : i32 to vector<16xi32>
    %shift_right_logical3A_142 = arith.shrui %add3A_139, %shift_right_logical3A_141 : vector<16xi32>
    %mul3A_143 = arith.constant 32 : i32
    %mul3A_144 = vector.broadcast %mul3A_143 : i32 to vector<16xi32>
    %mul3A_145 = arith.muli %shift_right_logical3A_142, %mul3A_144 : vector<16xi32>
    %add3A_146 = arith.addi %mul3A_145, %convert_element_type3A_133 : vector<16xi32>
    %mul3A_147 = arith.constant 64 : i32
    %mul3A_148 = vector.broadcast %mul3A_147 : i32 to vector<16xi32>
    %mul3A_149 = arith.muli %add3A_146, %mul3A_148 : vector<16xi32>
    %shift_right_logical3A_150 = arith.constant 3 : i32
    %shift_right_logical3A_151 = vector.broadcast %shift_right_logical3A_150 : i32 to vector<16xi32>
    %shift_right_logical3A_152 = arith.shrui %convert_element_type3A_129, %shift_right_logical3A_151 : vector<16xi32>
    %mul3A_153 = arith.constant 16 : i32
    %mul3A_154 = vector.broadcast %mul3A_153 : i32 to vector<16xi32>
    %mul3A_155 = arith.muli %shift_right_logical3A_152, %mul3A_154 : vector<16xi32>
    %add3A_156 = arith.addi %mul3A_149, %mul3A_155 : vector<16xi32>
    %and3A_157 = arith.constant 7 : i32
    %and3A_158 = vector.broadcast %and3A_157 : i32 to vector<16xi32>
    %and3A_159 = arith.andi %convert_element_type3A_129, %and3A_158 : vector<16xi32>
    %add3A_160 = arith.addi %add3A_156, %and3A_159 : vector<16xi32>
    %swap3A_161 = arith.constant 16 : index
    %swap3A_162 = tpu.vector_load %arg10[%swap3A_161] {strides = array<i32>} : memref<64xi32, #tpu.memory_space<vmem>>, vector<16xi32>,
    %swap3A_163 = vector.shape_cast %swap3A_162 : vector<16xi32> to vector<16xi32>
    %swap3A_164 = vector.shape_cast %add3A_160 : vector<16xi32> to vector<16xi32>
    tpu.vector_store %arg10[%swap3A_161], %swap3A_164 {strides = array<i32>} : memref<64xi32, #tpu.memory_space<vmem>>, vector<16xi32>,
    %add3A_165 = arith.constant 8 : i32
    %add3A_166 = vector.broadcast %add3A_165 : i32 to vector<16xi32>
    %add3A_167 = arith.addi %add3A_160, %add3A_166 : vector<16xi32>
    %swap3A_168 = arith.constant 48 : index
    %swap3A_169 = tpu.vector_load %arg10[%swap3A_168] {strides = array<i32>} : memref<64xi32, #tpu.memory_space<vmem>>, vector<16xi32>,
    %swap3A_170 = vector.shape_cast %swap3A_169 : vector<16xi32> to vector<16xi32>
    %swap3A_171 = vector.shape_cast %add3A_167 : vector<16xi32> to vector<16xi32>
    tpu.vector_store %arg10[%swap3A_168], %swap3A_171 {strides = array<i32>} : memref<64xi32, #tpu.memory_space<vmem>>, vector<16xi32>,
    %convert_element_type3A_172 = arith.sitofp %convert_element_type3A_129 : vector<16xi32> to vector<16xf32>
    %convert_element_type3A_173 = arith.sitofp %convert_element_type3A_133 : vector<16xi32> to vector<16xf32>
    %mul3A_174 = arith.constant 1.600000e+01 : f32
    %mul3A_175 = vector.broadcast %mul3A_174 : f32 to vector<16xf32>
    %mul3A_176 = arith.mulf %convert_element_type3A_172, %mul3A_175 : vector<16xf32>
    %sub3A_177 = arith.subf %add3A_119, %mul3A_176 : vector<16xf32>
    %div3A_178 = arith.constant 1.600000e+01 : f32
    %div3A_179 = vector.broadcast %div3A_178 : f32 to vector<16xf32>
    %div3A_180 = arith.divf %sub3A_177, %div3A_179 : vector<16xf32>
    %mul3A_181 = arith.constant 1.600000e+01 : f32
    %mul3A_182 = vector.broadcast %mul3A_181 : f32 to vector<16xf32>
    %mul3A_183 = arith.mulf %convert_element_type3A_173, %mul3A_182 : vector<16xf32>
    %sub3A_184 = arith.subf %add3A_125, %mul3A_183 : vector<16xf32>
    %div3A_185 = arith.constant 1.600000e+01 : f32
    %div3A_186 = vector.broadcast %div3A_185 : f32 to vector<16xf32>
    %div3A_187 = arith.divf %sub3A_184, %div3A_186 : vector<16xf32>
    %div3A_188 = arith.constant 5.120000e+02 : f32
    %div3A_189 = vector.broadcast %div3A_188 : f32 to vector<16xf32>
    %div3A_190 = arith.divf %get3A_108, %div3A_189 : vector<16xf32>
    %div3A_191 = arith.constant 5.120000e+02 : f32
    %div3A_192 = vector.broadcast %div3A_191 : f32 to vector<16xf32>
    %div3A_193 = arith.divf %get3A_113, %div3A_192 : vector<16xf32>
    %dma_start3A = arith.constant 0 : i32
    %dma_start3A_194 = arith.constant 0 : i32
    %dma_start3A_195 = tpu.memref_slice %arg11[%dma_start3A, %dma_start3A_194] : memref<64x128xf32, #tpu.memory_space<vmem>> -> memref<16x128xf32, #tpu.memory_space<vmem>>
    %dma_start3A_196 = arith.constant 0 : i32
    %dma_start3A_197 = tpu.memref_slice %arg10[%dma_start3A_196] : memref<64xi32, #tpu.memory_space<vmem>> -> memref<16xi32, #tpu.memory_space<vmem>>
    %dma_start3A_198 = arith.constant 0 : i32
    %dma_start3A_199 = arith.constant 0 : i32
    %dma_start3A_200 = tpu.memref_slice %arg2[%dma_start3A_198, %dma_start3A_199] : memref<262144x128xf32, #tpu.memory_space<hbm>> -> memref<262144x128xf32, #tpu.memory_space<hbm>>
    tpu.enqueue_indirect_dma source(%dma_start3A_200 : memref<262144x128xf32, #tpu.memory_space<hbm>>) target(%dma_start3A_195 : memref<16x128xf32, #tpu.memory_space<vmem>>) offsets(%dma_start3A_197 : memref<16xi32, #tpu.memory_space<vmem>>) semaphore(%arg13 : memref<!tpu.dma_semaphore, #tpu.memory_space<semaphore_mem>>)
    %dma_start3A_201 = arith.constant 16 : i32
    %dma_start3A_202 = arith.constant 0 : i32
    %dma_start3A_203 = tpu.memref_slice %arg11[%dma_start3A_201, %dma_start3A_202] : memref<64x128xf32, #tpu.memory_space<vmem>> -> memref<16x128xf32, #tpu.memory_space<vmem>>
    %dma_start3A_204 = arith.constant 16 : i32
    %dma_start3A_205 = tpu.memref_slice %arg10[%dma_start3A_204] : memref<64xi32, #tpu.memory_space<vmem>> -> memref<16xi32, #tpu.memory_space<vmem>>
    %dma_start3A_206 = arith.constant 0 : i32
    %dma_start3A_207 = arith.constant 0 : i32
    %dma_start3A_208 = tpu.memref_slice %arg2[%dma_start3A_206, %dma_start3A_207] : memref<262144x128xf32, #tpu.memory_space<hbm>> -> memref<262144x128xf32, #tpu.memory_space<hbm>>
    tpu.enqueue_indirect_dma source(%dma_start3A_208 : memref<262144x128xf32, #tpu.memory_space<hbm>>) target(%dma_start3A_203 : memref<16x128xf32, #tpu.memory_space<vmem>>) offsets(%dma_start3A_205 : memref<16xi32, #tpu.memory_space<vmem>>) semaphore(%arg14 : memref<!tpu.dma_semaphore, #tpu.memory_space<semaphore_mem>>)
    %dma_start3A_209 = arith.constant 32 : i32
    %dma_start3A_210 = arith.constant 0 : i32
    %dma_start3A_211 = tpu.memref_slice %arg11[%dma_start3A_209, %dma_start3A_210] : memref<64x128xf32, #tpu.memory_space<vmem>> -> memref<16x128xf32, #tpu.memory_space<vmem>>
    %dma_start3A_212 = arith.constant 32 : i32
    %dma_start3A_213 = tpu.memref_slice %arg10[%dma_start3A_212] : memref<64xi32, #tpu.memory_space<vmem>> -> memref<16xi32, #tpu.memory_space<vmem>>
    %dma_start3A_214 = arith.constant 0 : i32
    %dma_start3A_215 = arith.constant 0 : i32
    %dma_start3A_216 = tpu.memref_slice %arg2[%dma_start3A_214, %dma_start3A_215] : memref<262144x128xf32, #tpu.memory_space<hbm>> -> memref<262144x128xf32, #tpu.memory_space<hbm>>
    tpu.enqueue_indirect_dma source(%dma_start3A_216 : memref<262144x128xf32, #tpu.memory_space<hbm>>) target(%dma_start3A_211 : memref<16x128xf32, #tpu.memory_space<vmem>>) offsets(%dma_start3A_213 : memref<16xi32, #tpu.memory_space<vmem>>) semaphore(%arg15 : memref<!tpu.dma_semaphore, #tpu.memory_space<semaphore_mem>>)
    %dma_start3A_217 = arith.constant 48 : i32
    %dma_start3A_218 = arith.constant 0 : i32
    %dma_start3A_219 = tpu.memref_slice %arg11[%dma_start3A_217, %dma_start3A_218] : memref<64x128xf32, #tpu.memory_space<vmem>> -> memref<16x128xf32, #tpu.memory_space<vmem>>
    %dma_start3A_220 = arith.constant 48 : i32
    %dma_start3A_221 = tpu.memref_slice %arg10[%dma_start3A_220] : memref<64xi32, #tpu.memory_space<vmem>> -> memref<16xi32, #tpu.memory_space<vmem>>
    %dma_start3A_222 = arith.constant 0 : i32
    %dma_start3A_223 = arith.constant 0 : i32
    %dma_start3A_224 = tpu.memref_slice %arg2[%dma_start3A_222, %dma_start3A_223] : memref<262144x128xf32, #tpu.memory_space<hbm>> -> memref<262144x128xf32, #tpu.memory_space<hbm>>
    tpu.enqueue_indirect_dma source(%dma_start3A_224 : memref<262144x128xf32, #tpu.memory_space<hbm>>) target(%dma_start3A_219 : memref<16x128xf32, #tpu.memory_space<vmem>>) offsets(%dma_start3A_221 : memref<16xi32, #tpu.memory_space<vmem>>) semaphore(%arg16 : memref<!tpu.dma_semaphore, #tpu.memory_space<semaphore_mem>>)
    tpu.wait_dma2 semaphore(%arg17 : memref<!tpu.dma_semaphore, #tpu.memory_space<semaphore_mem>>) src(%arg4 : memref<4x256xf32, #tpu.memory_space<hbm>>) dst(%arg8 : memref<4x256xf32, #tpu.memory_space<vmem>>)
    tpu.wait_dma2 semaphore(%arg17 : memref<!tpu.dma_semaphore, #tpu.memory_space<semaphore_mem>>) src(%arg5 : memref<1x256xf32, #tpu.memory_space<hbm>>) dst(%arg9 : memref<1x256xf32, #tpu.memory_space<vmem>>)
    %get3A_225 = arith.constant 0 : i32
    %get3A_226 = arith.index_cast %get3A_225 : i32 to index
    %get3A_227 = arith.constant 0 : index
    %get3A_228 = tpu.vector_load %arg8[%get3A_226, %get3A_227] {strides = array<i32>} : memref<4x256xf32, #tpu.memory_space<vmem>>, vector<1x16xf32>,
    %get3A_229 = vector.shape_cast %get3A_228 : vector<1x16xf32> to vector<16xf32>
    %get3A_230 = arith.constant 0 : i32
    %get3A_231 = arith.index_cast %get3A_230 : i32 to index
    %get3A_232 = arith.constant 16 : index
    %get3A_233 = tpu.vector_load %arg8[%get3A_231, %get3A_232] {strides = array<i32>} : memref<4x256xf32, #tpu.memory_space<vmem>>, vector<1x16xf32>,
    %get3A_234 = vector.shape_cast %get3A_233 : vector<1x16xf32> to vector<16xf32>
    %get3A_235 = arith.constant 0 : i32
    %get3A_236 = arith.index_cast %get3A_235 : i32 to index
    %get3A_237 = arith.constant 32 : index
    %get3A_238 = tpu.vector_load %arg8[%get3A_236, %get3A_237] {strides = array<i32>} : memref<4x256xf32, #tpu.memory_space<vmem>>, vector<1x16xf32>,
    %get3A_239 = vector.shape_cast %get3A_238 : vector<1x16xf32> to vector<16xf32>
    %get3A_240 = arith.constant 0 : i32
    %get3A_241 = arith.index_cast %get3A_240 : i32 to index
    %get3A_242 = arith.constant 48 : index
    %get3A_243 = tpu.vector_load %arg8[%get3A_241, %get3A_242] {strides = array<i32>} : memref<4x256xf32, #tpu.memory_space<vmem>>, vector<1x16xf32>,
    %get3A_244 = vector.shape_cast %get3A_243 : vector<1x16xf32> to vector<16xf32>
    %get3A_245 = arith.constant 1 : i32
    %get3A_246 = arith.index_cast %get3A_245 : i32 to index
    %get3A_247 = arith.constant 0 : index
    %get3A_248 = tpu.vector_load %arg8[%get3A_246, %get3A_247] {strides = array<i32>} : memref<4x256xf32, #tpu.memory_space<vmem>>, vector<1x16xf32>,
    %get3A_249 = vector.shape_cast %get3A_248 : vector<1x16xf32> to vector<16xf32>
    %get3A_250 = arith.constant 1 : i32
    %get3A_251 = arith.index_cast %get3A_250 : i32 to index
    %get3A_252 = arith.constant 16 : index
    %get3A_253 = tpu.vector_load %arg8[%get3A_251, %get3A_252] {strides = array<i32>} : memref<4x256xf32, #tpu.memory_space<vmem>>, vector<1x16xf32>,
    %get3A_254 = vector.shape_cast %get3A_253 : vector<1x16xf32> to vector<16xf32>
    %get3A_255 = arith.constant 1 : i32
    %get3A_256 = arith.index_cast %get3A_255 : i32 to index
    %get3A_257 = arith.constant 32 : index
    %get3A_258 = tpu.vector_load %arg8[%get3A_256, %get3A_257] {strides = array<i32>} : memref<4x256xf32, #tpu.memory_space<vmem>>, vector<1x16xf32>,
    %get3A_259 = vector.shape_cast %get3A_258 : vector<1x16xf32> to vector<16xf32>
    %get3A_260 = arith.constant 1 : i32
    %get3A_261 = arith.index_cast %get3A_260 : i32 to index
    %get3A_262 = arith.constant 48 : index
    %get3A_263 = tpu.vector_load %arg8[%get3A_261, %get3A_262] {strides = array<i32>} : memref<4x256xf32, #tpu.memory_space<vmem>>, vector<1x16xf32>,
    %get3A_264 = vector.shape_cast %get3A_263 : vector<1x16xf32> to vector<16xf32>
    %get3A_265 = arith.constant 2 : i32
    %get3A_266 = arith.index_cast %get3A_265 : i32 to index
    %get3A_267 = arith.constant 0 : index
    %get3A_268 = tpu.vector_load %arg8[%get3A_266, %get3A_267] {strides = array<i32>} : memref<4x256xf32, #tpu.memory_space<vmem>>, vector<1x16xf32>,
    %get3A_269 = vector.shape_cast %get3A_268 : vector<1x16xf32> to vector<16xf32>
    %get3A_270 = arith.constant 2 : i32
    %get3A_271 = arith.index_cast %get3A_270 : i32 to index
    %get3A_272 = arith.constant 16 : index
    %get3A_273 = tpu.vector_load %arg8[%get3A_271, %get3A_272] {strides = array<i32>} : memref<4x256xf32, #tpu.memory_space<vmem>>, vector<1x16xf32>,
    %get3A_274 = vector.shape_cast %get3A_273 : vector<1x16xf32> to vector<16xf32>
    %get3A_275 = arith.constant 2 : i32
    %get3A_276 = arith.index_cast %get3A_275 : i32 to index
    %get3A_277 = arith.constant 32 : index
    %get3A_278 = tpu.vector_load %arg8[%get3A_276, %get3A_277] {strides = array<i32>} : memref<4x256xf32, #tpu.memory_space<vmem>>, vector<1x16xf32>,
    %get3A_279 = vector.shape_cast %get3A_278 : vector<1x16xf32> to vector<16xf32>
    %get3A_280 = arith.constant 2 : i32
    %get3A_281 = arith.index_cast %get3A_280 : i32 to index
    %get3A_282 = arith.constant 48 : index
    %get3A_283 = tpu.vector_load %arg8[%get3A_281, %get3A_282] {strides = array<i32>} : memref<4x256xf32, #tpu.memory_space<vmem>>, vector<1x16xf32>,
    %get3A_284 = vector.shape_cast %get3A_283 : vector<1x16xf32> to vector<16xf32>
    %get3A_285 = arith.constant 3 : i32
    %get3A_286 = arith.index_cast %get3A_285 : i32 to index
    %get3A_287 = arith.constant 0 : index
    %get3A_288 = tpu.vector_load %arg8[%get3A_286, %get3A_287] {strides = array<i32>} : memref<4x256xf32, #tpu.memory_space<vmem>>, vector<1x16xf32>,
    %get3A_289 = vector.shape_cast %get3A_288 : vector<1x16xf32> to vector<16xf32>
    %get3A_290 = arith.constant 3 : i32
    %get3A_291 = arith.index_cast %get3A_290 : i32 to index
    %get3A_292 = arith.constant 16 : index
    %get3A_293 = tpu.vector_load %arg8[%get3A_291, %get3A_292] {strides = array<i32>} : memref<4x256xf32, #tpu.memory_space<vmem>>, vector<1x16xf32>,
    %get3A_294 = vector.shape_cast %get3A_293 : vector<1x16xf32> to vector<16xf32>
    %get3A_295 = arith.constant 3 : i32
    %get3A_296 = arith.index_cast %get3A_295 : i32 to index
    %get3A_297 = arith.constant 32 : index
    %get3A_298 = tpu.vector_load %arg8[%get3A_296, %get3A_297] {strides = array<i32>} : memref<4x256xf32, #tpu.memory_space<vmem>>, vector<1x16xf32>,
    %get3A_299 = vector.shape_cast %get3A_298 : vector<1x16xf32> to vector<16xf32>
    %get3A_300 = arith.constant 3 : i32
    %get3A_301 = arith.index_cast %get3A_300 : i32 to index
    %get3A_302 = arith.constant 48 : index
    %get3A_303 = tpu.vector_load %arg8[%get3A_301, %get3A_302] {strides = array<i32>} : memref<4x256xf32, #tpu.memory_space<vmem>>, vector<1x16xf32>,
    %get3A_304 = vector.shape_cast %get3A_303 : vector<1x16xf32> to vector<16xf32>
    %get3A_305 = arith.constant 0 : i32
    %get3A_306 = arith.index_cast %get3A_305 : i32 to index
    %get3A_307 = arith.constant 0 : index
    %get3A_308 = tpu.vector_load %arg9[%get3A_306, %get3A_307] {strides = array<i32>} : memref<1x256xf32, #tpu.memory_space<vmem>>, vector<1x16xf32>,
    %get3A_309 = vector.shape_cast %get3A_308 : vector<1x16xf32> to vector<16xf32>
    %get3A_310 = arith.constant 0 : i32
    %get3A_311 = arith.index_cast %get3A_310 : i32 to index
    %get3A_312 = arith.constant 16 : index
    %get3A_313 = tpu.vector_load %arg9[%get3A_311, %get3A_312] {strides = array<i32>} : memref<1x256xf32, #tpu.memory_space<vmem>>, vector<1x16xf32>,
    %get3A_314 = vector.shape_cast %get3A_313 : vector<1x16xf32> to vector<16xf32>
    %get3A_315 = arith.constant 0 : i32
    %get3A_316 = arith.index_cast %get3A_315 : i32 to index
    %get3A_317 = arith.constant 32 : index
    %get3A_318 = tpu.vector_load %arg9[%get3A_316, %get3A_317] {strides = array<i32>} : memref<1x256xf32, #tpu.memory_space<vmem>>, vector<1x16xf32>,
    %get3A_319 = vector.shape_cast %get3A_318 : vector<1x16xf32> to vector<16xf32>
    %get3A_320 = arith.constant 0 : i32
    %get3A_321 = arith.index_cast %get3A_320 : i32 to index
    %get3A_322 = arith.constant 48 : index
    %get3A_323 = tpu.vector_load %arg9[%get3A_321, %get3A_322] {strides = array<i32>} : memref<1x256xf32, #tpu.memory_space<vmem>>, vector<1x16xf32>,
    %get3A_324 = vector.shape_cast %get3A_323 : vector<1x16xf32> to vector<16xf32>
    %dma_wait3A = arith.constant 0 : i32
    %dma_wait3A_325 = arith.constant 0 : i32
    %dma_wait3A_326 = tpu.memref_slice %arg11[%dma_wait3A, %dma_wait3A_325] : memref<64x128xf32, #tpu.memory_space<vmem>> -> memref<16x128xf32, #tpu.memory_space<vmem>>
    %dma_wait3A_327 = arith.constant 0 : i32
    %dma_wait3A_328 = tpu.memref_slice %arg10[%dma_wait3A_327] : memref<64xi32, #tpu.memory_space<vmem>> -> memref<16xi32, #tpu.memory_space<vmem>>
    %dma_wait3A_329 = arith.constant 0 : i32
    %dma_wait3A_330 = arith.constant 0 : i32
    %dma_wait3A_331 = tpu.memref_slice %arg2[%dma_wait3A_329, %dma_wait3A_330] : memref<262144x128xf32, #tpu.memory_space<hbm>> -> memref<262144x128xf32, #tpu.memory_space<hbm>>
    tpu.wait_indirect_dma semaphore(%arg13 : memref<!tpu.dma_semaphore, #tpu.memory_space<semaphore_mem>>) src(%dma_wait3A_331 : memref<262144x128xf32, #tpu.memory_space<hbm>>) dst(%dma_wait3A_326 : memref<16x128xf32, #tpu.memory_space<vmem>>)
    %scan3A = arith.constant 0 : i32
    %scan3A_332 = arith.constant 0 : i32
    %scan3A_333 = arith.constant 16 : i32
    %scan3A_334 = arith.addi %scan3A_332, %scan3A_333 : i32
    %scan3A_335 = arith.constant 1 : i32
    %scan3A_336 = scf.for %scan3A_713 = %scan3A_332 to %scan3A_334 step %scan3A_335 iter_args(%scan3A_714 = %scan3A) -> (i32)  : i32 {
      %add3A_715 = arith.constant 0 : i32
      %add3A_716 = arith.addi %add3A_715, %scan3A_713 : i32
      %broadcast_in_dim3A = vector.broadcast %scan3A_713 : i32 to vector<16x1xi32>
      %gather3A = vector.shape_cast %broadcast_in_dim3A : vector<16x1xi32> to vector<16xi32>
      %gather3A_717 = tpu.dynamic_gather %div3A_80[%gather3A] in [0] : vector<16xf32>, vector<16xi32> -> vector<16xf32>
      %broadcast_in_dim3A_718 = vector.broadcast %scan3A_713 : i32 to vector<16x1xi32>
      %gather3A_719 = vector.shape_cast %broadcast_in_dim3A_718 : vector<16x1xi32> to vector<16xi32>
      %gather3A_720 = tpu.dynamic_gather %div3A_87[%gather3A_719] in [0] : vector<16xf32>, vector<16xi32> -> vector<16xf32>
      %broadcast_in_dim3A_721 = vector.broadcast %scan3A_713 : i32 to vector<16x1xi32>
      %gather3A_722 = vector.shape_cast %broadcast_in_dim3A_721 : vector<16x1xi32> to vector<16xi32>
      %gather3A_723 = tpu.dynamic_gather %div3A_90[%gather3A_722] in [0] : vector<16xf32>, vector<16xi32> -> vector<16xf32>
      %broadcast_in_dim3A_724 = vector.broadcast %scan3A_713 : i32 to vector<16x1xi32>
      %gather3A_725 = vector.shape_cast %broadcast_in_dim3A_724 : vector<16x1xi32> to vector<16xi32>
      %gather3A_726 = tpu.dynamic_gather %div3A_93[%gather3A_725] in [0] : vector<16xf32>, vector<16xi32> -> vector<16xf32>
      %add3A_727 = arith.constant 0 : i32
      %add3A_728 = arith.addi %add3A_727, %add3A_716 : i32
      %shift_right_logical3A_729 = arith.constant 3 : i32
      %shift_right_logical3A_730 = arith.shrui %add3A_716, %shift_right_logical3A_729 : i32
      %mul3A_731 = arith.constant 16 : i32
      %mul3A_732 = arith.muli %shift_right_logical3A_730, %mul3A_731 : i32
      %add3A_733 = arith.constant 0 : i32
      %add3A_734 = arith.addi %mul3A_732, %add3A_733 : i32
      %and3A_735 = arith.constant 7 : i32
      %and3A_736 = arith.andi %add3A_716, %and3A_735 : i32
      %add3A_737 = arith.addi %add3A_734, %and3A_736 : i32
      %mul3A_738 = arith.constant 128 : i32
      %mul3A_739 = arith.muli %add3A_737, %mul3A_738 : i32
      %add3A_740 = arith.constant 0 : i32
      %add3A_741 = arith.addi %mul3A_739, %add3A_740 : i32
      %get3A_742 = arith.index_cast %add3A_728 : i32 to index
      %get3A_743 = arith.constant 0 : index
      %get3A_744 = tpu.vector_load %arg11[%get3A_742, %get3A_743] {strides = array<i32>} : memref<64x128xf32, #tpu.memory_space<vmem>>, vector<1x16xf32>,
      %get3A_745 = vector.shape_cast %get3A_744 : vector<1x16xf32> to vector<16xf32>
      %add3A_746 = arith.addf %get3A_745, %get3A_309 : vector<16xf32>
      %mul3A_747 = arith.mulf %gather3A_717, %get3A_229 : vector<16xf32>
      %mul3A_748 = arith.mulf %gather3A_720, %get3A_249 : vector<16xf32>
      %add3A_749 = arith.addf %mul3A_747, %mul3A_748 : vector<16xf32>
      %mul3A_750 = arith.mulf %gather3A_723, %get3A_269 : vector<16xf32>
      %mul3A_751 = arith.mulf %gather3A_726, %get3A_289 : vector<16xf32>
      %add3A_752 = arith.addf %mul3A_750, %mul3A_751 : vector<16xf32>
      %add3A_753 = arith.addf %add3A_749, %add3A_752 : vector<16xf32>
      %add3A_754 = arith.addf %add3A_746, %add3A_753 : vector<16xf32>
      %add3A_755 = arith.constant 0 : i32
      %add3A_756 = arith.addi %add3A_741, %add3A_755 : i32
      %swap3A_757 = arith.index_cast %add3A_756 : i32 to index
      %swap3A_758 = tpu.vector_load %arg12[%swap3A_757] {strides = array<i32>} : memref<8192xf32, #tpu.memory_space<vmem>>, vector<16xf32>,
      %swap3A_759 = vector.shape_cast %swap3A_758 : vector<16xf32> to vector<16xf32>
      %swap3A_760 = vector.shape_cast %add3A_754 : vector<16xf32> to vector<16xf32>
      tpu.vector_store %arg12[%swap3A_757], %swap3A_760 {strides = array<i32>} : memref<8192xf32, #tpu.memory_space<vmem>>, vector<16xf32>,
      %get3A_761 = arith.index_cast %add3A_728 : i32 to index
      %get3A_762 = arith.constant 16 : index
      %get3A_763 = tpu.vector_load %arg11[%get3A_761, %get3A_762] {strides = array<i32>} : memref<64x128xf32, #tpu.memory_space<vmem>>, vector<1x16xf32>,
      %get3A_764 = vector.shape_cast %get3A_763 : vector<1x16xf32> to vector<16xf32>
      %add3A_765 = arith.addf %get3A_764, %get3A_314 : vector<16xf32>
      %mul3A_766 = arith.mulf %gather3A_717, %get3A_234 : vector<16xf32>
      %mul3A_767 = arith.mulf %gather3A_720, %get3A_254 : vector<16xf32>
      %add3A_768 = arith.addf %mul3A_766, %mul3A_767 : vector<16xf32>
      %mul3A_769 = arith.mulf %gather3A_723, %get3A_274 : vector<16xf32>
      %mul3A_770 = arith.mulf %gather3A_726, %get3A_294 : vector<16xf32>
      %add3A_771 = arith.addf %mul3A_769, %mul3A_770 : vector<16xf32>
      %add3A_772 = arith.addf %add3A_768, %add3A_771 : vector<16xf32>
      %add3A_773 = arith.addf %add3A_765, %add3A_772 : vector<16xf32>
      %add3A_774 = arith.constant 16 : i32
      %add3A_775 = arith.addi %add3A_741, %add3A_774 : i32
      %swap3A_776 = arith.index_cast %add3A_775 : i32 to index
      %swap3A_777 = tpu.vector_load %arg12[%swap3A_776] {strides = array<i32>} : memref<8192xf32, #tpu.memory_space<vmem>>, vector<16xf32>,
      %swap3A_778 = vector.shape_cast %swap3A_777 : vector<16xf32> to vector<16xf32>
      %swap3A_779 = vector.shape_cast %add3A_773 : vector<16xf32> to vector<16xf32>
      tpu.vector_store %arg12[%swap3A_776], %swap3A_779 {strides = array<i32>} : memref<8192xf32, #tpu.memory_space<vmem>>, vector<16xf32>,
      %get3A_780 = arith.index_cast %add3A_728 : i32 to index
      %get3A_781 = arith.constant 32 : index
      %get3A_782 = tpu.vector_load %arg11[%get3A_780, %get3A_781] {strides = array<i32>} : memref<64x128xf32, #tpu.memory_space<vmem>>, vector<1x16xf32>,
      %get3A_783 = vector.shape_cast %get3A_782 : vector<1x16xf32> to vector<16xf32>
      %add3A_784 = arith.addf %get3A_783, %get3A_319 : vector<16xf32>
      %mul3A_785 = arith.mulf %gather3A_717, %get3A_239 : vector<16xf32>
      %mul3A_786 = arith.mulf %gather3A_720, %get3A_259 : vector<16xf32>
      %add3A_787 = arith.addf %mul3A_785, %mul3A_786 : vector<16xf32>
      %mul3A_788 = arith.mulf %gather3A_723, %get3A_279 : vector<16xf32>
      %mul3A_789 = arith.mulf %gather3A_726, %get3A_299 : vector<16xf32>
      %add3A_790 = arith.addf %mul3A_788, %mul3A_789 : vector<16xf32>
      %add3A_791 = arith.addf %add3A_787, %add3A_790 : vector<16xf32>
      %add3A_792 = arith.addf %add3A_784, %add3A_791 : vector<16xf32>
      %add3A_793 = arith.constant 32 : i32
      %add3A_794 = arith.addi %add3A_741, %add3A_793 : i32
      %swap3A_795 = arith.index_cast %add3A_794 : i32 to index
      %swap3A_796 = tpu.vector_load %arg12[%swap3A_795] {strides = array<i32>} : memref<8192xf32, #tpu.memory_space<vmem>>, vector<16xf32>,
      %swap3A_797 = vector.shape_cast %swap3A_796 : vector<16xf32> to vector<16xf32>
      %swap3A_798 = vector.shape_cast %add3A_792 : vector<16xf32> to vector<16xf32>
      tpu.vector_store %arg12[%swap3A_795], %swap3A_798 {strides = array<i32>} : memref<8192xf32, #tpu.memory_space<vmem>>, vector<16xf32>,
      %get3A_799 = arith.index_cast %add3A_728 : i32 to index
      %get3A_800 = arith.constant 48 : index
      %get3A_801 = tpu.vector_load %arg11[%get3A_799, %get3A_800] {strides = array<i32>} : memref<64x128xf32, #tpu.memory_space<vmem>>, vector<1x16xf32>,
      %get3A_802 = vector.shape_cast %get3A_801 : vector<1x16xf32> to vector<16xf32>
      %add3A_803 = arith.addf %get3A_802, %get3A_324 : vector<16xf32>
      %mul3A_804 = arith.mulf %gather3A_717, %get3A_244 : vector<16xf32>
      %mul3A_805 = arith.mulf %gather3A_720, %get3A_264 : vector<16xf32>
      %add3A_806 = arith.addf %mul3A_804, %mul3A_805 : vector<16xf32>
      %mul3A_807 = arith.mulf %gather3A_723, %get3A_284 : vector<16xf32>
      %mul3A_808 = arith.mulf %gather3A_726, %get3A_304 : vector<16xf32>
      %add3A_809 = arith.addf %mul3A_807, %mul3A_808 : vector<16xf32>
      %add3A_810 = arith.addf %add3A_806, %add3A_809 : vector<16xf32>
      %add3A_811 = arith.addf %add3A_803, %add3A_810 : vector<16xf32>
      %add3A_812 = arith.constant 48 : i32
      %add3A_813 = arith.addi %add3A_741, %add3A_812 : i32
      %swap3A_814 = arith.index_cast %add3A_813 : i32 to index
      %swap3A_815 = tpu.vector_load %arg12[%swap3A_814] {strides = array<i32>} : memref<8192xf32, #tpu.memory_space<vmem>>, vector<16xf32>,
      %swap3A_816 = vector.shape_cast %swap3A_815 : vector<16xf32> to vector<16xf32>
      %swap3A_817 = vector.shape_cast %add3A_811 : vector<16xf32> to vector<16xf32>
      tpu.vector_store %arg12[%swap3A_814], %swap3A_817 {strides = array<i32>} : memref<8192xf32, #tpu.memory_space<vmem>>, vector<16xf32>,
      %scan3A_818 = arith.constant 0 : i32
      scf.yield %scan3A_818 : i32
    }
    %scan3A_337 = arith.constant 16 : i32
    %dma_wait3A_338 = arith.constant 16 : i32
    %dma_wait3A_339 = arith.constant 0 : i32
    %dma_wait3A_340 = tpu.memref_slice %arg11[%dma_wait3A_338, %dma_wait3A_339] : memref<64x128xf32, #tpu.memory_space<vmem>> -> memref<16x128xf32, #tpu.memory_space<vmem>>
    %dma_wait3A_341 = arith.constant 16 : i32
    %dma_wait3A_342 = tpu.memref_slice %arg10[%dma_wait3A_341] : memref<64xi32, #tpu.memory_space<vmem>> -> memref<16xi32, #tpu.memory_space<vmem>>
    %dma_wait3A_343 = arith.constant 0 : i32
    %dma_wait3A_344 = arith.constant 0 : i32
    %dma_wait3A_345 = tpu.memref_slice %arg2[%dma_wait3A_343, %dma_wait3A_344] : memref<262144x128xf32, #tpu.memory_space<hbm>> -> memref<262144x128xf32, #tpu.memory_space<hbm>>
    tpu.wait_indirect_dma semaphore(%arg14 : memref<!tpu.dma_semaphore, #tpu.memory_space<semaphore_mem>>) src(%dma_wait3A_345 : memref<262144x128xf32, #tpu.memory_space<hbm>>) dst(%dma_wait3A_340 : memref<16x128xf32, #tpu.memory_space<vmem>>)
    %scan3A_346 = arith.constant 0 : i32
    %scan3A_347 = arith.constant 0 : i32
    %scan3A_348 = arith.constant 16 : i32
    %scan3A_349 = arith.addi %scan3A_347, %scan3A_348 : i32
    %scan3A_350 = arith.constant 1 : i32
    %scan3A_351 = scf.for %scan3A_713 = %scan3A_347 to %scan3A_349 step %scan3A_350 iter_args(%scan3A_714 = %scan3A_346) -> (i32)  : i32 {
      %add3A_715 = arith.constant 16 : i32
      %add3A_716 = arith.addi %add3A_715, %scan3A_713 : i32
      %broadcast_in_dim3A = vector.broadcast %scan3A_713 : i32 to vector<16x1xi32>
      %gather3A = vector.shape_cast %broadcast_in_dim3A : vector<16x1xi32> to vector<16xi32>
      %gather3A_717 = tpu.dynamic_gather %div3A_180[%gather3A] in [0] : vector<16xf32>, vector<16xi32> -> vector<16xf32>
      %broadcast_in_dim3A_718 = vector.broadcast %scan3A_713 : i32 to vector<16x1xi32>
      %gather3A_719 = vector.shape_cast %broadcast_in_dim3A_718 : vector<16x1xi32> to vector<16xi32>
      %gather3A_720 = tpu.dynamic_gather %div3A_187[%gather3A_719] in [0] : vector<16xf32>, vector<16xi32> -> vector<16xf32>
      %broadcast_in_dim3A_721 = vector.broadcast %scan3A_713 : i32 to vector<16x1xi32>
      %gather3A_722 = vector.shape_cast %broadcast_in_dim3A_721 : vector<16x1xi32> to vector<16xi32>
      %gather3A_723 = tpu.dynamic_gather %div3A_190[%gather3A_722] in [0] : vector<16xf32>, vector<16xi32> -> vector<16xf32>
      %broadcast_in_dim3A_724 = vector.broadcast %scan3A_713 : i32 to vector<16x1xi32>
      %gather3A_725 = vector.shape_cast %broadcast_in_dim3A_724 : vector<16x1xi32> to vector<16xi32>
      %gather3A_726 = tpu.dynamic_gather %div3A_193[%gather3A_725] in [0] : vector<16xf32>, vector<16xi32> -> vector<16xf32>
      %add3A_727 = arith.constant 0 : i32
      %add3A_728 = arith.addi %add3A_727, %add3A_716 : i32
      %shift_right_logical3A_729 = arith.constant 3 : i32
      %shift_right_logical3A_730 = arith.shrui %add3A_716, %shift_right_logical3A_729 : i32
      %mul3A_731 = arith.constant 16 : i32
      %mul3A_732 = arith.muli %shift_right_logical3A_730, %mul3A_731 : i32
      %add3A_733 = arith.constant 0 : i32
      %add3A_734 = arith.addi %mul3A_732, %add3A_733 : i32
      %and3A_735 = arith.constant 7 : i32
      %and3A_736 = arith.andi %add3A_716, %and3A_735 : i32
      %add3A_737 = arith.addi %add3A_734, %and3A_736 : i32
      %mul3A_738 = arith.constant 128 : i32
      %mul3A_739 = arith.muli %add3A_737, %mul3A_738 : i32
      %add3A_740 = arith.constant 0 : i32
      %add3A_741 = arith.addi %mul3A_739, %add3A_740 : i32
      %get3A_742 = arith.index_cast %add3A_728 : i32 to index
      %get3A_743 = arith.constant 0 : index
      %get3A_744 = tpu.vector_load %arg11[%get3A_742, %get3A_743] {strides = array<i32>} : memref<64x128xf32, #tpu.memory_space<vmem>>, vector<1x16xf32>,
      %get3A_745 = vector.shape_cast %get3A_744 : vector<1x16xf32> to vector<16xf32>
      %add3A_746 = arith.addf %get3A_745, %get3A_309 : vector<16xf32>
      %mul3A_747 = arith.mulf %gather3A_717, %get3A_229 : vector<16xf32>
      %mul3A_748 = arith.mulf %gather3A_720, %get3A_249 : vector<16xf32>
      %add3A_749 = arith.addf %mul3A_747, %mul3A_748 : vector<16xf32>
      %mul3A_750 = arith.mulf %gather3A_723, %get3A_269 : vector<16xf32>
      %mul3A_751 = arith.mulf %gather3A_726, %get3A_289 : vector<16xf32>
      %add3A_752 = arith.addf %mul3A_750, %mul3A_751 : vector<16xf32>
      %add3A_753 = arith.addf %add3A_749, %add3A_752 : vector<16xf32>
      %add3A_754 = arith.addf %add3A_746, %add3A_753 : vector<16xf32>
      %add3A_755 = arith.constant 0 : i32
      %add3A_756 = arith.addi %add3A_741, %add3A_755 : i32
      %swap3A_757 = arith.index_cast %add3A_756 : i32 to index
      %swap3A_758 = tpu.vector_load %arg12[%swap3A_757] {strides = array<i32>} : memref<8192xf32, #tpu.memory_space<vmem>>, vector<16xf32>,
      %swap3A_759 = vector.shape_cast %swap3A_758 : vector<16xf32> to vector<16xf32>
      %swap3A_760 = vector.shape_cast %add3A_754 : vector<16xf32> to vector<16xf32>
      tpu.vector_store %arg12[%swap3A_757], %swap3A_760 {strides = array<i32>} : memref<8192xf32, #tpu.memory_space<vmem>>, vector<16xf32>,
      %get3A_761 = arith.index_cast %add3A_728 : i32 to index
      %get3A_762 = arith.constant 16 : index
      %get3A_763 = tpu.vector_load %arg11[%get3A_761, %get3A_762] {strides = array<i32>} : memref<64x128xf32, #tpu.memory_space<vmem>>, vector<1x16xf32>,
      %get3A_764 = vector.shape_cast %get3A_763 : vector<1x16xf32> to vector<16xf32>
      %add3A_765 = arith.addf %get3A_764, %get3A_314 : vector<16xf32>
      %mul3A_766 = arith.mulf %gather3A_717, %get3A_234 : vector<16xf32>
      %mul3A_767 = arith.mulf %gather3A_720, %get3A_254 : vector<16xf32>
      %add3A_768 = arith.addf %mul3A_766, %mul3A_767 : vector<16xf32>
      %mul3A_769 = arith.mulf %gather3A_723, %get3A_274 : vector<16xf32>
      %mul3A_770 = arith.mulf %gather3A_726, %get3A_294 : vector<16xf32>
      %add3A_771 = arith.addf %mul3A_769, %mul3A_770 : vector<16xf32>
      %add3A_772 = arith.addf %add3A_768, %add3A_771 : vector<16xf32>
      %add3A_773 = arith.addf %add3A_765, %add3A_772 : vector<16xf32>
      %add3A_774 = arith.constant 16 : i32
      %add3A_775 = arith.addi %add3A_741, %add3A_774 : i32
      %swap3A_776 = arith.index_cast %add3A_775 : i32 to index
      %swap3A_777 = tpu.vector_load %arg12[%swap3A_776] {strides = array<i32>} : memref<8192xf32, #tpu.memory_space<vmem>>, vector<16xf32>,
      %swap3A_778 = vector.shape_cast %swap3A_777 : vector<16xf32> to vector<16xf32>
      %swap3A_779 = vector.shape_cast %add3A_773 : vector<16xf32> to vector<16xf32>
      tpu.vector_store %arg12[%swap3A_776], %swap3A_779 {strides = array<i32>} : memref<8192xf32, #tpu.memory_space<vmem>>, vector<16xf32>,
      %get3A_780 = arith.index_cast %add3A_728 : i32 to index
      %get3A_781 = arith.constant 32 : index
      %get3A_782 = tpu.vector_load %arg11[%get3A_780, %get3A_781] {strides = array<i32>} : memref<64x128xf32, #tpu.memory_space<vmem>>, vector<1x16xf32>,
      %get3A_783 = vector.shape_cast %get3A_782 : vector<1x16xf32> to vector<16xf32>
      %add3A_784 = arith.addf %get3A_783, %get3A_319 : vector<16xf32>
      %mul3A_785 = arith.mulf %gather3A_717, %get3A_239 : vector<16xf32>
      %mul3A_786 = arith.mulf %gather3A_720, %get3A_259 : vector<16xf32>
      %add3A_787 = arith.addf %mul3A_785, %mul3A_786 : vector<16xf32>
      %mul3A_788 = arith.mulf %gather3A_723, %get3A_279 : vector<16xf32>
      %mul3A_789 = arith.mulf %gather3A_726, %get3A_299 : vector<16xf32>
      %add3A_790 = arith.addf %mul3A_788, %mul3A_789 : vector<16xf32>
      %add3A_791 = arith.addf %add3A_787, %add3A_790 : vector<16xf32>
      %add3A_792 = arith.addf %add3A_784, %add3A_791 : vector<16xf32>
      %add3A_793 = arith.constant 32 : i32
      %add3A_794 = arith.addi %add3A_741, %add3A_793 : i32
      %swap3A_795 = arith.index_cast %add3A_794 : i32 to index
      %swap3A_796 = tpu.vector_load %arg12[%swap3A_795] {strides = array<i32>} : memref<8192xf32, #tpu.memory_space<vmem>>, vector<16xf32>,
      %swap3A_797 = vector.shape_cast %swap3A_796 : vector<16xf32> to vector<16xf32>
      %swap3A_798 = vector.shape_cast %add3A_792 : vector<16xf32> to vector<16xf32>
      tpu.vector_store %arg12[%swap3A_795], %swap3A_798 {strides = array<i32>} : memref<8192xf32, #tpu.memory_space<vmem>>, vector<16xf32>,
      %get3A_799 = arith.index_cast %add3A_728 : i32 to index
      %get3A_800 = arith.constant 48 : index
      %get3A_801 = tpu.vector_load %arg11[%get3A_799, %get3A_800] {strides = array<i32>} : memref<64x128xf32, #tpu.memory_space<vmem>>, vector<1x16xf32>,
      %get3A_802 = vector.shape_cast %get3A_801 : vector<1x16xf32> to vector<16xf32>
      %add3A_803 = arith.addf %get3A_802, %get3A_324 : vector<16xf32>
      %mul3A_804 = arith.mulf %gather3A_717, %get3A_244 : vector<16xf32>
      %mul3A_805 = arith.mulf %gather3A_720, %get3A_264 : vector<16xf32>
      %add3A_806 = arith.addf %mul3A_804, %mul3A_805 : vector<16xf32>
      %mul3A_807 = arith.mulf %gather3A_723, %get3A_284 : vector<16xf32>
      %mul3A_808 = arith.mulf %gather3A_726, %get3A_304 : vector<16xf32>
      %add3A_809 = arith.addf %mul3A_807, %mul3A_808 : vector<16xf32>
      %add3A_810 = arith.addf %add3A_806, %add3A_809 : vector<16xf32>
      %add3A_811 = arith.addf %add3A_803, %add3A_810 : vector<16xf32>
      %add3A_812 = arith.constant 48 : i32
      %add3A_813 = arith.addi %add3A_741, %add3A_812 : i32
      %swap3A_814 = arith.index_cast %add3A_813 : i32 to index
      %swap3A_815 = tpu.vector_load %arg12[%swap3A_814] {strides = array<i32>} : memref<8192xf32, #tpu.memory_space<vmem>>, vector<16xf32>,
      %swap3A_816 = vector.shape_cast %swap3A_815 : vector<16xf32> to vector<16xf32>
      %swap3A_817 = vector.shape_cast %add3A_811 : vector<16xf32> to vector<16xf32>
      tpu.vector_store %arg12[%swap3A_814], %swap3A_817 {strides = array<i32>} : memref<8192xf32, #tpu.memory_space<vmem>>, vector<16xf32>,
      %scan3A_818 = arith.constant 0 : i32
      scf.yield %scan3A_818 : i32
    }
    %scan3A_352 = arith.constant 16 : i32
    %get3A_353 = arith.constant 0 : i32
    %get3A_354 = arith.index_cast %get3A_353 : i32 to index
    %get3A_355 = arith.constant 64 : index
    %get3A_356 = tpu.vector_load %arg8[%get3A_354, %get3A_355] {strides = array<i32>} : memref<4x256xf32, #tpu.memory_space<vmem>>, vector<1x16xf32>,
    %get3A_357 = vector.shape_cast %get3A_356 : vector<1x16xf32> to vector<16xf32>
    %get3A_358 = arith.constant 0 : i32
    %get3A_359 = arith.index_cast %get3A_358 : i32 to index
    %get3A_360 = arith.constant 80 : index
    %get3A_361 = tpu.vector_load %arg8[%get3A_359, %get3A_360] {strides = array<i32>} : memref<4x256xf32, #tpu.memory_space<vmem>>, vector<1x16xf32>,
    %get3A_362 = vector.shape_cast %get3A_361 : vector<1x16xf32> to vector<16xf32>
    %get3A_363 = arith.constant 0 : i32
    %get3A_364 = arith.index_cast %get3A_363 : i32 to index
    %get3A_365 = arith.constant 96 : index
    %get3A_366 = tpu.vector_load %arg8[%get3A_364, %get3A_365] {strides = array<i32>} : memref<4x256xf32, #tpu.memory_space<vmem>>, vector<1x16xf32>,
    %get3A_367 = vector.shape_cast %get3A_366 : vector<1x16xf32> to vector<16xf32>
    %get3A_368 = arith.constant 0 : i32
    %get3A_369 = arith.index_cast %get3A_368 : i32 to index
    %get3A_370 = arith.constant 112 : index
    %get3A_371 = tpu.vector_load %arg8[%get3A_369, %get3A_370] {strides = array<i32>} : memref<4x256xf32, #tpu.memory_space<vmem>>, vector<1x16xf32>,
    %get3A_372 = vector.shape_cast %get3A_371 : vector<1x16xf32> to vector<16xf32>
    %get3A_373 = arith.constant 1 : i32
    %get3A_374 = arith.index_cast %get3A_373 : i32 to index
    %get3A_375 = arith.constant 64 : index
    %get3A_376 = tpu.vector_load %arg8[%get3A_374, %get3A_375] {strides = array<i32>} : memref<4x256xf32, #tpu.memory_space<vmem>>, vector<1x16xf32>,
    %get3A_377 = vector.shape_cast %get3A_376 : vector<1x16xf32> to vector<16xf32>
    %get3A_378 = arith.constant 1 : i32
    %get3A_379 = arith.index_cast %get3A_378 : i32 to index
    %get3A_380 = arith.constant 80 : index
    %get3A_381 = tpu.vector_load %arg8[%get3A_379, %get3A_380] {strides = array<i32>} : memref<4x256xf32, #tpu.memory_space<vmem>>, vector<1x16xf32>,
    %get3A_382 = vector.shape_cast %get3A_381 : vector<1x16xf32> to vector<16xf32>
    %get3A_383 = arith.constant 1 : i32
    %get3A_384 = arith.index_cast %get3A_383 : i32 to index
    %get3A_385 = arith.constant 96 : index
    %get3A_386 = tpu.vector_load %arg8[%get3A_384, %get3A_385] {strides = array<i32>} : memref<4x256xf32, #tpu.memory_space<vmem>>, vector<1x16xf32>,
    %get3A_387 = vector.shape_cast %get3A_386 : vector<1x16xf32> to vector<16xf32>
    %get3A_388 = arith.constant 1 : i32
    %get3A_389 = arith.index_cast %get3A_388 : i32 to index
    %get3A_390 = arith.constant 112 : index
    %get3A_391 = tpu.vector_load %arg8[%get3A_389, %get3A_390] {strides = array<i32>} : memref<4x256xf32, #tpu.memory_space<vmem>>, vector<1x16xf32>,
    %get3A_392 = vector.shape_cast %get3A_391 : vector<1x16xf32> to vector<16xf32>
    %get3A_393 = arith.constant 2 : i32
    %get3A_394 = arith.index_cast %get3A_393 : i32 to index
    %get3A_395 = arith.constant 64 : index
    %get3A_396 = tpu.vector_load %arg8[%get3A_394, %get3A_395] {strides = array<i32>} : memref<4x256xf32, #tpu.memory_space<vmem>>, vector<1x16xf32>,
    %get3A_397 = vector.shape_cast %get3A_396 : vector<1x16xf32> to vector<16xf32>
    %get3A_398 = arith.constant 2 : i32
    %get3A_399 = arith.index_cast %get3A_398 : i32 to index
    %get3A_400 = arith.constant 80 : index
    %get3A_401 = tpu.vector_load %arg8[%get3A_399, %get3A_400] {strides = array<i32>} : memref<4x256xf32, #tpu.memory_space<vmem>>, vector<1x16xf32>,
    %get3A_402 = vector.shape_cast %get3A_401 : vector<1x16xf32> to vector<16xf32>
    %get3A_403 = arith.constant 2 : i32
    %get3A_404 = arith.index_cast %get3A_403 : i32 to index
    %get3A_405 = arith.constant 96 : index
    %get3A_406 = tpu.vector_load %arg8[%get3A_404, %get3A_405] {strides = array<i32>} : memref<4x256xf32, #tpu.memory_space<vmem>>, vector<1x16xf32>,
    %get3A_407 = vector.shape_cast %get3A_406 : vector<1x16xf32> to vector<16xf32>
    %get3A_408 = arith.constant 2 : i32
    %get3A_409 = arith.index_cast %get3A_408 : i32 to index
    %get3A_410 = arith.constant 112 : index
    %get3A_411 = tpu.vector_load %arg8[%get3A_409, %get3A_410] {strides = array<i32>} : memref<4x256xf32, #tpu.memory_space<vmem>>, vector<1x16xf32>,
    %get3A_412 = vector.shape_cast %get3A_411 : vector<1x16xf32> to vector<16xf32>
    %get3A_413 = arith.constant 3 : i32
    %get3A_414 = arith.index_cast %get3A_413 : i32 to index
    %get3A_415 = arith.constant 64 : index
    %get3A_416 = tpu.vector_load %arg8[%get3A_414, %get3A_415] {strides = array<i32>} : memref<4x256xf32, #tpu.memory_space<vmem>>, vector<1x16xf32>,
    %get3A_417 = vector.shape_cast %get3A_416 : vector<1x16xf32> to vector<16xf32>
    %get3A_418 = arith.constant 3 : i32
    %get3A_419 = arith.index_cast %get3A_418 : i32 to index
    %get3A_420 = arith.constant 80 : index
    %get3A_421 = tpu.vector_load %arg8[%get3A_419, %get3A_420] {strides = array<i32>} : memref<4x256xf32, #tpu.memory_space<vmem>>, vector<1x16xf32>,
    %get3A_422 = vector.shape_cast %get3A_421 : vector<1x16xf32> to vector<16xf32>
    %get3A_423 = arith.constant 3 : i32
    %get3A_424 = arith.index_cast %get3A_423 : i32 to index
    %get3A_425 = arith.constant 96 : index
    %get3A_426 = tpu.vector_load %arg8[%get3A_424, %get3A_425] {strides = array<i32>} : memref<4x256xf32, #tpu.memory_space<vmem>>, vector<1x16xf32>,
    %get3A_427 = vector.shape_cast %get3A_426 : vector<1x16xf32> to vector<16xf32>
    %get3A_428 = arith.constant 3 : i32
    %get3A_429 = arith.index_cast %get3A_428 : i32 to index
    %get3A_430 = arith.constant 112 : index
    %get3A_431 = tpu.vector_load %arg8[%get3A_429, %get3A_430] {strides = array<i32>} : memref<4x256xf32, #tpu.memory_space<vmem>>, vector<1x16xf32>,
    %get3A_432 = vector.shape_cast %get3A_431 : vector<1x16xf32> to vector<16xf32>
    %get3A_433 = arith.constant 0 : i32
    %get3A_434 = arith.index_cast %get3A_433 : i32 to index
    %get3A_435 = arith.constant 64 : index
    %get3A_436 = tpu.vector_load %arg9[%get3A_434, %get3A_435] {strides = array<i32>} : memref<1x256xf32, #tpu.memory_space<vmem>>, vector<1x16xf32>,
    %get3A_437 = vector.shape_cast %get3A_436 : vector<1x16xf32> to vector<16xf32>
    %get3A_438 = arith.constant 0 : i32
    %get3A_439 = arith.index_cast %get3A_438 : i32 to index
    %get3A_440 = arith.constant 80 : index
    %get3A_441 = tpu.vector_load %arg9[%get3A_439, %get3A_440] {strides = array<i32>} : memref<1x256xf32, #tpu.memory_space<vmem>>, vector<1x16xf32>,
    %get3A_442 = vector.shape_cast %get3A_441 : vector<1x16xf32> to vector<16xf32>
    %get3A_443 = arith.constant 0 : i32
    %get3A_444 = arith.index_cast %get3A_443 : i32 to index
    %get3A_445 = arith.constant 96 : index
    %get3A_446 = tpu.vector_load %arg9[%get3A_444, %get3A_445] {strides = array<i32>} : memref<1x256xf32, #tpu.memory_space<vmem>>, vector<1x16xf32>,
    %get3A_447 = vector.shape_cast %get3A_446 : vector<1x16xf32> to vector<16xf32>
    %get3A_448 = arith.constant 0 : i32
    %get3A_449 = arith.index_cast %get3A_448 : i32 to index
    %get3A_450 = arith.constant 112 : index
    %get3A_451 = tpu.vector_load %arg9[%get3A_449, %get3A_450] {strides = array<i32>} : memref<1x256xf32, #tpu.memory_space<vmem>>, vector<1x16xf32>,
    %get3A_452 = vector.shape_cast %get3A_451 : vector<1x16xf32> to vector<16xf32>
    %scan3A_453 = arith.constant 0 : i32
    %scan3A_454 = arith.constant 0 : i32
    %scan3A_455 = arith.constant 16 : i32
    %scan3A_456 = arith.addi %scan3A_454, %scan3A_455 : i32
    %scan3A_457 = arith.constant 1 : i32
    %scan3A_458 = scf.for %scan3A_713 = %scan3A_454 to %scan3A_456 step %scan3A_457 iter_args(%scan3A_714 = %scan3A_453) -> (i32)  : i32 {
      %add3A_715 = arith.constant 0 : i32
      %add3A_716 = arith.addi %add3A_715, %scan3A_713 : i32
      %broadcast_in_dim3A = vector.broadcast %scan3A_713 : i32 to vector<16x1xi32>
      %gather3A = vector.shape_cast %broadcast_in_dim3A : vector<16x1xi32> to vector<16xi32>
      %gather3A_717 = tpu.dynamic_gather %div3A_80[%gather3A] in [0] : vector<16xf32>, vector<16xi32> -> vector<16xf32>
      %broadcast_in_dim3A_718 = vector.broadcast %scan3A_713 : i32 to vector<16x1xi32>
      %gather3A_719 = vector.shape_cast %broadcast_in_dim3A_718 : vector<16x1xi32> to vector<16xi32>
      %gather3A_720 = tpu.dynamic_gather %div3A_87[%gather3A_719] in [0] : vector<16xf32>, vector<16xi32> -> vector<16xf32>
      %broadcast_in_dim3A_721 = vector.broadcast %scan3A_713 : i32 to vector<16x1xi32>
      %gather3A_722 = vector.shape_cast %broadcast_in_dim3A_721 : vector<16x1xi32> to vector<16xi32>
      %gather3A_723 = tpu.dynamic_gather %div3A_90[%gather3A_722] in [0] : vector<16xf32>, vector<16xi32> -> vector<16xf32>
      %broadcast_in_dim3A_724 = vector.broadcast %scan3A_713 : i32 to vector<16x1xi32>
      %gather3A_725 = vector.shape_cast %broadcast_in_dim3A_724 : vector<16x1xi32> to vector<16xi32>
      %gather3A_726 = tpu.dynamic_gather %div3A_93[%gather3A_725] in [0] : vector<16xf32>, vector<16xi32> -> vector<16xf32>
      %add3A_727 = arith.constant 0 : i32
      %add3A_728 = arith.addi %add3A_727, %add3A_716 : i32
      %shift_right_logical3A_729 = arith.constant 3 : i32
      %shift_right_logical3A_730 = arith.shrui %add3A_716, %shift_right_logical3A_729 : i32
      %mul3A_731 = arith.constant 16 : i32
      %mul3A_732 = arith.muli %shift_right_logical3A_730, %mul3A_731 : i32
      %add3A_733 = arith.constant 0 : i32
      %add3A_734 = arith.addi %mul3A_732, %add3A_733 : i32
      %and3A_735 = arith.constant 7 : i32
      %and3A_736 = arith.andi %add3A_716, %and3A_735 : i32
      %add3A_737 = arith.addi %add3A_734, %and3A_736 : i32
      %mul3A_738 = arith.constant 128 : i32
      %mul3A_739 = arith.muli %add3A_737, %mul3A_738 : i32
      %add3A_740 = arith.constant 64 : i32
      %add3A_741 = arith.addi %mul3A_739, %add3A_740 : i32
      %get3A_742 = arith.index_cast %add3A_728 : i32 to index
      %get3A_743 = arith.constant 64 : index
      %get3A_744 = tpu.vector_load %arg11[%get3A_742, %get3A_743] {strides = array<i32>} : memref<64x128xf32, #tpu.memory_space<vmem>>, vector<1x16xf32>,
      %get3A_745 = vector.shape_cast %get3A_744 : vector<1x16xf32> to vector<16xf32>
      %add3A_746 = arith.addf %get3A_745, %get3A_437 : vector<16xf32>
      %mul3A_747 = arith.mulf %gather3A_717, %get3A_357 : vector<16xf32>
      %mul3A_748 = arith.mulf %gather3A_720, %get3A_377 : vector<16xf32>
      %add3A_749 = arith.addf %mul3A_747, %mul3A_748 : vector<16xf32>
      %mul3A_750 = arith.mulf %gather3A_723, %get3A_397 : vector<16xf32>
      %mul3A_751 = arith.mulf %gather3A_726, %get3A_417 : vector<16xf32>
      %add3A_752 = arith.addf %mul3A_750, %mul3A_751 : vector<16xf32>
      %add3A_753 = arith.addf %add3A_749, %add3A_752 : vector<16xf32>
      %add3A_754 = arith.addf %add3A_746, %add3A_753 : vector<16xf32>
      %add3A_755 = arith.constant 0 : i32
      %add3A_756 = arith.addi %add3A_741, %add3A_755 : i32
      %swap3A_757 = arith.index_cast %add3A_756 : i32 to index
      %swap3A_758 = tpu.vector_load %arg12[%swap3A_757] {strides = array<i32>} : memref<8192xf32, #tpu.memory_space<vmem>>, vector<16xf32>,
      %swap3A_759 = vector.shape_cast %swap3A_758 : vector<16xf32> to vector<16xf32>
      %swap3A_760 = vector.shape_cast %add3A_754 : vector<16xf32> to vector<16xf32>
      tpu.vector_store %arg12[%swap3A_757], %swap3A_760 {strides = array<i32>} : memref<8192xf32, #tpu.memory_space<vmem>>, vector<16xf32>,
      %get3A_761 = arith.index_cast %add3A_728 : i32 to index
      %get3A_762 = arith.constant 80 : index
      %get3A_763 = tpu.vector_load %arg11[%get3A_761, %get3A_762] {strides = array<i32>} : memref<64x128xf32, #tpu.memory_space<vmem>>, vector<1x16xf32>,
      %get3A_764 = vector.shape_cast %get3A_763 : vector<1x16xf32> to vector<16xf32>
      %add3A_765 = arith.addf %get3A_764, %get3A_442 : vector<16xf32>
      %mul3A_766 = arith.mulf %gather3A_717, %get3A_362 : vector<16xf32>
      %mul3A_767 = arith.mulf %gather3A_720, %get3A_382 : vector<16xf32>
      %add3A_768 = arith.addf %mul3A_766, %mul3A_767 : vector<16xf32>
      %mul3A_769 = arith.mulf %gather3A_723, %get3A_402 : vector<16xf32>
      %mul3A_770 = arith.mulf %gather3A_726, %get3A_422 : vector<16xf32>
      %add3A_771 = arith.addf %mul3A_769, %mul3A_770 : vector<16xf32>
      %add3A_772 = arith.addf %add3A_768, %add3A_771 : vector<16xf32>
      %add3A_773 = arith.addf %add3A_765, %add3A_772 : vector<16xf32>
      %add3A_774 = arith.constant 16 : i32
      %add3A_775 = arith.addi %add3A_741, %add3A_774 : i32
      %swap3A_776 = arith.index_cast %add3A_775 : i32 to index
      %swap3A_777 = tpu.vector_load %arg12[%swap3A_776] {strides = array<i32>} : memref<8192xf32, #tpu.memory_space<vmem>>, vector<16xf32>,
      %swap3A_778 = vector.shape_cast %swap3A_777 : vector<16xf32> to vector<16xf32>
      %swap3A_779 = vector.shape_cast %add3A_773 : vector<16xf32> to vector<16xf32>
      tpu.vector_store %arg12[%swap3A_776], %swap3A_779 {strides = array<i32>} : memref<8192xf32, #tpu.memory_space<vmem>>, vector<16xf32>,
      %get3A_780 = arith.index_cast %add3A_728 : i32 to index
      %get3A_781 = arith.constant 96 : index
      %get3A_782 = tpu.vector_load %arg11[%get3A_780, %get3A_781] {strides = array<i32>} : memref<64x128xf32, #tpu.memory_space<vmem>>, vector<1x16xf32>,
      %get3A_783 = vector.shape_cast %get3A_782 : vector<1x16xf32> to vector<16xf32>
      %add3A_784 = arith.addf %get3A_783, %get3A_447 : vector<16xf32>
      %mul3A_785 = arith.mulf %gather3A_717, %get3A_367 : vector<16xf32>
      %mul3A_786 = arith.mulf %gather3A_720, %get3A_387 : vector<16xf32>
      %add3A_787 = arith.addf %mul3A_785, %mul3A_786 : vector<16xf32>
      %mul3A_788 = arith.mulf %gather3A_723, %get3A_407 : vector<16xf32>
      %mul3A_789 = arith.mulf %gather3A_726, %get3A_427 : vector<16xf32>
      %add3A_790 = arith.addf %mul3A_788, %mul3A_789 : vector<16xf32>
      %add3A_791 = arith.addf %add3A_787, %add3A_790 : vector<16xf32>
      %add3A_792 = arith.addf %add3A_784, %add3A_791 : vector<16xf32>
      %add3A_793 = arith.constant 32 : i32
      %add3A_794 = arith.addi %add3A_741, %add3A_793 : i32
      %swap3A_795 = arith.index_cast %add3A_794 : i32 to index
      %swap3A_796 = tpu.vector_load %arg12[%swap3A_795] {strides = array<i32>} : memref<8192xf32, #tpu.memory_space<vmem>>, vector<16xf32>,
      %swap3A_797 = vector.shape_cast %swap3A_796 : vector<16xf32> to vector<16xf32>
      %swap3A_798 = vector.shape_cast %add3A_792 : vector<16xf32> to vector<16xf32>
      tpu.vector_store %arg12[%swap3A_795], %swap3A_798 {strides = array<i32>} : memref<8192xf32, #tpu.memory_space<vmem>>, vector<16xf32>,
      %get3A_799 = arith.index_cast %add3A_728 : i32 to index
      %get3A_800 = arith.constant 112 : index
      %get3A_801 = tpu.vector_load %arg11[%get3A_799, %get3A_800] {strides = array<i32>} : memref<64x128xf32, #tpu.memory_space<vmem>>, vector<1x16xf32>,
      %get3A_802 = vector.shape_cast %get3A_801 : vector<1x16xf32> to vector<16xf32>
      %add3A_803 = arith.addf %get3A_802, %get3A_452 : vector<16xf32>
      %mul3A_804 = arith.mulf %gather3A_717, %get3A_372 : vector<16xf32>
      %mul3A_805 = arith.mulf %gather3A_720, %get3A_392 : vector<16xf32>
      %add3A_806 = arith.addf %mul3A_804, %mul3A_805 : vector<16xf32>
      %mul3A_807 = arith.mulf %gather3A_723, %get3A_412 : vector<16xf32>
      %mul3A_808 = arith.mulf %gather3A_726, %get3A_432 : vector<16xf32>
      %add3A_809 = arith.addf %mul3A_807, %mul3A_808 : vector<16xf32>
      %add3A_810 = arith.addf %add3A_806, %add3A_809 : vector<16xf32>
      %add3A_811 = arith.addf %add3A_803, %add3A_810 : vector<16xf32>
      %add3A_812 = arith.constant 48 : i32
      %add3A_813 = arith.addi %add3A_741, %add3A_812 : i32
      %swap3A_814 = arith.index_cast %add3A_813 : i32 to index
      %swap3A_815 = tpu.vector_load %arg12[%swap3A_814] {strides = array<i32>} : memref<8192xf32, #tpu.memory_space<vmem>>, vector<16xf32>,
      %swap3A_816 = vector.shape_cast %swap3A_815 : vector<16xf32> to vector<16xf32>
      %swap3A_817 = vector.shape_cast %add3A_811 : vector<16xf32> to vector<16xf32>
      tpu.vector_store %arg12[%swap3A_814], %swap3A_817 {strides = array<i32>} : memref<8192xf32, #tpu.memory_space<vmem>>, vector<16xf32>,
      %scan3A_818 = arith.constant 0 : i32
      scf.yield %scan3A_818 : i32
    }
    %scan3A_459 = arith.constant 16 : i32
    %scan3A_460 = arith.constant 0 : i32
    %scan3A_461 = arith.constant 0 : i32
    %scan3A_462 = arith.constant 16 : i32
    %scan3A_463 = arith.addi %scan3A_461, %scan3A_462 : i32
    %scan3A_464 = arith.constant 1 : i32
    %scan3A_465 = scf.for %scan3A_713 = %scan3A_461 to %scan3A_463 step %scan3A_464 iter_args(%scan3A_714 = %scan3A_460) -> (i32)  : i32 {
      %add3A_715 = arith.constant 16 : i32
      %add3A_716 = arith.addi %add3A_715, %scan3A_713 : i32
      %broadcast_in_dim3A = vector.broadcast %scan3A_713 : i32 to vector<16x1xi32>
      %gather3A = vector.shape_cast %broadcast_in_dim3A : vector<16x1xi32> to vector<16xi32>
      %gather3A_717 = tpu.dynamic_gather %div3A_180[%gather3A] in [0] : vector<16xf32>, vector<16xi32> -> vector<16xf32>
      %broadcast_in_dim3A_718 = vector.broadcast %scan3A_713 : i32 to vector<16x1xi32>
      %gather3A_719 = vector.shape_cast %broadcast_in_dim3A_718 : vector<16x1xi32> to vector<16xi32>
      %gather3A_720 = tpu.dynamic_gather %div3A_187[%gather3A_719] in [0] : vector<16xf32>, vector<16xi32> -> vector<16xf32>
      %broadcast_in_dim3A_721 = vector.broadcast %scan3A_713 : i32 to vector<16x1xi32>
      %gather3A_722 = vector.shape_cast %broadcast_in_dim3A_721 : vector<16x1xi32> to vector<16xi32>
      %gather3A_723 = tpu.dynamic_gather %div3A_190[%gather3A_722] in [0] : vector<16xf32>, vector<16xi32> -> vector<16xf32>
      %broadcast_in_dim3A_724 = vector.broadcast %scan3A_713 : i32 to vector<16x1xi32>
      %gather3A_725 = vector.shape_cast %broadcast_in_dim3A_724 : vector<16x1xi32> to vector<16xi32>
      %gather3A_726 = tpu.dynamic_gather %div3A_193[%gather3A_725] in [0] : vector<16xf32>, vector<16xi32> -> vector<16xf32>
      %add3A_727 = arith.constant 0 : i32
      %add3A_728 = arith.addi %add3A_727, %add3A_716 : i32
      %shift_right_logical3A_729 = arith.constant 3 : i32
      %shift_right_logical3A_730 = arith.shrui %add3A_716, %shift_right_logical3A_729 : i32
      %mul3A_731 = arith.constant 16 : i32
      %mul3A_732 = arith.muli %shift_right_logical3A_730, %mul3A_731 : i32
      %add3A_733 = arith.constant 0 : i32
      %add3A_734 = arith.addi %mul3A_732, %add3A_733 : i32
      %and3A_735 = arith.constant 7 : i32
      %and3A_736 = arith.andi %add3A_716, %and3A_735 : i32
      %add3A_737 = arith.addi %add3A_734, %and3A_736 : i32
      %mul3A_738 = arith.constant 128 : i32
      %mul3A_739 = arith.muli %add3A_737, %mul3A_738 : i32
      %add3A_740 = arith.constant 64 : i32
      %add3A_741 = arith.addi %mul3A_739, %add3A_740 : i32
      %get3A_742 = arith.index_cast %add3A_728 : i32 to index
      %get3A_743 = arith.constant 64 : index
      %get3A_744 = tpu.vector_load %arg11[%get3A_742, %get3A_743] {strides = array<i32>} : memref<64x128xf32, #tpu.memory_space<vmem>>, vector<1x16xf32>,
      %get3A_745 = vector.shape_cast %get3A_744 : vector<1x16xf32> to vector<16xf32>
      %add3A_746 = arith.addf %get3A_745, %get3A_437 : vector<16xf32>
      %mul3A_747 = arith.mulf %gather3A_717, %get3A_357 : vector<16xf32>
      %mul3A_748 = arith.mulf %gather3A_720, %get3A_377 : vector<16xf32>
      %add3A_749 = arith.addf %mul3A_747, %mul3A_748 : vector<16xf32>
      %mul3A_750 = arith.mulf %gather3A_723, %get3A_397 : vector<16xf32>
      %mul3A_751 = arith.mulf %gather3A_726, %get3A_417 : vector<16xf32>
      %add3A_752 = arith.addf %mul3A_750, %mul3A_751 : vector<16xf32>
      %add3A_753 = arith.addf %add3A_749, %add3A_752 : vector<16xf32>
      %add3A_754 = arith.addf %add3A_746, %add3A_753 : vector<16xf32>
      %add3A_755 = arith.constant 0 : i32
      %add3A_756 = arith.addi %add3A_741, %add3A_755 : i32
      %swap3A_757 = arith.index_cast %add3A_756 : i32 to index
      %swap3A_758 = tpu.vector_load %arg12[%swap3A_757] {strides = array<i32>} : memref<8192xf32, #tpu.memory_space<vmem>>, vector<16xf32>,
      %swap3A_759 = vector.shape_cast %swap3A_758 : vector<16xf32> to vector<16xf32>
      %swap3A_760 = vector.shape_cast %add3A_754 : vector<16xf32> to vector<16xf32>
      tpu.vector_store %arg12[%swap3A_757], %swap3A_760 {strides = array<i32>} : memref<8192xf32, #tpu.memory_space<vmem>>, vector<16xf32>,
      %get3A_761 = arith.index_cast %add3A_728 : i32 to index
      %get3A_762 = arith.constant 80 : index
      %get3A_763 = tpu.vector_load %arg11[%get3A_761, %get3A_762] {strides = array<i32>} : memref<64x128xf32, #tpu.memory_space<vmem>>, vector<1x16xf32>,
      %get3A_764 = vector.shape_cast %get3A_763 : vector<1x16xf32> to vector<16xf32>
      %add3A_765 = arith.addf %get3A_764, %get3A_442 : vector<16xf32>
      %mul3A_766 = arith.mulf %gather3A_717, %get3A_362 : vector<16xf32>
      %mul3A_767 = arith.mulf %gather3A_720, %get3A_382 : vector<16xf32>
      %add3A_768 = arith.addf %mul3A_766, %mul3A_767 : vector<16xf32>
      %mul3A_769 = arith.mulf %gather3A_723, %get3A_402 : vector<16xf32>
      %mul3A_770 = arith.mulf %gather3A_726, %get3A_422 : vector<16xf32>
      %add3A_771 = arith.addf %mul3A_769, %mul3A_770 : vector<16xf32>
      %add3A_772 = arith.addf %add3A_768, %add3A_771 : vector<16xf32>
      %add3A_773 = arith.addf %add3A_765, %add3A_772 : vector<16xf32>
      %add3A_774 = arith.constant 16 : i32
      %add3A_775 = arith.addi %add3A_741, %add3A_774 : i32
      %swap3A_776 = arith.index_cast %add3A_775 : i32 to index
      %swap3A_777 = tpu.vector_load %arg12[%swap3A_776] {strides = array<i32>} : memref<8192xf32, #tpu.memory_space<vmem>>, vector<16xf32>,
      %swap3A_778 = vector.shape_cast %swap3A_777 : vector<16xf32> to vector<16xf32>
      %swap3A_779 = vector.shape_cast %add3A_773 : vector<16xf32> to vector<16xf32>
      tpu.vector_store %arg12[%swap3A_776], %swap3A_779 {strides = array<i32>} : memref<8192xf32, #tpu.memory_space<vmem>>, vector<16xf32>,
      %get3A_780 = arith.index_cast %add3A_728 : i32 to index
      %get3A_781 = arith.constant 96 : index
      %get3A_782 = tpu.vector_load %arg11[%get3A_780, %get3A_781] {strides = array<i32>} : memref<64x128xf32, #tpu.memory_space<vmem>>, vector<1x16xf32>,
      %get3A_783 = vector.shape_cast %get3A_782 : vector<1x16xf32> to vector<16xf32>
      %add3A_784 = arith.addf %get3A_783, %get3A_447 : vector<16xf32>
      %mul3A_785 = arith.mulf %gather3A_717, %get3A_367 : vector<16xf32>
      %mul3A_786 = arith.mulf %gather3A_720, %get3A_387 : vector<16xf32>
      %add3A_787 = arith.addf %mul3A_785, %mul3A_786 : vector<16xf32>
      %mul3A_788 = arith.mulf %gather3A_723, %get3A_407 : vector<16xf32>
      %mul3A_789 = arith.mulf %gather3A_726, %get3A_427 : vector<16xf32>
      %add3A_790 = arith.addf %mul3A_788, %mul3A_789 : vector<16xf32>
      %add3A_791 = arith.addf %add3A_787, %add3A_790 : vector<16xf32>
      %add3A_792 = arith.addf %add3A_784, %add3A_791 : vector<16xf32>
      %add3A_793 = arith.constant 32 : i32
      %add3A_794 = arith.addi %add3A_741, %add3A_793 : i32
      %swap3A_795 = arith.index_cast %add3A_794 : i32 to index
      %swap3A_796 = tpu.vector_load %arg12[%swap3A_795] {strides = array<i32>} : memref<8192xf32, #tpu.memory_space<vmem>>, vector<16xf32>,
      %swap3A_797 = vector.shape_cast %swap3A_796 : vector<16xf32> to vector<16xf32>
      %swap3A_798 = vector.shape_cast %add3A_792 : vector<16xf32> to vector<16xf32>
      tpu.vector_store %arg12[%swap3A_795], %swap3A_798 {strides = array<i32>} : memref<8192xf32, #tpu.memory_space<vmem>>, vector<16xf32>,
      %get3A_799 = arith.index_cast %add3A_728 : i32 to index
      %get3A_800 = arith.constant 112 : index
      %get3A_801 = tpu.vector_load %arg11[%get3A_799, %get3A_800] {strides = array<i32>} : memref<64x128xf32, #tpu.memory_space<vmem>>, vector<1x16xf32>,
      %get3A_802 = vector.shape_cast %get3A_801 : vector<1x16xf32> to vector<16xf32>
      %add3A_803 = arith.addf %get3A_802, %get3A_452 : vector<16xf32>
      %mul3A_804 = arith.mulf %gather3A_717, %get3A_372 : vector<16xf32>
      %mul3A_805 = arith.mulf %gather3A_720, %get3A_392 : vector<16xf32>
      %add3A_806 = arith.addf %mul3A_804, %mul3A_805 : vector<16xf32>
      %mul3A_807 = arith.mulf %gather3A_723, %get3A_412 : vector<16xf32>
      %mul3A_808 = arith.mulf %gather3A_726, %get3A_432 : vector<16xf32>
      %add3A_809 = arith.addf %mul3A_807, %mul3A_808 : vector<16xf32>
      %add3A_810 = arith.addf %add3A_806, %add3A_809 : vector<16xf32>
      %add3A_811 = arith.addf %add3A_803, %add3A_810 : vector<16xf32>
      %add3A_812 = arith.constant 48 : i32
      %add3A_813 = arith.addi %add3A_741, %add3A_812 : i32
      %swap3A_814 = arith.index_cast %add3A_813 : i32 to index
      %swap3A_815 = tpu.vector_load %arg12[%swap3A_814] {strides = array<i32>} : memref<8192xf32, #tpu.memory_space<vmem>>, vector<16xf32>,
      %swap3A_816 = vector.shape_cast %swap3A_815 : vector<16xf32> to vector<16xf32>
      %swap3A_817 = vector.shape_cast %add3A_811 : vector<16xf32> to vector<16xf32>
      tpu.vector_store %arg12[%swap3A_814], %swap3A_817 {strides = array<i32>} : memref<8192xf32, #tpu.memory_space<vmem>>, vector<16xf32>,
      %scan3A_818 = arith.constant 0 : i32
      scf.yield %scan3A_818 : i32
    }
    %scan3A_466 = arith.constant 16 : i32
    %get3A_467 = arith.constant 0 : i32
    %get3A_468 = arith.index_cast %get3A_467 : i32 to index
    %get3A_469 = arith.constant 128 : index
    %get3A_470 = tpu.vector_load %arg8[%get3A_468, %get3A_469] {strides = array<i32>} : memref<4x256xf32, #tpu.memory_space<vmem>>, vector<1x16xf32>,
    %get3A_471 = vector.shape_cast %get3A_470 : vector<1x16xf32> to vector<16xf32>
    %get3A_472 = arith.constant 0 : i32
    %get3A_473 = arith.index_cast %get3A_472 : i32 to index
    %get3A_474 = arith.constant 144 : index
    %get3A_475 = tpu.vector_load %arg8[%get3A_473, %get3A_474] {strides = array<i32>} : memref<4x256xf32, #tpu.memory_space<vmem>>, vector<1x16xf32>,
    %get3A_476 = vector.shape_cast %get3A_475 : vector<1x16xf32> to vector<16xf32>
    %get3A_477 = arith.constant 0 : i32
    %get3A_478 = arith.index_cast %get3A_477 : i32 to index
    %get3A_479 = arith.constant 160 : index
    %get3A_480 = tpu.vector_load %arg8[%get3A_478, %get3A_479] {strides = array<i32>} : memref<4x256xf32, #tpu.memory_space<vmem>>, vector<1x16xf32>,
    %get3A_481 = vector.shape_cast %get3A_480 : vector<1x16xf32> to vector<16xf32>
    %get3A_482 = arith.constant 0 : i32
    %get3A_483 = arith.index_cast %get3A_482 : i32 to index
    %get3A_484 = arith.constant 176 : index
    %get3A_485 = tpu.vector_load %arg8[%get3A_483, %get3A_484] {strides = array<i32>} : memref<4x256xf32, #tpu.memory_space<vmem>>, vector<1x16xf32>,
    %get3A_486 = vector.shape_cast %get3A_485 : vector<1x16xf32> to vector<16xf32>
    %get3A_487 = arith.constant 1 : i32
    %get3A_488 = arith.index_cast %get3A_487 : i32 to index
    %get3A_489 = arith.constant 128 : index
    %get3A_490 = tpu.vector_load %arg8[%get3A_488, %get3A_489] {strides = array<i32>} : memref<4x256xf32, #tpu.memory_space<vmem>>, vector<1x16xf32>,
    %get3A_491 = vector.shape_cast %get3A_490 : vector<1x16xf32> to vector<16xf32>
    %get3A_492 = arith.constant 1 : i32
    %get3A_493 = arith.index_cast %get3A_492 : i32 to index
    %get3A_494 = arith.constant 144 : index
    %get3A_495 = tpu.vector_load %arg8[%get3A_493, %get3A_494] {strides = array<i32>} : memref<4x256xf32, #tpu.memory_space<vmem>>, vector<1x16xf32>,
    %get3A_496 = vector.shape_cast %get3A_495 : vector<1x16xf32> to vector<16xf32>
    %get3A_497 = arith.constant 1 : i32
    %get3A_498 = arith.index_cast %get3A_497 : i32 to index
    %get3A_499 = arith.constant 160 : index
    %get3A_500 = tpu.vector_load %arg8[%get3A_498, %get3A_499] {strides = array<i32>} : memref<4x256xf32, #tpu.memory_space<vmem>>, vector<1x16xf32>,
    %get3A_501 = vector.shape_cast %get3A_500 : vector<1x16xf32> to vector<16xf32>
    %get3A_502 = arith.constant 1 : i32
    %get3A_503 = arith.index_cast %get3A_502 : i32 to index
    %get3A_504 = arith.constant 176 : index
    %get3A_505 = tpu.vector_load %arg8[%get3A_503, %get3A_504] {strides = array<i32>} : memref<4x256xf32, #tpu.memory_space<vmem>>, vector<1x16xf32>,
    %get3A_506 = vector.shape_cast %get3A_505 : vector<1x16xf32> to vector<16xf32>
    %get3A_507 = arith.constant 2 : i32
    %get3A_508 = arith.index_cast %get3A_507 : i32 to index
    %get3A_509 = arith.constant 128 : index
    %get3A_510 = tpu.vector_load %arg8[%get3A_508, %get3A_509] {strides = array<i32>} : memref<4x256xf32, #tpu.memory_space<vmem>>, vector<1x16xf32>,
    %get3A_511 = vector.shape_cast %get3A_510 : vector<1x16xf32> to vector<16xf32>
    %get3A_512 = arith.constant 2 : i32
    %get3A_513 = arith.index_cast %get3A_512 : i32 to index
    %get3A_514 = arith.constant 144 : index
    %get3A_515 = tpu.vector_load %arg8[%get3A_513, %get3A_514] {strides = array<i32>} : memref<4x256xf32, #tpu.memory_space<vmem>>, vector<1x16xf32>,
    %get3A_516 = vector.shape_cast %get3A_515 : vector<1x16xf32> to vector<16xf32>
    %get3A_517 = arith.constant 2 : i32
    %get3A_518 = arith.index_cast %get3A_517 : i32 to index
    %get3A_519 = arith.constant 160 : index
    %get3A_520 = tpu.vector_load %arg8[%get3A_518, %get3A_519] {strides = array<i32>} : memref<4x256xf32, #tpu.memory_space<vmem>>, vector<1x16xf32>,
    %get3A_521 = vector.shape_cast %get3A_520 : vector<1x16xf32> to vector<16xf32>
    %get3A_522 = arith.constant 2 : i32
    %get3A_523 = arith.index_cast %get3A_522 : i32 to index
    %get3A_524 = arith.constant 176 : index
    %get3A_525 = tpu.vector_load %arg8[%get3A_523, %get3A_524] {strides = array<i32>} : memref<4x256xf32, #tpu.memory_space<vmem>>, vector<1x16xf32>,
    %get3A_526 = vector.shape_cast %get3A_525 : vector<1x16xf32> to vector<16xf32>
    %get3A_527 = arith.constant 3 : i32
    %get3A_528 = arith.index_cast %get3A_527 : i32 to index
    %get3A_529 = arith.constant 128 : index
    %get3A_530 = tpu.vector_load %arg8[%get3A_528, %get3A_529] {strides = array<i32>} : memref<4x256xf32, #tpu.memory_space<vmem>>, vector<1x16xf32>,
    %get3A_531 = vector.shape_cast %get3A_530 : vector<1x16xf32> to vector<16xf32>
    %get3A_532 = arith.constant 3 : i32
    %get3A_533 = arith.index_cast %get3A_532 : i32 to index
    %get3A_534 = arith.constant 144 : index
    %get3A_535 = tpu.vector_load %arg8[%get3A_533, %get3A_534] {strides = array<i32>} : memref<4x256xf32, #tpu.memory_space<vmem>>, vector<1x16xf32>,
    %get3A_536 = vector.shape_cast %get3A_535 : vector<1x16xf32> to vector<16xf32>
    %get3A_537 = arith.constant 3 : i32
    %get3A_538 = arith.index_cast %get3A_537 : i32 to index
    %get3A_539 = arith.constant 160 : index
    %get3A_540 = tpu.vector_load %arg8[%get3A_538, %get3A_539] {strides = array<i32>} : memref<4x256xf32, #tpu.memory_space<vmem>>, vector<1x16xf32>,
    %get3A_541 = vector.shape_cast %get3A_540 : vector<1x16xf32> to vector<16xf32>
    %get3A_542 = arith.constant 3 : i32
    %get3A_543 = arith.index_cast %get3A_542 : i32 to index
    %get3A_544 = arith.constant 176 : index
    %get3A_545 = tpu.vector_load %arg8[%get3A_543, %get3A_544] {strides = array<i32>} : memref<4x256xf32, #tpu.memory_space<vmem>>, vector<1x16xf32>,
    %get3A_546 = vector.shape_cast %get3A_545 : vector<1x16xf32> to vector<16xf32>
    %get3A_547 = arith.constant 0 : i32
    %get3A_548 = arith.index_cast %get3A_547 : i32 to index
    %get3A_549 = arith.constant 128 : index
    %get3A_550 = tpu.vector_load %arg9[%get3A_548, %get3A_549] {strides = array<i32>} : memref<1x256xf32, #tpu.memory_space<vmem>>, vector<1x16xf32>,
    %get3A_551 = vector.shape_cast %get3A_550 : vector<1x16xf32> to vector<16xf32>
    %get3A_552 = arith.constant 0 : i32
    %get3A_553 = arith.index_cast %get3A_552 : i32 to index
    %get3A_554 = arith.constant 144 : index
    %get3A_555 = tpu.vector_load %arg9[%get3A_553, %get3A_554] {strides = array<i32>} : memref<1x256xf32, #tpu.memory_space<vmem>>, vector<1x16xf32>,
    %get3A_556 = vector.shape_cast %get3A_555 : vector<1x16xf32> to vector<16xf32>
    %get3A_557 = arith.constant 0 : i32
    %get3A_558 = arith.index_cast %get3A_557 : i32 to index
    %get3A_559 = arith.constant 160 : index
    %get3A_560 = tpu.vector_load %arg9[%get3A_558, %get3A_559] {strides = array<i32>} : memref<1x256xf32, #tpu.memory_space<vmem>>, vector<1x16xf32>,
    %get3A_561 = vector.shape_cast %get3A_560 : vector<1x16xf32> to vector<16xf32>
    %get3A_562 = arith.constant 0 : i32
    %get3A_563 = arith.index_cast %get3A_562 : i32 to index
    %get3A_564 = arith.constant 176 : index
    %get3A_565 = tpu.vector_load %arg9[%get3A_563, %get3A_564] {strides = array<i32>} : memref<1x256xf32, #tpu.memory_space<vmem>>, vector<1x16xf32>,
    %get3A_566 = vector.shape_cast %get3A_565 : vector<1x16xf32> to vector<16xf32>
    %dma_wait3A_567 = arith.constant 32 : i32
    %dma_wait3A_568 = arith.constant 0 : i32
    %dma_wait3A_569 = tpu.memref_slice %arg11[%dma_wait3A_567, %dma_wait3A_568] : memref<64x128xf32, #tpu.memory_space<vmem>> -> memref<16x128xf32, #tpu.memory_space<vmem>>
    %dma_wait3A_570 = arith.constant 32 : i32
    %dma_wait3A_571 = tpu.memref_slice %arg10[%dma_wait3A_570] : memref<64xi32, #tpu.memory_space<vmem>> -> memref<16xi32, #tpu.memory_space<vmem>>
    %dma_wait3A_572 = arith.constant 0 : i32
    %dma_wait3A_573 = arith.constant 0 : i32
    %dma_wait3A_574 = tpu.memref_slice %arg2[%dma_wait3A_572, %dma_wait3A_573] : memref<262144x128xf32, #tpu.memory_space<hbm>> -> memref<262144x128xf32, #tpu.memory_space<hbm>>
    tpu.wait_indirect_dma semaphore(%arg15 : memref<!tpu.dma_semaphore, #tpu.memory_space<semaphore_mem>>) src(%dma_wait3A_574 : memref<262144x128xf32, #tpu.memory_space<hbm>>) dst(%dma_wait3A_569 : memref<16x128xf32, #tpu.memory_space<vmem>>)
    %scan3A_575 = arith.constant 0 : i32
    %scan3A_576 = arith.constant 0 : i32
    %scan3A_577 = arith.constant 16 : i32
    %scan3A_578 = arith.addi %scan3A_576, %scan3A_577 : i32
    %scan3A_579 = arith.constant 1 : i32
    %scan3A_580 = scf.for %scan3A_713 = %scan3A_576 to %scan3A_578 step %scan3A_579 iter_args(%scan3A_714 = %scan3A_575) -> (i32)  : i32 {
      %add3A_715 = arith.constant 0 : i32
      %add3A_716 = arith.addi %add3A_715, %scan3A_713 : i32
      %broadcast_in_dim3A = vector.broadcast %scan3A_713 : i32 to vector<16x1xi32>
      %gather3A = vector.shape_cast %broadcast_in_dim3A : vector<16x1xi32> to vector<16xi32>
      %gather3A_717 = tpu.dynamic_gather %div3A_80[%gather3A] in [0] : vector<16xf32>, vector<16xi32> -> vector<16xf32>
      %broadcast_in_dim3A_718 = vector.broadcast %scan3A_713 : i32 to vector<16x1xi32>
      %gather3A_719 = vector.shape_cast %broadcast_in_dim3A_718 : vector<16x1xi32> to vector<16xi32>
      %gather3A_720 = tpu.dynamic_gather %div3A_87[%gather3A_719] in [0] : vector<16xf32>, vector<16xi32> -> vector<16xf32>
      %broadcast_in_dim3A_721 = vector.broadcast %scan3A_713 : i32 to vector<16x1xi32>
      %gather3A_722 = vector.shape_cast %broadcast_in_dim3A_721 : vector<16x1xi32> to vector<16xi32>
      %gather3A_723 = tpu.dynamic_gather %div3A_90[%gather3A_722] in [0] : vector<16xf32>, vector<16xi32> -> vector<16xf32>
      %broadcast_in_dim3A_724 = vector.broadcast %scan3A_713 : i32 to vector<16x1xi32>
      %gather3A_725 = vector.shape_cast %broadcast_in_dim3A_724 : vector<16x1xi32> to vector<16xi32>
      %gather3A_726 = tpu.dynamic_gather %div3A_93[%gather3A_725] in [0] : vector<16xf32>, vector<16xi32> -> vector<16xf32>
      %add3A_727 = arith.constant 32 : i32
      %add3A_728 = arith.addi %add3A_727, %add3A_716 : i32
      %shift_right_logical3A_729 = arith.constant 3 : i32
      %shift_right_logical3A_730 = arith.shrui %add3A_716, %shift_right_logical3A_729 : i32
      %mul3A_731 = arith.constant 16 : i32
      %mul3A_732 = arith.muli %shift_right_logical3A_730, %mul3A_731 : i32
      %add3A_733 = arith.constant 8 : i32
      %add3A_734 = arith.addi %mul3A_732, %add3A_733 : i32
      %and3A_735 = arith.constant 7 : i32
      %and3A_736 = arith.andi %add3A_716, %and3A_735 : i32
      %add3A_737 = arith.addi %add3A_734, %and3A_736 : i32
      %mul3A_738 = arith.constant 128 : i32
      %mul3A_739 = arith.muli %add3A_737, %mul3A_738 : i32
      %add3A_740 = arith.constant 0 : i32
      %add3A_741 = arith.addi %mul3A_739, %add3A_740 : i32
      %get3A_742 = arith.index_cast %add3A_728 : i32 to index
      %get3A_743 = arith.constant 0 : index
      %get3A_744 = tpu.vector_load %arg11[%get3A_742, %get3A_743] {strides = array<i32>} : memref<64x128xf32, #tpu.memory_space<vmem>>, vector<1x16xf32>,
      %get3A_745 = vector.shape_cast %get3A_744 : vector<1x16xf32> to vector<16xf32>
      %add3A_746 = arith.addf %get3A_745, %get3A_551 : vector<16xf32>
      %mul3A_747 = arith.mulf %gather3A_717, %get3A_471 : vector<16xf32>
      %mul3A_748 = arith.mulf %gather3A_720, %get3A_491 : vector<16xf32>
      %add3A_749 = arith.addf %mul3A_747, %mul3A_748 : vector<16xf32>
      %mul3A_750 = arith.mulf %gather3A_723, %get3A_511 : vector<16xf32>
      %mul3A_751 = arith.mulf %gather3A_726, %get3A_531 : vector<16xf32>
      %add3A_752 = arith.addf %mul3A_750, %mul3A_751 : vector<16xf32>
      %add3A_753 = arith.addf %add3A_749, %add3A_752 : vector<16xf32>
      %add3A_754 = arith.addf %add3A_746, %add3A_753 : vector<16xf32>
      %add3A_755 = arith.constant 0 : i32
      %add3A_756 = arith.addi %add3A_741, %add3A_755 : i32
      %swap3A_757 = arith.index_cast %add3A_756 : i32 to index
      %swap3A_758 = tpu.vector_load %arg12[%swap3A_757] {strides = array<i32>} : memref<8192xf32, #tpu.memory_space<vmem>>, vector<16xf32>,
      %swap3A_759 = vector.shape_cast %swap3A_758 : vector<16xf32> to vector<16xf32>
      %swap3A_760 = vector.shape_cast %add3A_754 : vector<16xf32> to vector<16xf32>
      tpu.vector_store %arg12[%swap3A_757], %swap3A_760 {strides = array<i32>} : memref<8192xf32, #tpu.memory_space<vmem>>, vector<16xf32>,
      %get3A_761 = arith.index_cast %add3A_728 : i32 to index
      %get3A_762 = arith.constant 16 : index
      %get3A_763 = tpu.vector_load %arg11[%get3A_761, %get3A_762] {strides = array<i32>} : memref<64x128xf32, #tpu.memory_space<vmem>>, vector<1x16xf32>,
      %get3A_764 = vector.shape_cast %get3A_763 : vector<1x16xf32> to vector<16xf32>
      %add3A_765 = arith.addf %get3A_764, %get3A_556 : vector<16xf32>
      %mul3A_766 = arith.mulf %gather3A_717, %get3A_476 : vector<16xf32>
      %mul3A_767 = arith.mulf %gather3A_720, %get3A_496 : vector<16xf32>
      %add3A_768 = arith.addf %mul3A_766, %mul3A_767 : vector<16xf32>
      %mul3A_769 = arith.mulf %gather3A_723, %get3A_516 : vector<16xf32>
      %mul3A_770 = arith.mulf %gather3A_726, %get3A_536 : vector<16xf32>
      %add3A_771 = arith.addf %mul3A_769, %mul3A_770 : vector<16xf32>
      %add3A_772 = arith.addf %add3A_768, %add3A_771 : vector<16xf32>
      %add3A_773 = arith.addf %add3A_765, %add3A_772 : vector<16xf32>
      %add3A_774 = arith.constant 16 : i32
      %add3A_775 = arith.addi %add3A_741, %add3A_774 : i32
      %swap3A_776 = arith.index_cast %add3A_775 : i32 to index
      %swap3A_777 = tpu.vector_load %arg12[%swap3A_776] {strides = array<i32>} : memref<8192xf32, #tpu.memory_space<vmem>>, vector<16xf32>,
      %swap3A_778 = vector.shape_cast %swap3A_777 : vector<16xf32> to vector<16xf32>
      %swap3A_779 = vector.shape_cast %add3A_773 : vector<16xf32> to vector<16xf32>
      tpu.vector_store %arg12[%swap3A_776], %swap3A_779 {strides = array<i32>} : memref<8192xf32, #tpu.memory_space<vmem>>, vector<16xf32>,
      %get3A_780 = arith.index_cast %add3A_728 : i32 to index
      %get3A_781 = arith.constant 32 : index
      %get3A_782 = tpu.vector_load %arg11[%get3A_780, %get3A_781] {strides = array<i32>} : memref<64x128xf32, #tpu.memory_space<vmem>>, vector<1x16xf32>,
      %get3A_783 = vector.shape_cast %get3A_782 : vector<1x16xf32> to vector<16xf32>
      %add3A_784 = arith.addf %get3A_783, %get3A_561 : vector<16xf32>
      %mul3A_785 = arith.mulf %gather3A_717, %get3A_481 : vector<16xf32>
      %mul3A_786 = arith.mulf %gather3A_720, %get3A_501 : vector<16xf32>
      %add3A_787 = arith.addf %mul3A_785, %mul3A_786 : vector<16xf32>
      %mul3A_788 = arith.mulf %gather3A_723, %get3A_521 : vector<16xf32>
      %mul3A_789 = arith.mulf %gather3A_726, %get3A_541 : vector<16xf32>
      %add3A_790 = arith.addf %mul3A_788, %mul3A_789 : vector<16xf32>
      %add3A_791 = arith.addf %add3A_787, %add3A_790 : vector<16xf32>
      %add3A_792 = arith.addf %add3A_784, %add3A_791 : vector<16xf32>
      %add3A_793 = arith.constant 32 : i32
      %add3A_794 = arith.addi %add3A_741, %add3A_793 : i32
      %swap3A_795 = arith.index_cast %add3A_794 : i32 to index
      %swap3A_796 = tpu.vector_load %arg12[%swap3A_795] {strides = array<i32>} : memref<8192xf32, #tpu.memory_space<vmem>>, vector<16xf32>,
      %swap3A_797 = vector.shape_cast %swap3A_796 : vector<16xf32> to vector<16xf32>
      %swap3A_798 = vector.shape_cast %add3A_792 : vector<16xf32> to vector<16xf32>
      tpu.vector_store %arg12[%swap3A_795], %swap3A_798 {strides = array<i32>} : memref<8192xf32, #tpu.memory_space<vmem>>, vector<16xf32>,
      %get3A_799 = arith.index_cast %add3A_728 : i32 to index
      %get3A_800 = arith.constant 48 : index
      %get3A_801 = tpu.vector_load %arg11[%get3A_799, %get3A_800] {strides = array<i32>} : memref<64x128xf32, #tpu.memory_space<vmem>>, vector<1x16xf32>,
      %get3A_802 = vector.shape_cast %get3A_801 : vector<1x16xf32> to vector<16xf32>
      %add3A_803 = arith.addf %get3A_802, %get3A_566 : vector<16xf32>
      %mul3A_804 = arith.mulf %gather3A_717, %get3A_486 : vector<16xf32>
      %mul3A_805 = arith.mulf %gather3A_720, %get3A_506 : vector<16xf32>
      %add3A_806 = arith.addf %mul3A_804, %mul3A_805 : vector<16xf32>
      %mul3A_807 = arith.mulf %gather3A_723, %get3A_526 : vector<16xf32>
      %mul3A_808 = arith.mulf %gather3A_726, %get3A_546 : vector<16xf32>
      %add3A_809 = arith.addf %mul3A_807, %mul3A_808 : vector<16xf32>
      %add3A_810 = arith.addf %add3A_806, %add3A_809 : vector<16xf32>
      %add3A_811 = arith.addf %add3A_803, %add3A_810 : vector<16xf32>
      %add3A_812 = arith.constant 48 : i32
      %add3A_813 = arith.addi %add3A_741, %add3A_812 : i32
      %swap3A_814 = arith.index_cast %add3A_813 : i32 to index
      %swap3A_815 = tpu.vector_load %arg12[%swap3A_814] {strides = array<i32>} : memref<8192xf32, #tpu.memory_space<vmem>>, vector<16xf32>,
      %swap3A_816 = vector.shape_cast %swap3A_815 : vector<16xf32> to vector<16xf32>
      %swap3A_817 = vector.shape_cast %add3A_811 : vector<16xf32> to vector<16xf32>
      tpu.vector_store %arg12[%swap3A_814], %swap3A_817 {strides = array<i32>} : memref<8192xf32, #tpu.memory_space<vmem>>, vector<16xf32>,
      %scan3A_818 = arith.constant 0 : i32
      scf.yield %scan3A_818 : i32
    }
    %scan3A_581 = arith.constant 16 : i32
    %dma_wait3A_582 = arith.constant 48 : i32
    %dma_wait3A_583 = arith.constant 0 : i32
    %dma_wait3A_584 = tpu.memref_slice %arg11[%dma_wait3A_582, %dma_wait3A_583] : memref<64x128xf32, #tpu.memory_space<vmem>> -> memref<16x128xf32, #tpu.memory_space<vmem>>
    %dma_wait3A_585 = arith.constant 48 : i32
    %dma_wait3A_586 = tpu.memref_slice %arg10[%dma_wait3A_585] : memref<64xi32, #tpu.memory_space<vmem>> -> memref<16xi32, #tpu.memory_space<vmem>>
    %dma_wait3A_587 = arith.constant 0 : i32
    %dma_wait3A_588 = arith.constant 0 : i32
    %dma_wait3A_589 = tpu.memref_slice %arg2[%dma_wait3A_587, %dma_wait3A_588] : memref<262144x128xf32, #tpu.memory_space<hbm>> -> memref<262144x128xf32, #tpu.memory_space<hbm>>
    tpu.wait_indirect_dma semaphore(%arg16 : memref<!tpu.dma_semaphore, #tpu.memory_space<semaphore_mem>>) src(%dma_wait3A_589 : memref<262144x128xf32, #tpu.memory_space<hbm>>) dst(%dma_wait3A_584 : memref<16x128xf32, #tpu.memory_space<vmem>>)
    %scan3A_590 = arith.constant 0 : i32
    %scan3A_591 = arith.constant 0 : i32
    %scan3A_592 = arith.constant 16 : i32
    %scan3A_593 = arith.addi %scan3A_591, %scan3A_592 : i32
    %scan3A_594 = arith.constant 1 : i32
    %scan3A_595 = scf.for %scan3A_713 = %scan3A_591 to %scan3A_593 step %scan3A_594 iter_args(%scan3A_714 = %scan3A_590) -> (i32)  : i32 {
      %add3A_715 = arith.constant 16 : i32
      %add3A_716 = arith.addi %add3A_715, %scan3A_713 : i32
      %broadcast_in_dim3A = vector.broadcast %scan3A_713 : i32 to vector<16x1xi32>
      %gather3A = vector.shape_cast %broadcast_in_dim3A : vector<16x1xi32> to vector<16xi32>
      %gather3A_717 = tpu.dynamic_gather %div3A_180[%gather3A] in [0] : vector<16xf32>, vector<16xi32> -> vector<16xf32>
      %broadcast_in_dim3A_718 = vector.broadcast %scan3A_713 : i32 to vector<16x1xi32>
      %gather3A_719 = vector.shape_cast %broadcast_in_dim3A_718 : vector<16x1xi32> to vector<16xi32>
      %gather3A_720 = tpu.dynamic_gather %div3A_187[%gather3A_719] in [0] : vector<16xf32>, vector<16xi32> -> vector<16xf32>
      %broadcast_in_dim3A_721 = vector.broadcast %scan3A_713 : i32 to vector<16x1xi32>
      %gather3A_722 = vector.shape_cast %broadcast_in_dim3A_721 : vector<16x1xi32> to vector<16xi32>
      %gather3A_723 = tpu.dynamic_gather %div3A_190[%gather3A_722] in [0] : vector<16xf32>, vector<16xi32> -> vector<16xf32>
      %broadcast_in_dim3A_724 = vector.broadcast %scan3A_713 : i32 to vector<16x1xi32>
      %gather3A_725 = vector.shape_cast %broadcast_in_dim3A_724 : vector<16x1xi32> to vector<16xi32>
      %gather3A_726 = tpu.dynamic_gather %div3A_193[%gather3A_725] in [0] : vector<16xf32>, vector<16xi32> -> vector<16xf32>
      %add3A_727 = arith.constant 32 : i32
      %add3A_728 = arith.addi %add3A_727, %add3A_716 : i32
      %shift_right_logical3A_729 = arith.constant 3 : i32
      %shift_right_logical3A_730 = arith.shrui %add3A_716, %shift_right_logical3A_729 : i32
      %mul3A_731 = arith.constant 16 : i32
      %mul3A_732 = arith.muli %shift_right_logical3A_730, %mul3A_731 : i32
      %add3A_733 = arith.constant 8 : i32
      %add3A_734 = arith.addi %mul3A_732, %add3A_733 : i32
      %and3A_735 = arith.constant 7 : i32
      %and3A_736 = arith.andi %add3A_716, %and3A_735 : i32
      %add3A_737 = arith.addi %add3A_734, %and3A_736 : i32
      %mul3A_738 = arith.constant 128 : i32
      %mul3A_739 = arith.muli %add3A_737, %mul3A_738 : i32
      %add3A_740 = arith.constant 0 : i32
      %add3A_741 = arith.addi %mul3A_739, %add3A_740 : i32
      %get3A_742 = arith.index_cast %add3A_728 : i32 to index
      %get3A_743 = arith.constant 0 : index
      %get3A_744 = tpu.vector_load %arg11[%get3A_742, %get3A_743] {strides = array<i32>} : memref<64x128xf32, #tpu.memory_space<vmem>>, vector<1x16xf32>,
      %get3A_745 = vector.shape_cast %get3A_744 : vector<1x16xf32> to vector<16xf32>
      %add3A_746 = arith.addf %get3A_745, %get3A_551 : vector<16xf32>
      %mul3A_747 = arith.mulf %gather3A_717, %get3A_471 : vector<16xf32>
      %mul3A_748 = arith.mulf %gather3A_720, %get3A_491 : vector<16xf32>
      %add3A_749 = arith.addf %mul3A_747, %mul3A_748 : vector<16xf32>
      %mul3A_750 = arith.mulf %gather3A_723, %get3A_511 : vector<16xf32>
      %mul3A_751 = arith.mulf %gather3A_726, %get3A_531 : vector<16xf32>
      %add3A_752 = arith.addf %mul3A_750, %mul3A_751 : vector<16xf32>
      %add3A_753 = arith.addf %add3A_749, %add3A_752 : vector<16xf32>
      %add3A_754 = arith.addf %add3A_746, %add3A_753 : vector<16xf32>
      %add3A_755 = arith.constant 0 : i32
      %add3A_756 = arith.addi %add3A_741, %add3A_755 : i32
      %swap3A_757 = arith.index_cast %add3A_756 : i32 to index
      %swap3A_758 = tpu.vector_load %arg12[%swap3A_757] {strides = array<i32>} : memref<8192xf32, #tpu.memory_space<vmem>>, vector<16xf32>,
      %swap3A_759 = vector.shape_cast %swap3A_758 : vector<16xf32> to vector<16xf32>
      %swap3A_760 = vector.shape_cast %add3A_754 : vector<16xf32> to vector<16xf32>
      tpu.vector_store %arg12[%swap3A_757], %swap3A_760 {strides = array<i32>} : memref<8192xf32, #tpu.memory_space<vmem>>, vector<16xf32>,
      %get3A_761 = arith.index_cast %add3A_728 : i32 to index
      %get3A_762 = arith.constant 16 : index
      %get3A_763 = tpu.vector_load %arg11[%get3A_761, %get3A_762] {strides = array<i32>} : memref<64x128xf32, #tpu.memory_space<vmem>>, vector<1x16xf32>,
      %get3A_764 = vector.shape_cast %get3A_763 : vector<1x16xf32> to vector<16xf32>
      %add3A_765 = arith.addf %get3A_764, %get3A_556 : vector<16xf32>
      %mul3A_766 = arith.mulf %gather3A_717, %get3A_476 : vector<16xf32>
      %mul3A_767 = arith.mulf %gather3A_720, %get3A_496 : vector<16xf32>
      %add3A_768 = arith.addf %mul3A_766, %mul3A_767 : vector<16xf32>
      %mul3A_769 = arith.mulf %gather3A_723, %get3A_516 : vector<16xf32>
      %mul3A_770 = arith.mulf %gather3A_726, %get3A_536 : vector<16xf32>
      %add3A_771 = arith.addf %mul3A_769, %mul3A_770 : vector<16xf32>
      %add3A_772 = arith.addf %add3A_768, %add3A_771 : vector<16xf32>
      %add3A_773 = arith.addf %add3A_765, %add3A_772 : vector<16xf32>
      %add3A_774 = arith.constant 16 : i32
      %add3A_775 = arith.addi %add3A_741, %add3A_774 : i32
      %swap3A_776 = arith.index_cast %add3A_775 : i32 to index
      %swap3A_777 = tpu.vector_load %arg12[%swap3A_776] {strides = array<i32>} : memref<8192xf32, #tpu.memory_space<vmem>>, vector<16xf32>,
      %swap3A_778 = vector.shape_cast %swap3A_777 : vector<16xf32> to vector<16xf32>
      %swap3A_779 = vector.shape_cast %add3A_773 : vector<16xf32> to vector<16xf32>
      tpu.vector_store %arg12[%swap3A_776], %swap3A_779 {strides = array<i32>} : memref<8192xf32, #tpu.memory_space<vmem>>, vector<16xf32>,
      %get3A_780 = arith.index_cast %add3A_728 : i32 to index
      %get3A_781 = arith.constant 32 : index
      %get3A_782 = tpu.vector_load %arg11[%get3A_780, %get3A_781] {strides = array<i32>} : memref<64x128xf32, #tpu.memory_space<vmem>>, vector<1x16xf32>,
      %get3A_783 = vector.shape_cast %get3A_782 : vector<1x16xf32> to vector<16xf32>
      %add3A_784 = arith.addf %get3A_783, %get3A_561 : vector<16xf32>
      %mul3A_785 = arith.mulf %gather3A_717, %get3A_481 : vector<16xf32>
      %mul3A_786 = arith.mulf %gather3A_720, %get3A_501 : vector<16xf32>
      %add3A_787 = arith.addf %mul3A_785, %mul3A_786 : vector<16xf32>
      %mul3A_788 = arith.mulf %gather3A_723, %get3A_521 : vector<16xf32>
      %mul3A_789 = arith.mulf %gather3A_726, %get3A_541 : vector<16xf32>
      %add3A_790 = arith.addf %mul3A_788, %mul3A_789 : vector<16xf32>
      %add3A_791 = arith.addf %add3A_787, %add3A_790 : vector<16xf32>
      %add3A_792 = arith.addf %add3A_784, %add3A_791 : vector<16xf32>
      %add3A_793 = arith.constant 32 : i32
      %add3A_794 = arith.addi %add3A_741, %add3A_793 : i32
      %swap3A_795 = arith.index_cast %add3A_794 : i32 to index
      %swap3A_796 = tpu.vector_load %arg12[%swap3A_795] {strides = array<i32>} : memref<8192xf32, #tpu.memory_space<vmem>>, vector<16xf32>,
      %swap3A_797 = vector.shape_cast %swap3A_796 : vector<16xf32> to vector<16xf32>
      %swap3A_798 = vector.shape_cast %add3A_792 : vector<16xf32> to vector<16xf32>
      tpu.vector_store %arg12[%swap3A_795], %swap3A_798 {strides = array<i32>} : memref<8192xf32, #tpu.memory_space<vmem>>, vector<16xf32>,
      %get3A_799 = arith.index_cast %add3A_728 : i32 to index
      %get3A_800 = arith.constant 48 : index
      %get3A_801 = tpu.vector_load %arg11[%get3A_799, %get3A_800] {strides = array<i32>} : memref<64x128xf32, #tpu.memory_space<vmem>>, vector<1x16xf32>,
      %get3A_802 = vector.shape_cast %get3A_801 : vector<1x16xf32> to vector<16xf32>
      %add3A_803 = arith.addf %get3A_802, %get3A_566 : vector<16xf32>
      %mul3A_804 = arith.mulf %gather3A_717, %get3A_486 : vector<16xf32>
      %mul3A_805 = arith.mulf %gather3A_720, %get3A_506 : vector<16xf32>
      %add3A_806 = arith.addf %mul3A_804, %mul3A_805 : vector<16xf32>
      %mul3A_807 = arith.mulf %gather3A_723, %get3A_526 : vector<16xf32>
      %mul3A_808 = arith.mulf %gather3A_726, %get3A_546 : vector<16xf32>
      %add3A_809 = arith.addf %mul3A_807, %mul3A_808 : vector<16xf32>
      %add3A_810 = arith.addf %add3A_806, %add3A_809 : vector<16xf32>
      %add3A_811 = arith.addf %add3A_803, %add3A_810 : vector<16xf32>
      %add3A_812 = arith.constant 48 : i32
      %add3A_813 = arith.addi %add3A_741, %add3A_812 : i32
      %swap3A_814 = arith.index_cast %add3A_813 : i32 to index
      %swap3A_815 = tpu.vector_load %arg12[%swap3A_814] {strides = array<i32>} : memref<8192xf32, #tpu.memory_space<vmem>>, vector<16xf32>,
      %swap3A_816 = vector.shape_cast %swap3A_815 : vector<16xf32> to vector<16xf32>
      %swap3A_817 = vector.shape_cast %add3A_811 : vector<16xf32> to vector<16xf32>
      tpu.vector_store %arg12[%swap3A_814], %swap3A_817 {strides = array<i32>} : memref<8192xf32, #tpu.memory_space<vmem>>, vector<16xf32>,
      %scan3A_818 = arith.constant 0 : i32
      scf.yield %scan3A_818 : i32
    }
    %scan3A_596 = arith.constant 16 : i32
    %get3A_597 = arith.constant 0 : i32
    %get3A_598 = arith.index_cast %get3A_597 : i32 to index
    %get3A_599 = arith.constant 192 : index
    %get3A_600 = tpu.vector_load %arg8[%get3A_598, %get3A_599] {strides = array<i32>} : memref<4x256xf32, #tpu.memory_space<vmem>>, vector<1x16xf32>,
    %get3A_601 = vector.shape_cast %get3A_600 : vector<1x16xf32> to vector<16xf32>
    %get3A_602 = arith.constant 0 : i32
    %get3A_603 = arith.index_cast %get3A_602 : i32 to index
    %get3A_604 = arith.constant 208 : index
    %get3A_605 = tpu.vector_load %arg8[%get3A_603, %get3A_604] {strides = array<i32>} : memref<4x256xf32, #tpu.memory_space<vmem>>, vector<1x16xf32>,
    %get3A_606 = vector.shape_cast %get3A_605 : vector<1x16xf32> to vector<16xf32>
    %get3A_607 = arith.constant 0 : i32
    %get3A_608 = arith.index_cast %get3A_607 : i32 to index
    %get3A_609 = arith.constant 224 : index
    %get3A_610 = tpu.vector_load %arg8[%get3A_608, %get3A_609] {strides = array<i32>} : memref<4x256xf32, #tpu.memory_space<vmem>>, vector<1x16xf32>,
    %get3A_611 = vector.shape_cast %get3A_610 : vector<1x16xf32> to vector<16xf32>
    %get3A_612 = arith.constant 0 : i32
    %get3A_613 = arith.index_cast %get3A_612 : i32 to index
    %get3A_614 = arith.constant 240 : index
    %get3A_615 = tpu.vector_load %arg8[%get3A_613, %get3A_614] {strides = array<i32>} : memref<4x256xf32, #tpu.memory_space<vmem>>, vector<1x16xf32>,
    %get3A_616 = vector.shape_cast %get3A_615 : vector<1x16xf32> to vector<16xf32>
    %get3A_617 = arith.constant 1 : i32
    %get3A_618 = arith.index_cast %get3A_617 : i32 to index
    %get3A_619 = arith.constant 192 : index
    %get3A_620 = tpu.vector_load %arg8[%get3A_618, %get3A_619] {strides = array<i32>} : memref<4x256xf32, #tpu.memory_space<vmem>>, vector<1x16xf32>,
    %get3A_621 = vector.shape_cast %get3A_620 : vector<1x16xf32> to vector<16xf32>
    %get3A_622 = arith.constant 1 : i32
    %get3A_623 = arith.index_cast %get3A_622 : i32 to index
    %get3A_624 = arith.constant 208 : index
    %get3A_625 = tpu.vector_load %arg8[%get3A_623, %get3A_624] {strides = array<i32>} : memref<4x256xf32, #tpu.memory_space<vmem>>, vector<1x16xf32>,
    %get3A_626 = vector.shape_cast %get3A_625 : vector<1x16xf32> to vector<16xf32>
    %get3A_627 = arith.constant 1 : i32
    %get3A_628 = arith.index_cast %get3A_627 : i32 to index
    %get3A_629 = arith.constant 224 : index
    %get3A_630 = tpu.vector_load %arg8[%get3A_628, %get3A_629] {strides = array<i32>} : memref<4x256xf32, #tpu.memory_space<vmem>>, vector<1x16xf32>,
    %get3A_631 = vector.shape_cast %get3A_630 : vector<1x16xf32> to vector<16xf32>
    %get3A_632 = arith.constant 1 : i32
    %get3A_633 = arith.index_cast %get3A_632 : i32 to index
    %get3A_634 = arith.constant 240 : index
    %get3A_635 = tpu.vector_load %arg8[%get3A_633, %get3A_634] {strides = array<i32>} : memref<4x256xf32, #tpu.memory_space<vmem>>, vector<1x16xf32>,
    %get3A_636 = vector.shape_cast %get3A_635 : vector<1x16xf32> to vector<16xf32>
    %get3A_637 = arith.constant 2 : i32
    %get3A_638 = arith.index_cast %get3A_637 : i32 to index
    %get3A_639 = arith.constant 192 : index
    %get3A_640 = tpu.vector_load %arg8[%get3A_638, %get3A_639] {strides = array<i32>} : memref<4x256xf32, #tpu.memory_space<vmem>>, vector<1x16xf32>,
    %get3A_641 = vector.shape_cast %get3A_640 : vector<1x16xf32> to vector<16xf32>
    %get3A_642 = arith.constant 2 : i32
    %get3A_643 = arith.index_cast %get3A_642 : i32 to index
    %get3A_644 = arith.constant 208 : index
    %get3A_645 = tpu.vector_load %arg8[%get3A_643, %get3A_644] {strides = array<i32>} : memref<4x256xf32, #tpu.memory_space<vmem>>, vector<1x16xf32>,
    %get3A_646 = vector.shape_cast %get3A_645 : vector<1x16xf32> to vector<16xf32>
    %get3A_647 = arith.constant 2 : i32
    %get3A_648 = arith.index_cast %get3A_647 : i32 to index
    %get3A_649 = arith.constant 224 : index
    %get3A_650 = tpu.vector_load %arg8[%get3A_648, %get3A_649] {strides = array<i32>} : memref<4x256xf32, #tpu.memory_space<vmem>>, vector<1x16xf32>,
    %get3A_651 = vector.shape_cast %get3A_650 : vector<1x16xf32> to vector<16xf32>
    %get3A_652 = arith.constant 2 : i32
    %get3A_653 = arith.index_cast %get3A_652 : i32 to index
    %get3A_654 = arith.constant 240 : index
    %get3A_655 = tpu.vector_load %arg8[%get3A_653, %get3A_654] {strides = array<i32>} : memref<4x256xf32, #tpu.memory_space<vmem>>, vector<1x16xf32>,
    %get3A_656 = vector.shape_cast %get3A_655 : vector<1x16xf32> to vector<16xf32>
    %get3A_657 = arith.constant 3 : i32
    %get3A_658 = arith.index_cast %get3A_657 : i32 to index
    %get3A_659 = arith.constant 192 : index
    %get3A_660 = tpu.vector_load %arg8[%get3A_658, %get3A_659] {strides = array<i32>} : memref<4x256xf32, #tpu.memory_space<vmem>>, vector<1x16xf32>,
    %get3A_661 = vector.shape_cast %get3A_660 : vector<1x16xf32> to vector<16xf32>
    %get3A_662 = arith.constant 3 : i32
    %get3A_663 = arith.index_cast %get3A_662 : i32 to index
    %get3A_664 = arith.constant 208 : index
    %get3A_665 = tpu.vector_load %arg8[%get3A_663, %get3A_664] {strides = array<i32>} : memref<4x256xf32, #tpu.memory_space<vmem>>, vector<1x16xf32>,
    %get3A_666 = vector.shape_cast %get3A_665 : vector<1x16xf32> to vector<16xf32>
    %get3A_667 = arith.constant 3 : i32
    %get3A_668 = arith.index_cast %get3A_667 : i32 to index
    %get3A_669 = arith.constant 224 : index
    %get3A_670 = tpu.vector_load %arg8[%get3A_668, %get3A_669] {strides = array<i32>} : memref<4x256xf32, #tpu.memory_space<vmem>>, vector<1x16xf32>,
    %get3A_671 = vector.shape_cast %get3A_670 : vector<1x16xf32> to vector<16xf32>
    %get3A_672 = arith.constant 3 : i32
    %get3A_673 = arith.index_cast %get3A_672 : i32 to index
    %get3A_674 = arith.constant 240 : index
    %get3A_675 = tpu.vector_load %arg8[%get3A_673, %get3A_674] {strides = array<i32>} : memref<4x256xf32, #tpu.memory_space<vmem>>, vector<1x16xf32>,
    %get3A_676 = vector.shape_cast %get3A_675 : vector<1x16xf32> to vector<16xf32>
    %get3A_677 = arith.constant 0 : i32
    %get3A_678 = arith.index_cast %get3A_677 : i32 to index
    %get3A_679 = arith.constant 192 : index
    %get3A_680 = tpu.vector_load %arg9[%get3A_678, %get3A_679] {strides = array<i32>} : memref<1x256xf32, #tpu.memory_space<vmem>>, vector<1x16xf32>,
    %get3A_681 = vector.shape_cast %get3A_680 : vector<1x16xf32> to vector<16xf32>
    %get3A_682 = arith.constant 0 : i32
    %get3A_683 = arith.index_cast %get3A_682 : i32 to index
    %get3A_684 = arith.constant 208 : index
    %get3A_685 = tpu.vector_load %arg9[%get3A_683, %get3A_684] {strides = array<i32>} : memref<1x256xf32, #tpu.memory_space<vmem>>, vector<1x16xf32>,
    %get3A_686 = vector.shape_cast %get3A_685 : vector<1x16xf32> to vector<16xf32>
    %get3A_687 = arith.constant 0 : i32
    %get3A_688 = arith.index_cast %get3A_687 : i32 to index
    %get3A_689 = arith.constant 224 : index
    %get3A_690 = tpu.vector_load %arg9[%get3A_688, %get3A_689] {strides = array<i32>} : memref<1x256xf32, #tpu.memory_space<vmem>>, vector<1x16xf32>,
    %get3A_691 = vector.shape_cast %get3A_690 : vector<1x16xf32> to vector<16xf32>
    %get3A_692 = arith.constant 0 : i32
    %get3A_693 = arith.index_cast %get3A_692 : i32 to index
    %get3A_694 = arith.constant 240 : index
    %get3A_695 = tpu.vector_load %arg9[%get3A_693, %get3A_694] {strides = array<i32>} : memref<1x256xf32, #tpu.memory_space<vmem>>, vector<1x16xf32>,
    %get3A_696 = vector.shape_cast %get3A_695 : vector<1x16xf32> to vector<16xf32>
    %scan3A_697 = arith.constant 0 : i32
    %scan3A_698 = arith.constant 0 : i32
    %scan3A_699 = arith.constant 16 : i32
    %scan3A_700 = arith.addi %scan3A_698, %scan3A_699 : i32
    %scan3A_701 = arith.constant 1 : i32
    %scan3A_702 = scf.for %scan3A_713 = %scan3A_698 to %scan3A_700 step %scan3A_701 iter_args(%scan3A_714 = %scan3A_697) -> (i32)  : i32 {
      %add3A_715 = arith.constant 0 : i32
      %add3A_716 = arith.addi %add3A_715, %scan3A_713 : i32
      %broadcast_in_dim3A = vector.broadcast %scan3A_713 : i32 to vector<16x1xi32>
      %gather3A = vector.shape_cast %broadcast_in_dim3A : vector<16x1xi32> to vector<16xi32>
      %gather3A_717 = tpu.dynamic_gather %div3A_80[%gather3A] in [0] : vector<16xf32>, vector<16xi32> -> vector<16xf32>
      %broadcast_in_dim3A_718 = vector.broadcast %scan3A_713 : i32 to vector<16x1xi32>
      %gather3A_719 = vector.shape_cast %broadcast_in_dim3A_718 : vector<16x1xi32> to vector<16xi32>
      %gather3A_720 = tpu.dynamic_gather %div3A_87[%gather3A_719] in [0] : vector<16xf32>, vector<16xi32> -> vector<16xf32>
      %broadcast_in_dim3A_721 = vector.broadcast %scan3A_713 : i32 to vector<16x1xi32>
      %gather3A_722 = vector.shape_cast %broadcast_in_dim3A_721 : vector<16x1xi32> to vector<16xi32>
      %gather3A_723 = tpu.dynamic_gather %div3A_90[%gather3A_722] in [0] : vector<16xf32>, vector<16xi32> -> vector<16xf32>
      %broadcast_in_dim3A_724 = vector.broadcast %scan3A_713 : i32 to vector<16x1xi32>
      %gather3A_725 = vector.shape_cast %broadcast_in_dim3A_724 : vector<16x1xi32> to vector<16xi32>
      %gather3A_726 = tpu.dynamic_gather %div3A_93[%gather3A_725] in [0] : vector<16xf32>, vector<16xi32> -> vector<16xf32>
      %add3A_727 = arith.constant 32 : i32
      %add3A_728 = arith.addi %add3A_727, %add3A_716 : i32
      %shift_right_logical3A_729 = arith.constant 3 : i32
      %shift_right_logical3A_730 = arith.shrui %add3A_716, %shift_right_logical3A_729 : i32
      %mul3A_731 = arith.constant 16 : i32
      %mul3A_732 = arith.muli %shift_right_logical3A_730, %mul3A_731 : i32
      %add3A_733 = arith.constant 8 : i32
      %add3A_734 = arith.addi %mul3A_732, %add3A_733 : i32
      %and3A_735 = arith.constant 7 : i32
      %and3A_736 = arith.andi %add3A_716, %and3A_735 : i32
      %add3A_737 = arith.addi %add3A_734, %and3A_736 : i32
      %mul3A_738 = arith.constant 128 : i32
      %mul3A_739 = arith.muli %add3A_737, %mul3A_738 : i32
      %add3A_740 = arith.constant 64 : i32
      %add3A_741 = arith.addi %mul3A_739, %add3A_740 : i32
      %get3A_742 = arith.index_cast %add3A_728 : i32 to index
      %get3A_743 = arith.constant 64 : index
      %get3A_744 = tpu.vector_load %arg11[%get3A_742, %get3A_743] {strides = array<i32>} : memref<64x128xf32, #tpu.memory_space<vmem>>, vector<1x16xf32>,
      %get3A_745 = vector.shape_cast %get3A_744 : vector<1x16xf32> to vector<16xf32>
      %add3A_746 = arith.addf %get3A_745, %get3A_681 : vector<16xf32>
      %mul3A_747 = arith.mulf %gather3A_717, %get3A_601 : vector<16xf32>
      %mul3A_748 = arith.mulf %gather3A_720, %get3A_621 : vector<16xf32>
      %add3A_749 = arith.addf %mul3A_747, %mul3A_748 : vector<16xf32>
      %mul3A_750 = arith.mulf %gather3A_723, %get3A_641 : vector<16xf32>
      %mul3A_751 = arith.mulf %gather3A_726, %get3A_661 : vector<16xf32>
      %add3A_752 = arith.addf %mul3A_750, %mul3A_751 : vector<16xf32>
      %add3A_753 = arith.addf %add3A_749, %add3A_752 : vector<16xf32>
      %add3A_754 = arith.addf %add3A_746, %add3A_753 : vector<16xf32>
      %add3A_755 = arith.constant 0 : i32
      %add3A_756 = arith.addi %add3A_741, %add3A_755 : i32
      %swap3A_757 = arith.index_cast %add3A_756 : i32 to index
      %swap3A_758 = tpu.vector_load %arg12[%swap3A_757] {strides = array<i32>} : memref<8192xf32, #tpu.memory_space<vmem>>, vector<16xf32>,
      %swap3A_759 = vector.shape_cast %swap3A_758 : vector<16xf32> to vector<16xf32>
      %swap3A_760 = vector.shape_cast %add3A_754 : vector<16xf32> to vector<16xf32>
      tpu.vector_store %arg12[%swap3A_757], %swap3A_760 {strides = array<i32>} : memref<8192xf32, #tpu.memory_space<vmem>>, vector<16xf32>,
      %get3A_761 = arith.index_cast %add3A_728 : i32 to index
      %get3A_762 = arith.constant 80 : index
      %get3A_763 = tpu.vector_load %arg11[%get3A_761, %get3A_762] {strides = array<i32>} : memref<64x128xf32, #tpu.memory_space<vmem>>, vector<1x16xf32>,
      %get3A_764 = vector.shape_cast %get3A_763 : vector<1x16xf32> to vector<16xf32>
      %add3A_765 = arith.addf %get3A_764, %get3A_686 : vector<16xf32>
      %mul3A_766 = arith.mulf %gather3A_717, %get3A_606 : vector<16xf32>
      %mul3A_767 = arith.mulf %gather3A_720, %get3A_626 : vector<16xf32>
      %add3A_768 = arith.addf %mul3A_766, %mul3A_767 : vector<16xf32>
      %mul3A_769 = arith.mulf %gather3A_723, %get3A_646 : vector<16xf32>
      %mul3A_770 = arith.mulf %gather3A_726, %get3A_666 : vector<16xf32>
      %add3A_771 = arith.addf %mul3A_769, %mul3A_770 : vector<16xf32>
      %add3A_772 = arith.addf %add3A_768, %add3A_771 : vector<16xf32>
      %add3A_773 = arith.addf %add3A_765, %add3A_772 : vector<16xf32>
      %add3A_774 = arith.constant 16 : i32
      %add3A_775 = arith.addi %add3A_741, %add3A_774 : i32
      %swap3A_776 = arith.index_cast %add3A_775 : i32 to index
      %swap3A_777 = tpu.vector_load %arg12[%swap3A_776] {strides = array<i32>} : memref<8192xf32, #tpu.memory_space<vmem>>, vector<16xf32>,
      %swap3A_778 = vector.shape_cast %swap3A_777 : vector<16xf32> to vector<16xf32>
      %swap3A_779 = vector.shape_cast %add3A_773 : vector<16xf32> to vector<16xf32>
      tpu.vector_store %arg12[%swap3A_776], %swap3A_779 {strides = array<i32>} : memref<8192xf32, #tpu.memory_space<vmem>>, vector<16xf32>,
      %get3A_780 = arith.index_cast %add3A_728 : i32 to index
      %get3A_781 = arith.constant 96 : index
      %get3A_782 = tpu.vector_load %arg11[%get3A_780, %get3A_781] {strides = array<i32>} : memref<64x128xf32, #tpu.memory_space<vmem>>, vector<1x16xf32>,
      %get3A_783 = vector.shape_cast %get3A_782 : vector<1x16xf32> to vector<16xf32>
      %add3A_784 = arith.addf %get3A_783, %get3A_691 : vector<16xf32>
      %mul3A_785 = arith.mulf %gather3A_717, %get3A_611 : vector<16xf32>
      %mul3A_786 = arith.mulf %gather3A_720, %get3A_631 : vector<16xf32>
      %add3A_787 = arith.addf %mul3A_785, %mul3A_786 : vector<16xf32>
      %mul3A_788 = arith.mulf %gather3A_723, %get3A_651 : vector<16xf32>
      %mul3A_789 = arith.mulf %gather3A_726, %get3A_671 : vector<16xf32>
      %add3A_790 = arith.addf %mul3A_788, %mul3A_789 : vector<16xf32>
      %add3A_791 = arith.addf %add3A_787, %add3A_790 : vector<16xf32>
      %add3A_792 = arith.addf %add3A_784, %add3A_791 : vector<16xf32>
      %add3A_793 = arith.constant 32 : i32
      %add3A_794 = arith.addi %add3A_741, %add3A_793 : i32
      %swap3A_795 = arith.index_cast %add3A_794 : i32 to index
      %swap3A_796 = tpu.vector_load %arg12[%swap3A_795] {strides = array<i32>} : memref<8192xf32, #tpu.memory_space<vmem>>, vector<16xf32>,
      %swap3A_797 = vector.shape_cast %swap3A_796 : vector<16xf32> to vector<16xf32>
      %swap3A_798 = vector.shape_cast %add3A_792 : vector<16xf32> to vector<16xf32>
      tpu.vector_store %arg12[%swap3A_795], %swap3A_798 {strides = array<i32>} : memref<8192xf32, #tpu.memory_space<vmem>>, vector<16xf32>,
      %get3A_799 = arith.index_cast %add3A_728 : i32 to index
      %get3A_800 = arith.constant 112 : index
      %get3A_801 = tpu.vector_load %arg11[%get3A_799, %get3A_800] {strides = array<i32>} : memref<64x128xf32, #tpu.memory_space<vmem>>, vector<1x16xf32>,
      %get3A_802 = vector.shape_cast %get3A_801 : vector<1x16xf32> to vector<16xf32>
      %add3A_803 = arith.addf %get3A_802, %get3A_696 : vector<16xf32>
      %mul3A_804 = arith.mulf %gather3A_717, %get3A_616 : vector<16xf32>
      %mul3A_805 = arith.mulf %gather3A_720, %get3A_636 : vector<16xf32>
      %add3A_806 = arith.addf %mul3A_804, %mul3A_805 : vector<16xf32>
      %mul3A_807 = arith.mulf %gather3A_723, %get3A_656 : vector<16xf32>
      %mul3A_808 = arith.mulf %gather3A_726, %get3A_676 : vector<16xf32>
      %add3A_809 = arith.addf %mul3A_807, %mul3A_808 : vector<16xf32>
      %add3A_810 = arith.addf %add3A_806, %add3A_809 : vector<16xf32>
      %add3A_811 = arith.addf %add3A_803, %add3A_810 : vector<16xf32>
      %add3A_812 = arith.constant 48 : i32
      %add3A_813 = arith.addi %add3A_741, %add3A_812 : i32
      %swap3A_814 = arith.index_cast %add3A_813 : i32 to index
      %swap3A_815 = tpu.vector_load %arg12[%swap3A_814] {strides = array<i32>} : memref<8192xf32, #tpu.memory_space<vmem>>, vector<16xf32>,
      %swap3A_816 = vector.shape_cast %swap3A_815 : vector<16xf32> to vector<16xf32>
      %swap3A_817 = vector.shape_cast %add3A_811 : vector<16xf32> to vector<16xf32>
      tpu.vector_store %arg12[%swap3A_814], %swap3A_817 {strides = array<i32>} : memref<8192xf32, #tpu.memory_space<vmem>>, vector<16xf32>,
      %scan3A_818 = arith.constant 0 : i32
      scf.yield %scan3A_818 : i32
    }
    %scan3A_703 = arith.constant 16 : i32
    %scan3A_704 = arith.constant 0 : i32
    %scan3A_705 = arith.constant 0 : i32
    %scan3A_706 = arith.constant 16 : i32
    %scan3A_707 = arith.addi %scan3A_705, %scan3A_706 : i32
    %scan3A_708 = arith.constant 1 : i32
    %scan3A_709 = scf.for %scan3A_713 = %scan3A_705 to %scan3A_707 step %scan3A_708 iter_args(%scan3A_714 = %scan3A_704) -> (i32)  : i32 {
      %add3A_715 = arith.constant 16 : i32
      %add3A_716 = arith.addi %add3A_715, %scan3A_713 : i32
      %broadcast_in_dim3A = vector.broadcast %scan3A_713 : i32 to vector<16x1xi32>
      %gather3A = vector.shape_cast %broadcast_in_dim3A : vector<16x1xi32> to vector<16xi32>
      %gather3A_717 = tpu.dynamic_gather %div3A_180[%gather3A] in [0] : vector<16xf32>, vector<16xi32> -> vector<16xf32>
      %broadcast_in_dim3A_718 = vector.broadcast %scan3A_713 : i32 to vector<16x1xi32>
      %gather3A_719 = vector.shape_cast %broadcast_in_dim3A_718 : vector<16x1xi32> to vector<16xi32>
      %gather3A_720 = tpu.dynamic_gather %div3A_187[%gather3A_719] in [0] : vector<16xf32>, vector<16xi32> -> vector<16xf32>
      %broadcast_in_dim3A_721 = vector.broadcast %scan3A_713 : i32 to vector<16x1xi32>
      %gather3A_722 = vector.shape_cast %broadcast_in_dim3A_721 : vector<16x1xi32> to vector<16xi32>
      %gather3A_723 = tpu.dynamic_gather %div3A_190[%gather3A_722] in [0] : vector<16xf32>, vector<16xi32> -> vector<16xf32>
      %broadcast_in_dim3A_724 = vector.broadcast %scan3A_713 : i32 to vector<16x1xi32>
      %gather3A_725 = vector.shape_cast %broadcast_in_dim3A_724 : vector<16x1xi32> to vector<16xi32>
      %gather3A_726 = tpu.dynamic_gather %div3A_193[%gather3A_725] in [0] : vector<16xf32>, vector<16xi32> -> vector<16xf32>
      %add3A_727 = arith.constant 32 : i32
      %add3A_728 = arith.addi %add3A_727, %add3A_716 : i32
      %shift_right_logical3A_729 = arith.constant 3 : i32
      %shift_right_logical3A_730 = arith.shrui %add3A_716, %shift_right_logical3A_729 : i32
      %mul3A_731 = arith.constant 16 : i32
      %mul3A_732 = arith.muli %shift_right_logical3A_730, %mul3A_731 : i32
      %add3A_733 = arith.constant 8 : i32
      %add3A_734 = arith.addi %mul3A_732, %add3A_733 : i32
      %and3A_735 = arith.constant 7 : i32
      %and3A_736 = arith.andi %add3A_716, %and3A_735 : i32
      %add3A_737 = arith.addi %add3A_734, %and3A_736 : i32
      %mul3A_738 = arith.constant 128 : i32
      %mul3A_739 = arith.muli %add3A_737, %mul3A_738 : i32
      %add3A_740 = arith.constant 64 : i32
      %add3A_741 = arith.addi %mul3A_739, %add3A_740 : i32
      %get3A_742 = arith.index_cast %add3A_728 : i32 to index
      %get3A_743 = arith.constant 64 : index
      %get3A_744 = tpu.vector_load %arg11[%get3A_742, %get3A_743] {strides = array<i32>} : memref<64x128xf32, #tpu.memory_space<vmem>>, vector<1x16xf32>,
      %get3A_745 = vector.shape_cast %get3A_744 : vector<1x16xf32> to vector<16xf32>
      %add3A_746 = arith.addf %get3A_745, %get3A_681 : vector<16xf32>
      %mul3A_747 = arith.mulf %gather3A_717, %get3A_601 : vector<16xf32>
      %mul3A_748 = arith.mulf %gather3A_720, %get3A_621 : vector<16xf32>
      %add3A_749 = arith.addf %mul3A_747, %mul3A_748 : vector<16xf32>
      %mul3A_750 = arith.mulf %gather3A_723, %get3A_641 : vector<16xf32>
      %mul3A_751 = arith.mulf %gather3A_726, %get3A_661 : vector<16xf32>
      %add3A_752 = arith.addf %mul3A_750, %mul3A_751 : vector<16xf32>
      %add3A_753 = arith.addf %add3A_749, %add3A_752 : vector<16xf32>
      %add3A_754 = arith.addf %add3A_746, %add3A_753 : vector<16xf32>
      %add3A_755 = arith.constant 0 : i32
      %add3A_756 = arith.addi %add3A_741, %add3A_755 : i32
      %swap3A_757 = arith.index_cast %add3A_756 : i32 to index
      %swap3A_758 = tpu.vector_load %arg12[%swap3A_757] {strides = array<i32>} : memref<8192xf32, #tpu.memory_space<vmem>>, vector<16xf32>,
      %swap3A_759 = vector.shape_cast %swap3A_758 : vector<16xf32> to vector<16xf32>
      %swap3A_760 = vector.shape_cast %add3A_754 : vector<16xf32> to vector<16xf32>
      tpu.vector_store %arg12[%swap3A_757], %swap3A_760 {strides = array<i32>} : memref<8192xf32, #tpu.memory_space<vmem>>, vector<16xf32>,
      %get3A_761 = arith.index_cast %add3A_728 : i32 to index
      %get3A_762 = arith.constant 80 : index
      %get3A_763 = tpu.vector_load %arg11[%get3A_761, %get3A_762] {strides = array<i32>} : memref<64x128xf32, #tpu.memory_space<vmem>>, vector<1x16xf32>,
      %get3A_764 = vector.shape_cast %get3A_763 : vector<1x16xf32> to vector<16xf32>
      %add3A_765 = arith.addf %get3A_764, %get3A_686 : vector<16xf32>
      %mul3A_766 = arith.mulf %gather3A_717, %get3A_606 : vector<16xf32>
      %mul3A_767 = arith.mulf %gather3A_720, %get3A_626 : vector<16xf32>
      %add3A_768 = arith.addf %mul3A_766, %mul3A_767 : vector<16xf32>
      %mul3A_769 = arith.mulf %gather3A_723, %get3A_646 : vector<16xf32>
      %mul3A_770 = arith.mulf %gather3A_726, %get3A_666 : vector<16xf32>
      %add3A_771 = arith.addf %mul3A_769, %mul3A_770 : vector<16xf32>
      %add3A_772 = arith.addf %add3A_768, %add3A_771 : vector<16xf32>
      %add3A_773 = arith.addf %add3A_765, %add3A_772 : vector<16xf32>
      %add3A_774 = arith.constant 16 : i32
      %add3A_775 = arith.addi %add3A_741, %add3A_774 : i32
      %swap3A_776 = arith.index_cast %add3A_775 : i32 to index
      %swap3A_777 = tpu.vector_load %arg12[%swap3A_776] {strides = array<i32>} : memref<8192xf32, #tpu.memory_space<vmem>>, vector<16xf32>,
      %swap3A_778 = vector.shape_cast %swap3A_777 : vector<16xf32> to vector<16xf32>
      %swap3A_779 = vector.shape_cast %add3A_773 : vector<16xf32> to vector<16xf32>
      tpu.vector_store %arg12[%swap3A_776], %swap3A_779 {strides = array<i32>} : memref<8192xf32, #tpu.memory_space<vmem>>, vector<16xf32>,
      %get3A_780 = arith.index_cast %add3A_728 : i32 to index
      %get3A_781 = arith.constant 96 : index
      %get3A_782 = tpu.vector_load %arg11[%get3A_780, %get3A_781] {strides = array<i32>} : memref<64x128xf32, #tpu.memory_space<vmem>>, vector<1x16xf32>,
      %get3A_783 = vector.shape_cast %get3A_782 : vector<1x16xf32> to vector<16xf32>
      %add3A_784 = arith.addf %get3A_783, %get3A_691 : vector<16xf32>
      %mul3A_785 = arith.mulf %gather3A_717, %get3A_611 : vector<16xf32>
      %mul3A_786 = arith.mulf %gather3A_720, %get3A_631 : vector<16xf32>
      %add3A_787 = arith.addf %mul3A_785, %mul3A_786 : vector<16xf32>
      %mul3A_788 = arith.mulf %gather3A_723, %get3A_651 : vector<16xf32>
      %mul3A_789 = arith.mulf %gather3A_726, %get3A_671 : vector<16xf32>
      %add3A_790 = arith.addf %mul3A_788, %mul3A_789 : vector<16xf32>
      %add3A_791 = arith.addf %add3A_787, %add3A_790 : vector<16xf32>
      %add3A_792 = arith.addf %add3A_784, %add3A_791 : vector<16xf32>
      %add3A_793 = arith.constant 32 : i32
      %add3A_794 = arith.addi %add3A_741, %add3A_793 : i32
      %swap3A_795 = arith.index_cast %add3A_794 : i32 to index
      %swap3A_796 = tpu.vector_load %arg12[%swap3A_795] {strides = array<i32>} : memref<8192xf32, #tpu.memory_space<vmem>>, vector<16xf32>,
      %swap3A_797 = vector.shape_cast %swap3A_796 : vector<16xf32> to vector<16xf32>
      %swap3A_798 = vector.shape_cast %add3A_792 : vector<16xf32> to vector<16xf32>
      tpu.vector_store %arg12[%swap3A_795], %swap3A_798 {strides = array<i32>} : memref<8192xf32, #tpu.memory_space<vmem>>, vector<16xf32>,
      %get3A_799 = arith.index_cast %add3A_728 : i32 to index
      %get3A_800 = arith.constant 112 : index
      %get3A_801 = tpu.vector_load %arg11[%get3A_799, %get3A_800] {strides = array<i32>} : memref<64x128xf32, #tpu.memory_space<vmem>>, vector<1x16xf32>,
      %get3A_802 = vector.shape_cast %get3A_801 : vector<1x16xf32> to vector<16xf32>
      %add3A_803 = arith.addf %get3A_802, %get3A_696 : vector<16xf32>
      %mul3A_804 = arith.mulf %gather3A_717, %get3A_616 : vector<16xf32>
      %mul3A_805 = arith.mulf %gather3A_720, %get3A_636 : vector<16xf32>
      %add3A_806 = arith.addf %mul3A_804, %mul3A_805 : vector<16xf32>
      %mul3A_807 = arith.mulf %gather3A_723, %get3A_656 : vector<16xf32>
      %mul3A_808 = arith.mulf %gather3A_726, %get3A_676 : vector<16xf32>
      %add3A_809 = arith.addf %mul3A_807, %mul3A_808 : vector<16xf32>
      %add3A_810 = arith.addf %add3A_806, %add3A_809 : vector<16xf32>
      %add3A_811 = arith.addf %add3A_803, %add3A_810 : vector<16xf32>
      %add3A_812 = arith.constant 48 : i32
      %add3A_813 = arith.addi %add3A_741, %add3A_812 : i32
      %swap3A_814 = arith.index_cast %add3A_813 : i32 to index
      %swap3A_815 = tpu.vector_load %arg12[%swap3A_814] {strides = array<i32>} : memref<8192xf32, #tpu.memory_space<vmem>>, vector<16xf32>,
      %swap3A_816 = vector.shape_cast %swap3A_815 : vector<16xf32> to vector<16xf32>
      %swap3A_817 = vector.shape_cast %add3A_811 : vector<16xf32> to vector<16xf32>
      tpu.vector_store %arg12[%swap3A_814], %swap3A_817 {strides = array<i32>} : memref<8192xf32, #tpu.memory_space<vmem>>, vector<16xf32>,
      %scan3A_818 = arith.constant 0 : i32
      scf.yield %scan3A_818 : i32
    }
    %scan3A_710 = arith.constant 16 : i32
    %mul3A_711 = arith.constant 8192 : i32
    %mul3A_712 = arith.muli %add3A, %mul3A_711 : i32
    "tpu.region"() ({
      %run_scoped3A = tpu.sem_alloc : memref<!tpu.dma_semaphore, #tpu.memory_space<semaphore_mem>>
      %dma_start3A_713 = tpu.memref_slice %arg6[%mul3A_712] : memref<262144xf32, #tpu.memory_space<hbm>> -> memref<8192xf32, #tpu.memory_space<hbm>>
      %dma_start3A_714 = tpu.memref_slice %arg6[%mul3A_712] : memref<262144xf32, #tpu.memory_space<hbm>> -> memref<8192xf32, #tpu.memory_space<hbm>>
      tpu.enqueue_dma source(%arg12 : memref<8192xf32, #tpu.memory_space<vmem>>) target(%dma_start3A_714 : memref<8192xf32, #tpu.memory_space<hbm>>) target_semaphore(%run_scoped3A : memref<!tpu.dma_semaphore, #tpu.memory_space<semaphore_mem>>)
      %dma_wait3A_715 = tpu.memref_slice %arg6[%mul3A_712] : memref<262144xf32, #tpu.memory_space<hbm>> -> memref<8192xf32, #tpu.memory_space<hbm>>
      %dma_wait3A_716 = tpu.memref_slice %arg6[%mul3A_712] : memref<262144xf32, #tpu.memory_space<hbm>> -> memref<8192xf32, #tpu.memory_space<hbm>>
      tpu.wait_dma2 semaphore(%run_scoped3A : memref<!tpu.dma_semaphore, #tpu.memory_space<semaphore_mem>>) src(%arg12 : memref<8192xf32, #tpu.memory_space<vmem>>) dst(%dma_wait3A_716 : memref<8192xf32, #tpu.memory_space<hbm>>)
      tpu.yield
    }) : () -> ()
    return
  }
}

</mosaic_0001>

<sc_bundles>
// kernel: kernel.3.cloned.1.call-start
scs
__scs_entry_jumppad:
0x0: {  	(pc) =	sbr.rel $0x88, $3  }
0x1: {  	(tag) =	ssettag $0x0;
	lr =	simm.s32 $0x1  }
0x2: {  	[smem:$0x3F9D] =	sst lr;
	_ =	strace $0xD0000000  }
0x3: {  	_ = 	snop  }
0x4: {  	_ = 	snop  }
0x5: {  	_ = 	snop  }
0x6: {  	_ = 	snop  }
0x7: {  	_ = 	snop  }
__scs_overlays_trampoline_lowered:
0x8: {  	[smem:$0x3FAC] =	sst s0  }
0x9: {  	[smem:$0x3FAD] =	sst s1  }
0xa: {  	[smem:$0x3FAE] =	sst s2  }
0xb: {  	[smem:$0x3FAF] =	sst s3  }
0xc: {  	[smem:$0x3FB0] =	sst s4  }
0xd: {  	[smem:$0x3FB1] =	sst s5  }
0xe: {  	[smem:$0x3FB2] =	sst s6  }
0xf: {  	[smem:$0x3FB3] =	sst s7  }
0x10: {  	[smem:$0x3FB4] =	sst s8  }
0x11: {  	[smem:$0x3FB5] =	sst s9;
	s0 =	simm.s32 @!p0 $0x0  }
0x12: {  	s1 =	sld [smem:$0x3F9B];
	s0 =	simm.s32 @p0 $0x1  }
0x13: {  	[smem:$0x3FB6] =	sst s0;
	s0 =	simm.s32 @!p1 $0x0  }
0x14: {  	s2 =	sld [smem:$0x3F9A];
	s0 =	simm.s32 @p1 $0x1  }
0x15: {  	[smem:$0x3FB7] =	sst s0;
	s0 =	simm.s32 @!p2 $0x0  }
0x16: {  	s3 =	sld [smem:$0x3FDB];
	s0 =	simm.s32 @p2 $0x1  }
0x17: {  	s4 =	simm.s32 $0x1BF5;
	[smem:$0x3FB9] =	sst s0  }
0x18: {  	s0 =	sld [smem:$0x3F9C];
	_ =	swait.ge [sflag:s4], $0x0  }
0x19: {  	s7 =	sld [smem:$0x3F9D]  }
0x1a: {  	s8 =	sadd.s32 $0xFFFFE003, lr  }
0x1b: {  	s9 =	sadd.s32 $0xFFFFFEF7, lr;
	s5 =	simm.s32 $0xFFFFFFFF;
	p2 =	slt.u32 s8, $0xFFFFF086  }
0x1c: {  	p1 =	slt.u32 s9, $0xF7A;
	s5 =	simm.s32 @!p2 $0x0  }
0x1d: {  	s5 =	simm.s32 @p1 $0x1;
	p0 =	seq.s32 s7, s2  }
0x1e: {  	s7 =	smul.u32 @!p0 $0xF7A, s2;
	p2 =	seq.s32 @!p0 s5, $0x0  }
0x1f: {  	s9 =	smul.u32 $0xF7A, s1;
	s8 =	simm.s32 @!p0 $0x1BF5;
	p2 =	por !p2, p0  }
0x20: {  	[sflag:s8] =	ssyncset.s32 @!p0 $0xFFFFF086;
	s6 =	sadd.s32 @!p0 s3, s7;
	s7 =	simm.s32 @!p0 $0x108  }
0x21: {  	s3 =	sadd.s32 s3, s9;
	s6 =	sadd.s32 @!p0 $0x88, s6;
	s7 =	simm.s32 @p2 $0x1082  }
0x22: {  	[simem:s7], [sflag:s8] =	dma.local @!p0 [hbm:s6], $0xF7A  }
0x23: {  	s9 =	sor.u32 $0xD0000000, s2;
	s6 =	simm.s32 $0x108;
	_ =	swait.ge @!p0 [sflag:s8], $0x0  }
0x24: {  	s3 =	sadd.s32 $0x88, s3;
	s6 =	simm.s32 @!p1 $0x1082;
	[sflag:s4] =	ssyncset.s32 $0xFFFFF086  }
0x25: {  	[simem:s6], [sflag:s4] =	dma.local [hbm:s3], $0xF7A  }
0x26: {  	[smem:$0x3F9D] =	sst s1;
	(tag) =	ssettag s2;
	_ =	strace s9  }
0x27: {  	s1 =	sld [smem:$0x3FAD]  }
0x28: {  	s2 =	sld [smem:$0x3FAE]  }
0x29: {  	s4 =	sld [smem:$0x3FB0]  }
0x2a: {  	p0 =	seq.s32 s5, $0x0;
	s5 =	sld [smem:$0x3FB1]  }
0x2b: {  	s6 =	sld [smem:$0x3FB2]  }
0x2c: {  	s7 =	sld [smem:$0x3FB3]  }
0x2d: {  	s3 =	simm.s32 $0x108;
	s8 =	sld [smem:$0x3FB4]  }
0x2e: {  	s3 =	simm.s32 @!p0 $0x1082;
	s9 =	sld [smem:$0x3FB5]  }
0x2f: {  	lr =	sadd.s32 s0, s3;
	s0 =	sld [smem:$0x3FAC]  }
0x30: {  	s3 =	sld [smem:$0x3FAF]  }
0x31: {  	[smem:$0x3FB8] =	sst s10  }
0x32: {  	s10 =	sld [smem:$0x3FB6];
	_ =	sdelay $0x3  }
0x33: {  	p0 =	seq.s32 s10, $0x1;
	s10 =	sld [smem:$0x3FB8];
	_ =	sdelay $0x3  }
0x34: {  	[smem:$0x3FB8] =	sst s10  }
0x35: {  	s10 =	sld [smem:$0x3FB7];
	_ =	sdelay $0x3  }
0x36: {  	p1 =	seq.s32 s10, $0x1;
	s10 =	sld [smem:$0x3FB8];
	_ =	sdelay $0x3  }
0x37: {  	[smem:$0x3FB8] =	sst s10  }
0x38: {  	s10 =	sld [smem:$0x3FB9]  }
0x39: {  	_ = 	snop;
	(pc) =	sbr.ind lr, $3  }
0x3a: {  	_ = 	snop  }
0x3b: {  	_ = 	snop  }
0x3c: {  	p2 =	seq.s32 s10, $0x1;
	s10 =	sld [smem:$0x3FB8]  }
0x3d: {  	_ =	shalt  }
0x3e: {  	_ =	shalt  }
0x3f: {  	_ =	shalt  }
0x40: {  	_ =	shalt  }
0x41: {  	_ =	shalt  }
0x42: {  	_ =	shalt  }
0x43: {  	_ =	shalt  }
0x44: {  	_ =	shalt  }
0x45: {  	_ =	shalt  }
0x46: {  	_ =	shalt  }
0x47: {  	_ =	shalt  }
0x48: {  	_ =	shalt  }
0x49: {  	_ =	shalt  }
0x4a: {  	_ =	shalt  }
0x4b: {  	_ =	shalt  }
0x4c: {  	_ =	shalt  }
0x4d: {  	_ =	shalt  }
0x4e: {  	_ =	shalt  }
0x4f: {  	_ =	shalt  }
0x50: {  	_ =	shalt  }
0x51: {  	_ =	shalt  }
0x52: {  	_ =	shalt  }
0x53: {  	_ =	shalt  }
0x54: {  	_ =	shalt  }
0x55: {  	_ =	shalt  }
0x56: {  	_ =	shalt  }
0x57: {  	_ =	shalt  }
0x58: {  	_ =	shalt  }
0x59: {  	_ =	shalt  }
0x5a: {  	_ =	shalt  }
0x5b: {  	_ =	shalt  }
0x5c: {  	_ =	shalt  }
0x5d: {  	_ =	shalt  }
0x5e: {  	_ =	shalt  }
0x5f: {  	_ =	shalt  }
0x60: {  	_ =	shalt  }
0x61: {  	_ =	shalt  }
0x62: {  	_ =	shalt  }
0x63: {  	_ =	shalt  }
0x64: {  	_ =	shalt  }
0x65: {  	_ =	shalt  }
0x66: {  	_ =	shalt  }
0x67: {  	_ =	shalt  }
0x68: {  	_ =	shalt  }
0x69: {  	_ =	shalt  }
0x6a: {  	_ =	shalt  }
0x6b: {  	_ =	shalt  }
0x6c: {  	_ =	shalt  }
0x6d: {  	_ =	shalt  }
0x6e: {  	_ =	shalt  }
0x6f: {  	_ =	shalt  }
0x70: {  	_ =	shalt  }
0x71: {  	_ =	shalt  }
0x72: {  	_ =	shalt  }
0x73: {  	_ =	shalt  }
0x74: {  	_ =	shalt  }
0x75: {  	_ =	shalt  }
0x76: {  	_ =	shalt  }
0x77: {  	_ =	shalt  }
0x78: {  	_ =	shalt  }
0x79: {  	_ =	shalt  }
0x7a: {  	_ =	shalt  }
0x7b: {  	_ =	shalt  }
0x7c: {  	_ =	shalt  }
0x7d: {  	_ =	shalt  }
0x7e: {  	_ =	shalt  }
0x7f: {  	_ =	shalt  }
0x80: {  	_ =	shalt  }
0x81: {  	_ =	shalt  }
0x82: {  	_ =	shalt  }
0x83: {  	_ =	shalt  }
0x84: {  	_ =	shalt  }
0x85: {  	_ =	shalt  }
0x86: {  	_ =	shalt  }
0x87: {  	_ =	shalt  }
.Lfunc_end0:
.L_simem_size_0:
called_computation_lowered:
.L_overlay_start_0:
0x88: {  	s2 =	sld [smem:$0x3FD9]  }
0x89: {  	s3 =	sld [smem:$0x3FFE];
	_ =	sdelay $0x1  }
0x8a: {  	s1 =	srdreg.scid  }
0x8b: {  	s0 =	sand.u32 $0x1, s1  }
0x8c: {  	s17 =	sshll.u32 s0, $0xA;
	s2 =	sadd.s32 s3, s2  }
0x8d: {  	s2 =	sadd.s32 s2, s17  }
0x8e: {  	[smem:$0x3FC4] =	sst s2  }
0x8f: {  	_ = 	snop  }
0x90: {  	s2 =	sld [smem:$0x3FC9]  }
0x91: {  	s18 =	sld [smem:$0x3FC7]  }
0x92: {  	s4 =	sld [smem:$0x3FC6]  }
0x93: {  	s5 =	sld [smem:$0x3FD0];
	(tm) =	ssettm $0x1  }
0x94: {  	s6 =	sld [smem:$0x3FFB];
	_ =	sdelay $0x3  }
0x95: {  	_ =	strace s6  }
0x96: {  	s6 =	sld [smem:$0x3FFC];
	_ =	sdelay $0x3  }
0x97: {  	_ =	strace s6  }
0x98: {  	s6 =	sld [smem:$0x3FFD];
	_ =	sdelay $0x3  }
0x99: {  	_ =	strace s6  }
0x9a: {  	_ =	strace $0x8FFFFFFF  }
0x9b: {  	s19 =	sld [smem:$0x3FDB];
	_ =	sdelay $0x1  }
0x9c: {  	s7 =	simm.s32 $_scs_section_size  }
0x9d: {  	s8 =	simm.s32 $_size__tile_overlayer_lowered;
	s9 =	simm.s32 $_tile_overlayer_lowered  }
0x9e: {  	s22 =	simm.s32 $0x1BFF;
	s21 =	sshll.u32 s9, $0x1;
	s6 =	sadd.s32 s7, s19  }
0x9f: {  	s10 =	simm.s32 $0x0;
	s20 =	sshll.u32 s8, $0x1;
	s8 =	sadd.s32 s21, s6  }
0xa0: {  	[timem:s10], [sflag:s22] =	dma.local [hbm:s8], s20  }
0xa1: {  	_ =	swait.ge [sflag:s22], s20  }
0xa2: {  	s7 =	ssub.s32 $0x0, s20;
	[sflag:s22] =	ssyncset.done $0x0  }
0xa3: {  	[sflag:s22] =	ssyncadd.s32 s7;
	_ =	sdelay $0x1  }
0xa4: {  	s23 =	simm.s32 $0x1B8B  }
0xa5: {  	_ =	swait.ge [sflag:s23], $0x1  }
0xa6: {  	[sflag:s23] =	ssyncset.done $0x0  }
0xa7: {  	s25 =	simm.s32 $0x1B8E;
	s24 =	sld [smem:$0x3FFE];
	[sflag:s23] =	ssyncadd.s32 $0xFFFFFFFF  }
0xa8: {  	s26 =	simm.s32 $execute0_lowered;
	[smem:$0x3FD2] =	sst s25  }
0xa9: {  	s8 =	sshll.u32 s26, $0x1;
	_ =	strace $0x80000046;
	[dreg:$0x1] =	wrdreg $0xFFFFFFFF  }
0xaa: {  	s28 =	simm.s32 $_size_execute0_lowered;
	s6 =	sadd.s32 s6, s8;
	[dreg:$0x0] =	wrdreg $0x0  }
0xab: {  	s8 =	sshll.u32 s28, $0x1;
	[dreg:$0x2] =	wrdreg s6  }
0xac: {  	[dreg:$0x3] =	wrdreg s8  }
0xad: {  	[dreg:$0x4] =	wrdreg $0xC0  }
0xae: {  	_ =	task [dreg:s10], $0x5FFFF  }
0xaf: {  	[dreg:$0x1] =	wrdreg $0xFFFFFFFF  }
0xb0: {  	[dreg:$0x0] =	wrdreg $0x60  }
0xb1: {  	[dreg:$0x2] =	wrdreg s2  }
0xb2: {  	[dreg:$0x3] =	wrdreg s24  }
0xb3: {  	[dreg:$0x4] =	wrdreg s18  }
0xb4: {  	[dreg:$0x5] =	wrdreg s4  }
0xb5: {  	[dreg:$0x6] =	wrdreg s5  }
0xb6: {  	[dreg:$0x7] =	wrdreg $0x9  }
0xb7: {  	_ =	task.clear_ibuf [dreg:s10], $0x8FFFF;
	_ =	strace $0x90000046  }
0xb8: {  	s29 =	simm.s32 $0x9;
	_ =	strace $0x80000048  }
0xb9: {  	_ =	swait.ge [sflag:s29], $0x1  }
0xba: {  	[sflag:s29] =	ssyncadd.s32 $0xFFFFFFFF  }
0xbb: {  	_ =	strace $0x90000048  }
0xbc: {  	_ =	sfence  }
0xbd: {  	s30 =	sld [smem:$0x0];
	_ =	sdelay $0x2  }
0xbe: {  	s31 =	sshll.u32 s1, $0xD;
	s1 =	sshrl.u32 s1, $0x2  }
0xbf: {  	s3 =	sand.u32 $0x4000, s31;
	s1 =	sadd.s32 s1, s30  }
0xc0: {  	s0 =	sor.u32 s3, s0;
	s1 =	sshll.u32 s1, $0x11  }
0xc1: {  	s0 =	sor.u32 s1, s0  }
0xc2: {  	s0 =	sadd.s32 $0x8F2B, s0  }
0xc3: {  	[sflag:s0] =	ssyncadd.remote.s32 $0x1  }
0xc4: {  	_ =	sfence.sel $0xFFFF  }
0xc5: {  	[dreg:$0x0] =	wrdreg $0xFFFFFFFF;
	(pc) =	sbr.abs _section_cstart, $3  }
0xc6: {  	[dreg:$0x1] =	wrdreg $0xFFFFFFFF  }
0xc7: {  	_ =	task.clear_ibuf [dreg:s10], $0x2FFFF;
	_ =	strace $0x9FFFFFFF  }
0xc8: {  	(tm) =	ssettm $0x7FFFFFFF  }
0xc9: {  	_ =	shalt  }
tec
execute0_lowered:
.L_overlay_start_1:
0x0: {  	(tag) =	ssettag $0x1  }
0x1: {  	s1 =	rddreg [dreg:$0x0]  }
0x2: {  	s0 =	rddreg [dreg:$0x1];
	s5 =	simm.s32 $0x0  }
0x3: {  	[smem:$0x7FF] =	sst s5  }
0x4: {  	s2 =	rddreg [dreg:$0x4];
	v0 =	vimm.f32 $2.000000000e+00;
	_ =	strace $0x80000047  }
0x5: {  	s3 =	srdreg.scid;
	(erf) = vrcp.f32 v0;
	v0 =	vimm.f32 $1.600000000e+01  }
0x6: {  	s4 =	stileid.u32;
	s10 =	simm.s32 $0x600;
	s11 =	simm.s32 $0x6;
	(erf) = vrcp.f32 v0;
	v0 =	vimm.f32 $5.120000000e+02  }
0x7: {  	s12 =	simm.s32 $0x10;
	s13 =	simm.s32 $0x700;
	s14 =	simm.s32 $0x780;
	(erf) = vrcp.f32 v0  }
0x8: {  	s15 =	simm.s32 $0x710;
	s3 =	sand.u32 $0x1, s3;
	s4 =	sshll.u32 s4, $0x1  }
0x9: {  	s17 =	simm.s32 $0x720;
	s18 =	simm.s32 $0x1780;
	s4 =	sor.u32 s3, s4  }
0xa: {  	s19 =	simm.s32 $0x730;
	s20 =	simm.s32 $0x1F80;
	s16 =	sshll.u32 s4, $0x5  }
0xb: {  	s21 =	simm.s32 $0x5;
	s22 =	simm.s32 $0x1;
	s31 =	sor.u32 $0x10, s16;
	v0 =	vlaneseq.u32  }
0xc: {  	s23 =	simm.s32 $0x2;
	s24 =	simm.s32 $0x3;
	s25 =	simm.s32 $0x4;
	v1 =	vmov s16;
	v3 =	vmov s31  }
0xd: {  	s26 =	simm.s32 $0x2780;
	s28 =	simm.s32 $0x0;
	s3 =	ssub.s32 $0x2, s3;
	v2 =	vmul.u32 $0x4, v0;
	v3 =	vshll.u32 v3, $0x2  }
0xe: {  	s6 =	sshll.u32 s4, $0x6;
	s7 =	sshrl.u32 s3, $0x1;
	s4 =	sshll.u32 s4, $0xA;
	v4 =	vshll.u32 v1, $0x2;
	v0 =	vpop (erf)  }
0xf: {  	s0 =	sadd.s32 s6, s0;
	s3 =	ssub.s32 s3, s7;
	s7 =	sadd.s32 s2, s4;
	v4 =	vor.u32 v2, v4;
	v5 =	vor.u32 v2, v3;
	v1 =	vpop (erf)  }
0x10: {  	s16 =	simm.s32 $0xF80;
	s6 =	sadd.s32 $0x400, s0;
	s8 =	smax.u32 s3, $0x1;
	v2 =	vand.u32 $0x3FFFFA0, v4;
	v4 =	vand.u32 $0x3FFFFE0, v5;
	v3 =	vpop (erf)  }
.LBB2_1:
0x11: {  	s0 =	rddreg [dreg:$0x2];
	s2 =	simm.s32 $0x200  }
0x12: {  	[tilespmem:s2], [sflag:$0x5] =	stream.linear.gather [hbm4b:s0+s5], $0x400, $0x38;
	[tilespmem:$0x4780] =	vst v63  }
0x13: {  	s3 =	rddreg [dreg:$0x3]  }
0x14: {  	[tilespmem:s10], [sflag:$0x5] =	stream.linear.gather [hbm4b:s3+s5], $0x100, $0x38;
	[tilespmem:$0x4780] =	vst v63  }
0x15: {  	_ = 	snop  }
0x16: {  	[tilespmem:s5], [sflag:$0x6] =	stream.linear.gather [hbm4b:s6+s5], $0x200, $0x38;
	[tilespmem:$0x4780] =	vst v63  }
0x17: {  	_ =	swait.ge [sflag:s11], $0x200  }
0x18: {  	[sflag:s11] =	ssyncset.done $0x0  }
0x19: {  	[sflag:s11] =	ssyncadd.s32 $0xFFFFFE00  }
0x1a: {  	v7 =	vld [tilespmem:$0x100]  }
0x1b: {  	v8 =	vld [tilespmem:$0x180];
	_ =	sdelay $0x3  }
0x1c: {  	v11 =	vld [tilespmem:$0x110];
	v5 =	vmul.f32 v7, v0  }
0x1d: {  	v12 =	vld [tilespmem:$0x190];
	v6 =	vmul.f32 v8, v0  }
0x1e: {  	v9 =	vld [tilespmem:$0x0];
	v5 =	vtrunc.f32 v5  }
0x1f: {  	v10 =	vld [tilespmem:$0x80];
	v6 =	vtrunc.f32 v6;
	v5 =	vcvt.f32.s32 v5  }
0x20: {  	v6 =	vcvt.f32.s32 v6  }
0x21: {  	v13 =	vmul.f32 v11, v0;
	v5 =	vcvt.s32.f32 v5  }
0x22: {  	v14 =	vmul.f32 v12, v0;
	v6 =	vcvt.s32.f32 v6  }
0x23: {  	v15 =	vld [tilespmem:$0x90];
	v5 =	vadd.f32 v5, v9  }
0x24: {  	v9 =	vld [tilespmem:$0x10];
	v6 =	vadd.f32 v6, v10;
	v10 =	vtrunc.f32 v13;
	v13 =	vtrunc.f32 v14  }
0x25: {  	v10 =	vcvt.f32.s32 v10;
	v13 =	vcvt.f32.s32 v13  }
0x26: {  	v14 =	vmul.f32 v5, v1;
	v16 =	vmul.f32 v6, v1  }
0x27: {  	v10 =	vcvt.s32.f32 v10;
	v13 =	vcvt.s32.f32 v13  }
0x28: {  	v14 =	vtrunc.f32 v14  }
0x29: {  	v16 =	vtrunc.f32 v16;
	v10 =	vadd.f32 v10, v9;
	v9 =	vadd.f32 v13, v15  }
0x2a: {  	v18 =	vcvt.f32.s32 v16;
	v21 =	vcvt.f32.s32 v14  }
0x2b: {  	v14 =	vmul.f32 v10, v1;
	v15 =	vmul.f32 v9, v1  }
0x2c: {  	v13 =	vadd.s32 v18, v2;
	v16 =	vshll.u32 v21, $0x1  }
0x2d: {  	v13 =	vshll.u32 v13, $0x6;
	v14 =	vtrunc.f32 v14;
	v15 =	vtrunc.f32 v15  }
0x2e: {  	v16 =	vand.u32 $0xFFFFFFF0, v16;
	v34 =	vcvt.f32.s32 v14;
	v33 =	vcvt.f32.s32 v15  }
0x2f: {  	v13 =	vadd.s32 v16, v13  }
0x30: {  	v14 =	vand.u32 $0x7, v21;
	v15 =	vadd.s32 v33, v4;
	v16 =	vshll.u32 v34, $0x1  }
0x31: {  	v13 =	vor.u32 v14, v13;
	v14 =	vshll.u32 v15, $0x6;
	v15 =	vand.u32 $0xFFFFFFF0, v16  }
0x32: {  	[tilespmem:$0x700] =	vst v13;
	v13 =	vor.u32 $0x8, v13;
	v14 =	vadd.s32 v15, v14;
	v15 =	vand.u32 $0x7, v34  }
0x33: {  	[tilespmem:$0x720] =	vst v13;
	v13 =	vor.u32 v15, v14  }
0x34: {  	[tilespmem:$0x710] =	vst v13;
	v13 =	vor.u32 $0x8, v13  }
0x35: {  	[tilespmem:$0x730] =	vst v13  }
0x36: {  	[tilespmem:s14], [sflag:$0x1] =	stream.indirect.gather [hbm4b:s1+s12], $0x80, s13, s12, $0xb8;
	[tilespmem:$0x4780] =	vst v63  }
0x37: {  	_ = 	snop  }
0x38: {  	[tilespmem:s16], [sflag:$0x2] =	stream.indirect.gather [hbm4b:s1+s12], $0x80, s15, s12, $0xb8;
	[tilespmem:$0x4780] =	vst v63  }
0x39: {  	_ = 	snop  }
0x3a: {  	[tilespmem:s18], [sflag:$0x3] =	stream.indirect.gather [hbm4b:s1+s12], $0x80, s17, s12, $0xb8;
	[tilespmem:$0x4780] =	vst v63  }
0x3b: {  	_ = 	snop  }
0x3c: {  	[tilespmem:s20], [sflag:$0x4] =	stream.indirect.gather [hbm4b:s1+s12], $0x80, s19, s12, $0xb8;
	[tilespmem:$0x4780] =	vst v63  }
0x3d: {  	_ =	swait.ge [sflag:s21], $0x400  }
0x3e: {  	[sflag:s21] =	ssyncset.done $0x0  }
0x3f: {  	[sflag:s21] =	ssyncadd.s32 $0xFFFFFC00  }
0x40: {  	_ =	swait.ge [sflag:s21], $0x100  }
0x41: {  	[sflag:s21] =	ssyncset.done $0x0  }
0x42: {  	[sflag:s21] =	ssyncadd.s32 $0xFFFFFF00  }
0x43: {  	v27 =	vld [tilespmem:$0x200]  }
0x44: {  	v20 =	vld [tilespmem:$0x210]  }
0x45: {  	v16 =	vld [tilespmem:$0x220]  }
0x46: {  	v13 =	vld [tilespmem:$0x230]  }
0x47: {  	v29 =	vld [tilespmem:$0x280]  }
0x48: {  	v23 =	vld [tilespmem:$0x290]  }
0x49: {  	v17 =	vld [tilespmem:$0x2A0]  }
0x4a: {  	v14 =	vld [tilespmem:$0x2B0]  }
0x4b: {  	v30 =	vld [tilespmem:$0x300]  }
0x4c: {  	v24 =	vld [tilespmem:$0x310]  }
0x4d: {  	v19 =	vld [tilespmem:$0x320]  }
0x4e: {  	v18 =	vcvt.s32.f32 v18;
	v15 =	vld [tilespmem:$0x330]  }
0x4f: {  	v21 =	vcvt.s32.f32 v21;
	v31 =	vld [tilespmem:$0x380]  }
0x50: {  	v25 =	vmul.f32 $1.600000000e+01, v18;
	v26 =	vld [tilespmem:$0x390]  }
0x51: {  	v21 =	vmul.f32 $1.600000000e+01, v21;
	v22 =	vld [tilespmem:$0x3A0]  }
0x52: {  	v6 =	vsub.f32 v6, v25;
	v18 =	vld [tilespmem:$0x3B0]  }
0x53: {  	v5 =	vsub.f32 v5, v21;
	v21 =	vmov s5;
	v32 =	vld [tilespmem:$0x600]  }
0x54: {  	v6 =	vmul.f32 v6, v1;
	v35 =	vand.u32 $0xF, v21;
	v28 =	vld [tilespmem:$0x610]  }
0x55: {  	v5 =	vmul.f32 v5, v1;
	v35 =	vbroadcast v35, $0x0;
	v25 =	vld [tilespmem:$0x620]  }
0x56: {  	v7 =	vmul.f32 v7, v3;
	v8 =	vmul.f32 v8, v3;
	v21 =	vld [tilespmem:$0x630];
	_ =	swait.ge [sflag:s22], $0x800  }
0x57: {  	v36 =	vperm.xlane v5, v35;
	v37 =	vperm.xlane v6, v35;
	[sflag:s22] =	ssyncset.done $0x0  }
0x58: {  	s29 =	simm.s32 $0x7A0;
	v38 =	vperm.xlane v7, v35;
	v35 =	vperm.xlane v8, v35;
	[sflag:s22] =	ssyncadd.s32 $0xFFFFF800  }
0x59: {  	v39 =	vld [tilespmem:s29+$0xFFFFFFE0];
	v40 =	vmul.f32 v36, v27;
	v41 =	vmul.f32 v37, v29  }
0x5a: {  	v42 =	vmul.f32 v38, v30;
	v43 =	vmul.f32 v35, v31;
	_ =	sdelay $0x1  }
0x5b: {  	v40 =	vadd.f32 v41, v40;
	v52 =	vadd.f32 v43, v42;
	_ =	sdelay $0x1  }
0x5c: {  	v39 =	vadd.f32 v39, v32;
	v40 =	vadd.f32 v52, v40  }
0x5d: {  	s4 =	sand.u32 $0x10, s5;
	s9 =	sand.u32 $0x7, s5  }
0x5e: {  	s0 =	sor.u32 s9, s4;
	v39 =	vadd.f32 v40, v39  }
0x5f: {  	s0 =	sshll.u32 s0, $0x7  }
0x60: {  	[tilespmem:s0+$0x2780] =	vst v39  }
0x61: {  	v53 =	vmul.f32 v36, v20;
	v54 =	vmul.f32 v37, v23;
	v39 =	vld [tilespmem:s29+$0xFFFFFFF0]  }
0x62: {  	v55 =	vmul.f32 v38, v24;
	v56 =	vmul.f32 v35, v26;
	_ =	sdelay $0x1  }
0x63: {  	v57 =	vadd.f32 v56, v55;
	v40 =	vadd.f32 v54, v53;
	_ =	sdelay $0x1  }
0x64: {  	v40 =	vadd.f32 v57, v40;
	v39 =	vadd.f32 v39, v28;
	_ =	sdelay $0x1  }
0x65: {  	v39 =	vadd.f32 v39, v40;
	_ =	sdelay $0x1  }
0x66: {  	[tilespmem:s0+$0x2790] =	vst v39  }
0x67: {  	v58 =	vmul.f32 v36, v16;
	v59 =	vmul.f32 v37, v17;
	v39 =	vld [tilespmem:s29+$0x0]  }
0x68: {  	v60 =	vmul.f32 v38, v19;
	v61 =	vmul.f32 v35, v22;
	_ =	sdelay $0x1  }
0x69: {  	v62 =	vadd.f32 v61, v60;
	v40 =	vadd.f32 v59, v58;
	_ =	sdelay $0x1  }
0x6a: {  	v40 =	vadd.f32 v62, v40;
	v39 =	vadd.f32 v39, v25;
	_ =	sdelay $0x1  }
0x6b: {  	v39 =	vadd.f32 v39, v40;
	_ =	sdelay $0x1  }
0x6c: {  	[tilespmem:s0+$0x27A0] =	vst v39  }
0x6d: {  	v36 =	vmul.f32 v36, v13;
	v37 =	vmul.f32 v37, v14;
	v39 =	vld [tilespmem:s29+$0x10]  }
0x6e: {  	v38 =	vmul.f32 v38, v15;
	v35 =	vmul.f32 v35, v18;
	_ =	sdelay $0x1  }
0x6f: {  	s30 =	simm.s32 $0x1;
	v37 =	vadd.f32 v37, v36;
	v38 =	vadd.f32 v35, v38  }
0x70: {  	v63 =	vmov s30  }
0x71: {  	s31 =	simm.s32 $0x0;
	s2 =	simm.s32 $0x2;
	v35 =	vand.u32 $0xF, v63;
	v37 =	vadd.f32 v38, v37;
	v36 =	vadd.f32 v39, v21  }
.LBB2_2:
0x72: {  	p0 =	sne.s32 s2, $0xF;
	v35 =	vbroadcast v35, $0x0  }
0x73: {  	v36 =	vadd.f32 v36, v37  }
0x74: {  	v37 =	vperm.xlane v5, v35;
	v38 =	vperm.xlane v6, v35  }
0x75: {  	s29 =	sadd.s32 $0x80, s29;
	v39 =	vperm.xlane v7, v35;
	v35 =	vperm.xlane v8, v35;
	[tilespmem:s0+$0x27B0] =	vst v36  }
0x76: {  	v36 =	vld [tilespmem:s29+$0xFFFFFFE0];
	v40 =	vmul.f32 v37, v27;
	v41 =	vmul.f32 v38, v29  }
0x77: {  	v42 =	vmul.f32 v39, v30;
	v43 =	vmul.f32 v35, v31;
	_ =	sdelay $0x1  }
0x78: {  	v40 =	vadd.f32 v41, v40;
	v41 =	vadd.f32 v43, v42;
	_ =	sdelay $0x1  }
0x79: {  	s31 =	sadd.s32 $0x2, s31;
	v40 =	vadd.f32 v41, v40;
	v36 =	vadd.f32 v36, v32  }
0x7a: {  	s3 =	sand.u32 $0x7, s30;
	s30 =	smov.u32 s2;
	s0 =	sand.u32 $0x10, s31  }
0x7b: {  	s0 =	sor.u32 s3, s0;
	v36 =	vadd.f32 v40, v36  }
0x7c: {  	s0 =	sshll.u32 s0, $0x7  }
0x7d: {  	[tilespmem:s0+$0x2780] =	vst v36  }
0x7e: {  	v41 =	vmul.f32 v38, v23;
	v40 =	vmul.f32 v37, v20;
	v36 =	vld [tilespmem:s29+$0xFFFFFFF0]  }
0x7f: {  	v42 =	vmul.f32 v39, v24;
	v43 =	vmul.f32 v35, v26;
	_ =	sdelay $0x1  }
0x80: {  	v40 =	vadd.f32 v41, v40;
	v41 =	vadd.f32 v43, v42;
	_ =	sdelay $0x1  }
0x81: {  	v40 =	vadd.f32 v41, v40;
	v36 =	vadd.f32 v36, v28;
	_ =	sdelay $0x1  }
0x82: {  	v36 =	vadd.f32 v36, v40;
	_ =	sdelay $0x1  }
0x83: {  	[tilespmem:s0+$0x2790] =	vst v36  }
0x84: {  	v41 =	vmul.f32 v38, v17;
	v40 =	vmul.f32 v37, v16;
	v36 =	vld [tilespmem:s29+$0x0]  }
0x85: {  	v42 =	vmul.f32 v39, v19;
	v43 =	vmul.f32 v35, v22;
	_ =	sdelay $0x1  }
0x86: {  	v40 =	vadd.f32 v41, v40;
	v41 =	vadd.f32 v43, v42;
	_ =	sdelay $0x1  }
0x87: {  	v40 =	vadd.f32 v41, v40;
	v36 =	vadd.f32 v36, v25;
	_ =	sdelay $0x1  }
0x88: {  	v36 =	vadd.f32 v36, v40;
	_ =	sdelay $0x1  }
0x89: {  	[tilespmem:s0+$0x27A0] =	vst v36  }
0x8a: {  	v38 =	vmul.f32 v38, v14;
	v37 =	vmul.f32 v37, v13;
	v36 =	vld [tilespmem:s29+$0x10]  }
.Ltmp0:
0x8b: {  	v39 =	vmul.f32 v39, v15;
	v35 =	vmul.f32 v35, v18;
	(pc) =	sbr.rel @p0 .LBB2_2-.Ltmp0, $4  }
0x8c: {  	_ = 	snop  }
0x8d: {  	v37 =	vadd.f32 v38, v37;
	v38 =	vadd.f32 v35, v39  }
0x8e: {  	v35 =	vmov s2  }
0x8f: {  	s2 =	sadd.s32 $0x1, s2;
	v35 =	vand.u32 $0xF, v35;
	v37 =	vadd.f32 v38, v37;
	v36 =	vadd.f32 v36, v21  }
0x90: {  	v35 =	vbroadcast v35, $0x0  }
0x91: {  	v36 =	vadd.f32 v36, v37  }
0x92: {  	v52 =	vperm.xlane v5, v35;
	v38 =	vperm.xlane v6, v35  }
0x93: {  	s9 =	sadd.s32 $0x80, s29;
	v39 =	vperm.xlane v7, v35;
	v35 =	vperm.xlane v8, v35;
	[tilespmem:s0+$0x27B0] =	vst v36  }
0x94: {  	v36 =	vld [tilespmem:s9+$0xFFFFFFE0];
	v40 =	vmul.f32 v52, v27;
	v41 =	vmul.f32 v38, v29  }
0x95: {  	v42 =	vmul.f32 v39, v30;
	v43 =	vmul.f32 v35, v31;
	_ =	sdelay $0x1  }
0x96: {  	v40 =	vadd.f32 v41, v40;
	v53 =	vadd.f32 v43, v42;
	_ =	sdelay $0x1  }
0x97: {  	s2 =	sadd.s32 $0x2, s31;
	v40 =	vadd.f32 v53, v40;
	v36 =	vadd.f32 v36, v32  }
0x98: {  	s3 =	sand.u32 $0x7, s30;
	s2 =	sand.u32 $0x10, s2  }
0x99: {  	s2 =	sor.u32 s3, s2;
	v36 =	vadd.f32 v40, v36  }
0x9a: {  	s2 =	sshll.u32 s2, $0x7  }
0x9b: {  	[tilespmem:s2+$0x2780] =	vst v36  }
0x9c: {  	v54 =	vmul.f32 v52, v20;
	v55 =	vmul.f32 v38, v23;
	v36 =	vld [tilespmem:s9+$0xFFFFFFF0]  }
0x9d: {  	v56 =	vmul.f32 v39, v24;
	v57 =	vmul.f32 v35, v26;
	_ =	sdelay $0x1  }
0x9e: {  	v58 =	vadd.f32 v57, v56;
	v40 =	vadd.f32 v55, v54;
	_ =	sdelay $0x1  }
0x9f: {  	v40 =	vadd.f32 v58, v40;
	v36 =	vadd.f32 v36, v28;
	_ =	sdelay $0x1  }
0xa0: {  	v36 =	vadd.f32 v36, v40;
	_ =	sdelay $0x1  }
0xa1: {  	[tilespmem:s2+$0x2790] =	vst v36  }
0xa2: {  	v59 =	vmul.f32 v52, v16;
	v60 =	vmul.f32 v38, v17;
	v36 =	vld [tilespmem:s9+$0x0]  }
0xa3: {  	v61 =	vmul.f32 v39, v19;
	v62 =	vmul.f32 v35, v22;
	_ =	sdelay $0x1  }
0xa4: {  	v63 =	vadd.f32 v62, v61;
	v40 =	vadd.f32 v60, v59;
	_ =	sdelay $0x1  }
0xa5: {  	v40 =	vadd.f32 v63, v40;
	v36 =	vadd.f32 v36, v25;
	_ =	sdelay $0x1  }
0xa6: {  	v36 =	vadd.f32 v36, v40;
	_ =	sdelay $0x1  }
0xa7: {  	[tilespmem:s2+$0x27A0] =	vst v36  }
0xa8: {  	v37 =	vmul.f32 v52, v13;
	v38 =	vmul.f32 v38, v14;
	v36 =	vld [tilespmem:s9+$0x10]  }
0xa9: {  	v39 =	vmul.f32 v39, v15;
	v35 =	vmul.f32 v35, v18  }
0xaa: {  	v34 =	vcvt.s32.f32 v34  }
0xab: {  	v33 =	vcvt.s32.f32 v33;
	v37 =	vadd.f32 v38, v37;
	v35 =	vadd.f32 v35, v39  }
0xac: {  	v34 =	vmul.f32 $1.600000000e+01, v34  }
0xad: {  	v33 =	vmul.f32 $1.600000000e+01, v33;
	v35 =	vadd.f32 v35, v37;
	v36 =	vadd.f32 v36, v21  }
0xae: {  	s4 =	simm.s32 $0x0;
	v10 =	vsub.f32 v10, v34  }
0xaf: {  	v33 =	vsub.f32 v9, v33;
	v43 =	vmov s4;
	v42 =	vadd.f32 v36, v35  }
0xb0: {  	v9 =	vmul.f32 v10, v1;
	v35 =	vand.u32 $0xF, v43  }
0xb1: {  	v10 =	vmul.f32 v33, v1;
	v44 =	vbroadcast v35, $0x0;
	[tilespmem:s2+$0x27B0] =	vst v42  }
0xb2: {  	v11 =	vmul.f32 v11, v3;
	v12 =	vmul.f32 v12, v3;
	_ =	swait.ge [sflag:s23], $0x800  }
0xb3: {  	v45 =	vperm.xlane v9, v44;
	v35 =	vperm.xlane v10, v44;
	[sflag:s23] =	ssyncset.done $0x0  }
0xb4: {  	s29 =	simm.s32 $0xFB0;
	v46 =	vperm.xlane v11, v44;
	v33 =	vperm.xlane v12, v44;
	[sflag:s23] =	ssyncadd.s32 $0xFFFFF800  }
0xb5: {  	v48 =	vmul.f32 v45, v27;
	v49 =	vmul.f32 v35, v29;
	v47 =	vld [tilespmem:s29+$0xFFFFFFD0]  }
0xb6: {  	v50 =	vmul.f32 v46, v30;
	v51 =	vmul.f32 v33, v31;
	_ =	sdelay $0x1  }
0xb7: {  	v38 =	vadd.f32 v49, v48;
	v52 =	vadd.f32 v51, v50;
	_ =	sdelay $0x1  }
0xb8: {  	s9 =	simm.s32 $0x20;
	v38 =	vadd.f32 v52, v38;
	v37 =	vadd.f32 v47, v32  }
0xb9: {  	s0 =	sand.u32 $0x7, s4;
	s2 =	sand.u32 $0x30, s9  }
0xba: {  	s0 =	sor.u32 s0, s2;
	v37 =	vadd.f32 v38, v37  }
0xbb: {  	s0 =	sshll.u32 s0, $0x7  }
0xbc: {  	[tilespmem:s0+$0x2780] =	vst v37  }
0xbd: {  	v53 =	vmul.f32 v45, v20;
	v54 =	vmul.f32 v35, v23;
	v37 =	vld [tilespmem:s29+$0xFFFFFFE0]  }
0xbe: {  	v55 =	vmul.f32 v46, v24;
	v56 =	vmul.f32 v33, v26;
	_ =	sdelay $0x1  }
0xbf: {  	v57 =	vadd.f32 v56, v55;
	v38 =	vadd.f32 v54, v53;
	_ =	sdelay $0x1  }
0xc0: {  	v38 =	vadd.f32 v57, v38;
	v37 =	vadd.f32 v37, v28;
	_ =	sdelay $0x1  }
0xc1: {  	v37 =	vadd.f32 v37, v38;
	_ =	sdelay $0x1  }
0xc2: {  	[tilespmem:s0+$0x2790] =	vst v37  }
0xc3: {  	v58 =	vmul.f32 v45, v16;
	v59 =	vmul.f32 v35, v17;
	v37 =	vld [tilespmem:s29+$0xFFFFFFF0]  }
0xc4: {  	v60 =	vmul.f32 v46, v19;
	v61 =	vmul.f32 v33, v22;
	_ =	sdelay $0x1  }
0xc5: {  	v62 =	vadd.f32 v61, v60;
	v38 =	vadd.f32 v59, v58;
	_ =	sdelay $0x1  }
0xc6: {  	v38 =	vadd.f32 v62, v38;
	v37 =	vadd.f32 v37, v25;
	_ =	sdelay $0x1  }
0xc7: {  	v37 =	vadd.f32 v37, v38;
	_ =	sdelay $0x1  }
0xc8: {  	[tilespmem:s0+$0x27A0] =	vst v37  }
0xc9: {  	v34 =	vmul.f32 v45, v13;
	v35 =	vmul.f32 v35, v14;
	v37 =	vld [tilespmem:s29+$0x0]  }
0xca: {  	v36 =	vmul.f32 v46, v15;
	v33 =	vmul.f32 v33, v18;
	_ =	sdelay $0x1  }
0xcb: {  	s30 =	simm.s32 $0x1;
	v35 =	vadd.f32 v35, v34;
	v36 =	vadd.f32 v33, v36  }
0xcc: {  	v63 =	vmov s30  }
0xcd: {  	s31 =	simm.s32 $0x22;
	s2 =	simm.s32 $0x24;
	v33 =	vand.u32 $0xF, v63;
	v35 =	vadd.f32 v36, v35;
	v34 =	vadd.f32 v37, v21  }
.LBB2_4:
0xce: {  	p0 =	sne.s32 s2, $0x3E;
	v33 =	vbroadcast v33, $0x0  }
0xcf: {  	v34 =	vadd.f32 v34, v35  }
0xd0: {  	v35 =	vperm.xlane v9, v33;
	v36 =	vperm.xlane v10, v33  }
0xd1: {  	s29 =	sadd.s32 $0x80, s29;
	v37 =	vperm.xlane v11, v33;
	v33 =	vperm.xlane v12, v33;
	[tilespmem:s0+$0x27B0] =	vst v34  }
0xd2: {  	v34 =	vld [tilespmem:s29+$0xFFFFFFD0];
	v38 =	vmul.f32 v35, v27;
	v39 =	vmul.f32 v36, v29  }
0xd3: {  	v40 =	vmul.f32 v37, v30;
	v41 =	vmul.f32 v33, v31;
	_ =	sdelay $0x1  }
0xd4: {  	v38 =	vadd.f32 v39, v38;
	v39 =	vadd.f32 v41, v40;
	_ =	sdelay $0x1  }
0xd5: {  	v38 =	vadd.f32 v39, v38;
	v34 =	vadd.f32 v34, v32  }
0xd6: {  	s3 =	sand.u32 $0x7, s30;
	s0 =	sand.u32 $0x30, s31;
	s31 =	smov.u32 s2  }
0xd7: {  	s0 =	sor.u32 s3, s0;
	v34 =	vadd.f32 v38, v34  }
0xd8: {  	s0 =	sshll.u32 s0, $0x7  }
0xd9: {  	[tilespmem:s0+$0x2780] =	vst v34  }
0xda: {  	v39 =	vmul.f32 v36, v23;
	v38 =	vmul.f32 v35, v20;
	v34 =	vld [tilespmem:s29+$0xFFFFFFE0]  }
0xdb: {  	v40 =	vmul.f32 v37, v24;
	v41 =	vmul.f32 v33, v26;
	_ =	sdelay $0x1  }
0xdc: {  	v38 =	vadd.f32 v39, v38;
	v39 =	vadd.f32 v41, v40;
	_ =	sdelay $0x1  }
0xdd: {  	v38 =	vadd.f32 v39, v38;
	v34 =	vadd.f32 v34, v28;
	_ =	sdelay $0x1  }
0xde: {  	v34 =	vadd.f32 v34, v38;
	_ =	sdelay $0x1  }
0xdf: {  	[tilespmem:s0+$0x2790] =	vst v34  }
0xe0: {  	v39 =	vmul.f32 v36, v17;
	v38 =	vmul.f32 v35, v16;
	v34 =	vld [tilespmem:s29+$0xFFFFFFF0]  }
0xe1: {  	v40 =	vmul.f32 v37, v19;
	v41 =	vmul.f32 v33, v22;
	_ =	sdelay $0x1  }
0xe2: {  	v38 =	vadd.f32 v39, v38;
	v39 =	vadd.f32 v41, v40;
	_ =	sdelay $0x1  }
0xe3: {  	v38 =	vadd.f32 v39, v38;
	v34 =	vadd.f32 v34, v25;
	_ =	sdelay $0x1  }
0xe4: {  	v34 =	vadd.f32 v34, v38;
	_ =	sdelay $0x1  }
0xe5: {  	[tilespmem:s0+$0x27A0] =	vst v34  }
0xe6: {  	v36 =	vmul.f32 v36, v14;
	v35 =	vmul.f32 v35, v13;
	v34 =	vld [tilespmem:s29+$0x0]  }
.Ltmp1:
0xe7: {  	v37 =	vmul.f32 v37, v15;
	v33 =	vmul.f32 v33, v18;
	(pc) =	sbr.rel @p0 .LBB2_4-.Ltmp1, $4  }
0xe8: {  	_ = 	snop  }
0xe9: {  	s30 =	sadd.s32 $0x1, s30;
	v35 =	vadd.f32 v36, v35;
	v36 =	vadd.f32 v33, v37  }
0xea: {  	v33 =	vmov s30  }
0xeb: {  	s2 =	sadd.s32 $0x2, s2;
	v33 =	vand.u32 $0xF, v33;
	v35 =	vadd.f32 v36, v35;
	v34 =	vadd.f32 v34, v21  }
0xec: {  	v33 =	vbroadcast v33, $0x0  }
0xed: {  	v34 =	vadd.f32 v34, v35  }
0xee: {  	v51 =	vperm.xlane v9, v33;
	v36 =	vperm.xlane v10, v33  }
0xef: {  	s9 =	sadd.s32 $0x80, s29;
	v37 =	vperm.xlane v11, v33;
	v33 =	vperm.xlane v12, v33;
	[tilespmem:s0+$0x27B0] =	vst v34  }
0xf0: {  	v34 =	vld [tilespmem:s9+$0xFFFFFFD0];
	v27 =	vmul.f32 v51, v27;
	v29 =	vmul.f32 v36, v29  }
0xf1: {  	v30 =	vmul.f32 v37, v30;
	v31 =	vmul.f32 v33, v31;
	_ =	sdelay $0x1  }
0xf2: {  	v27 =	vadd.f32 v29, v27;
	v29 =	vadd.f32 v31, v30;
	_ =	sdelay $0x1  }
0xf3: {  	v27 =	vadd.f32 v29, v27;
	v30 =	vadd.f32 v34, v32  }
0xf4: {  	s2 =	sand.u32 $0x30, s31;
	s3 =	sand.u32 $0x7, s30  }
0xf5: {  	s2 =	sor.u32 s3, s2;
	v27 =	vadd.f32 v27, v30  }
0xf6: {  	s2 =	sshll.u32 s2, $0x7  }
0xf7: {  	[tilespmem:s2+$0x2780] =	vst v27  }
0xf8: {  	v20 =	vmul.f32 v51, v20;
	v23 =	vmul.f32 v36, v23;
	v27 =	vld [tilespmem:s9+$0xFFFFFFE0]  }
0xf9: {  	v24 =	vmul.f32 v37, v24;
	v26 =	vmul.f32 v33, v26;
	_ =	sdelay $0x1  }
0xfa: {  	v20 =	vadd.f32 v23, v20;
	v23 =	vadd.f32 v26, v24;
	_ =	sdelay $0x1  }
0xfb: {  	v20 =	vadd.f32 v23, v20;
	v24 =	vadd.f32 v27, v28;
	_ =	sdelay $0x1  }
0xfc: {  	v20 =	vadd.f32 v24, v20;
	_ =	sdelay $0x1  }
0xfd: {  	[tilespmem:s2+$0x2790] =	vst v20  }
0xfe: {  	v16 =	vmul.f32 v51, v16;
	v17 =	vmul.f32 v36, v17;
	v20 =	vld [tilespmem:s9+$0xFFFFFFF0]  }
0xff: {  	v19 =	vmul.f32 v37, v19;
	v22 =	vmul.f32 v33, v22;
	_ =	sdelay $0x1  }
0x100: {  	v16 =	vadd.f32 v17, v16;
	v17 =	vadd.f32 v22, v19;
	_ =	sdelay $0x1  }
0x101: {  	v16 =	vadd.f32 v17, v16;
	v19 =	vadd.f32 v20, v25;
	_ =	sdelay $0x1  }
0x102: {  	v16 =	vadd.f32 v19, v16;
	_ =	sdelay $0x1  }
0x103: {  	[tilespmem:s2+$0x27A0] =	vst v16  }
0x104: {  	v13 =	vmul.f32 v51, v13;
	v14 =	vmul.f32 v36, v14;
	v16 =	vld [tilespmem:s9+$0x0]  }
0x105: {  	v15 =	vmul.f32 v37, v15;
	v17 =	vmul.f32 v33, v18;
	_ =	sdelay $0x1  }
0x106: {  	v13 =	vadd.f32 v14, v13;
	v14 =	vadd.f32 v17, v15;
	_ =	sdelay $0x1  }
0x107: {  	v13 =	vadd.f32 v14, v13;
	v15 =	vadd.f32 v16, v21;
	_ =	sdelay $0x1  }
0x108: {  	v13 =	vadd.f32 v15, v13;
	_ =	sdelay $0x1  }
0x109: {  	[tilespmem:s2+$0x27B0] =	vst v13  }
0x10a: {  	v24 =	vld [tilespmem:$0x240]  }
0x10b: {  	v17 =	vld [tilespmem:$0x250]  }
0x10c: {  	v15 =	vld [tilespmem:$0x260]  }
0x10d: {  	v13 =	vld [tilespmem:$0x270]  }
0x10e: {  	s30 =	simm.s32 $0x0;
	v26 =	vld [tilespmem:$0x2C0]  }
0x10f: {  	v14 =	vmov s30;
	v19 =	vld [tilespmem:$0x2D0]  }
0x110: {  	v14 =	vand.u32 $0xF, v14;
	v28 =	vld [tilespmem:$0x340]  }
0x111: {  	v33 =	vbroadcast v14, $0x0;
	v29 =	vld [tilespmem:$0x3C0]  }
0x112: {  	v16 =	vld [tilespmem:$0x2E0]  }
0x113: {  	v52 =	vperm.xlane v5, v33;
	v53 =	vperm.xlane v6, v33;
	v14 =	vld [tilespmem:$0x2F0]  }
0x114: {  	s31 =	simm.s32 $0x7F0;
	v54 =	vperm.xlane v7, v33;
	v55 =	vperm.xlane v8, v33;
	v31 =	vld [tilespmem:$0x640]  }
0x115: {  	v23 =	vld [tilespmem:s31+$0xFFFFFFD0];
	v20 =	vmul.f32 v52, v24;
	v25 =	vmul.f32 v53, v26  }
0x116: {  	v22 =	vld [tilespmem:$0x350];
	v27 =	vmul.f32 v54, v28;
	v56 =	vmul.f32 v55, v29  }
0x117: {  	v21 =	vld [tilespmem:$0x360]  }
0x118: {  	v18 =	vld [tilespmem:$0x370];
	v38 =	vadd.f32 v25, v20;
	v27 =	vadd.f32 v56, v27  }
0x119: {  	v30 =	vld [tilespmem:$0x3D0]  }
0x11a: {  	v32 =	vld [tilespmem:$0x650];
	v23 =	vadd.f32 v23, v31;
	v38 =	vadd.f32 v27, v38  }
0x11b: {  	s4 =	sand.u32 $0x10, s30;
	s9 =	sand.u32 $0x7, s30;
	v25 =	vld [tilespmem:$0x3E0]  }
0x11c: {  	s0 =	sor.u32 s9, s4;
	v20 =	vld [tilespmem:$0x3F0];
	v38 =	vadd.f32 v38, v23  }
0x11d: {  	s4 =	sshll.u32 s0, $0x7;
	v27 =	vld [tilespmem:$0x660]  }
0x11e: {  	v23 =	vld [tilespmem:$0x670];
	[tilespmem:s4+$0x27C0] =	vst v38  }
0x11f: {  	v39 =	vmul.f32 v52, v17;
	v40 =	vmul.f32 v53, v19;
	v38 =	vld [tilespmem:s31+$0xFFFFFFE0]  }
0x120: {  	v41 =	vmul.f32 v54, v22;
	v42 =	vmul.f32 v55, v30;
	_ =	sdelay $0x1  }
0x121: {  	v39 =	vadd.f32 v40, v39;
	v57 =	vadd.f32 v42, v41;
	_ =	sdelay $0x1  }
0x122: {  	v39 =	vadd.f32 v57, v39;
	v38 =	vadd.f32 v38, v32;
	_ =	sdelay $0x1  }
0x123: {  	v38 =	vadd.f32 v38, v39;
	_ =	sdelay $0x1  }
0x124: {  	[tilespmem:s4+$0x27D0] =	vst v38  }
0x125: {  	v58 =	vmul.f32 v52, v15;
	v59 =	vmul.f32 v53, v16;
	v38 =	vld [tilespmem:s31+$0xFFFFFFF0]  }
0x126: {  	v60 =	vmul.f32 v54, v21;
	v61 =	vmul.f32 v55, v25;
	_ =	sdelay $0x1  }
0x127: {  	v62 =	vadd.f32 v61, v60;
	v39 =	vadd.f32 v59, v58;
	_ =	sdelay $0x1  }
0x128: {  	v39 =	vadd.f32 v62, v39;
	v38 =	vadd.f32 v38, v27;
	_ =	sdelay $0x1  }
0x129: {  	v38 =	vadd.f32 v38, v39;
	_ =	sdelay $0x1  }
0x12a: {  	[tilespmem:s4+$0x27E0] =	vst v38  }
0x12b: {  	v34 =	vmul.f32 v52, v13;
	v35 =	vmul.f32 v53, v14;
	v38 =	vld [tilespmem:s31+$0x0]  }
0x12c: {  	v36 =	vmul.f32 v54, v18;
	v37 =	vmul.f32 v55, v20;
	_ =	sdelay $0x1  }
0x12d: {  	s29 =	simm.s32 $0x1;
	v63 =	vadd.f32 v35, v34;
	v37 =	vadd.f32 v37, v36  }
0x12e: {  	v34 =	vmov s29  }
0x12f: {  	s3 =	simm.s32 $0x2;
	s0 =	simm.s32 $0x1;
	s2 =	simm.s32 $0x0;
	v35 =	vand.u32 $0xF, v34;
	v37 =	vadd.f32 v37, v63;
	v36 =	vadd.f32 v38, v23  }
.LBB2_6:
0x130: {  	p0 =	sne.s32 s3, $0xF;
	v35 =	vbroadcast v35, $0x0  }
0x131: {  	v36 =	vadd.f32 v36, v37  }
0x132: {  	v37 =	vperm.xlane v5, v35;
	v38 =	vperm.xlane v6, v35  }
0x133: {  	s31 =	sadd.s32 $0x80, s31;
	v39 =	vperm.xlane v7, v35;
	v35 =	vperm.xlane v8, v35;
	[tilespmem:s4+$0x27F0] =	vst v36  }
0x134: {  	v36 =	vld [tilespmem:s31+$0xFFFFFFD0];
	v40 =	vmul.f32 v37, v24;
	v41 =	vmul.f32 v38, v26  }
0x135: {  	v42 =	vmul.f32 v39, v28;
	v43 =	vmul.f32 v35, v29;
	_ =	sdelay $0x1  }
0x136: {  	v40 =	vadd.f32 v41, v40;
	v41 =	vadd.f32 v43, v42;
	_ =	sdelay $0x1  }
0x137: {  	s2 =	sadd.s32 $0x2, s2;
	v40 =	vadd.f32 v41, v40;
	v36 =	vadd.f32 v36, v31  }
0x138: {  	s9 =	sand.u32 $0x7, s0;
	s0 =	smov.u32 s3;
	s4 =	sand.u32 $0x10, s2  }
0x139: {  	s4 =	sor.u32 s9, s4;
	v36 =	vadd.f32 v40, v36  }
0x13a: {  	s4 =	sshll.u32 s4, $0x7  }
0x13b: {  	[tilespmem:s4+$0x27C0] =	vst v36  }
0x13c: {  	v41 =	vmul.f32 v38, v19;
	v40 =	vmul.f32 v37, v17;
	v36 =	vld [tilespmem:s31+$0xFFFFFFE0]  }
0x13d: {  	v42 =	vmul.f32 v39, v22;
	v43 =	vmul.f32 v35, v30;
	_ =	sdelay $0x1  }
0x13e: {  	v40 =	vadd.f32 v41, v40;
	v41 =	vadd.f32 v43, v42;
	_ =	sdelay $0x1  }
0x13f: {  	v40 =	vadd.f32 v41, v40;
	v36 =	vadd.f32 v36, v32;
	_ =	sdelay $0x1  }
0x140: {  	v36 =	vadd.f32 v36, v40;
	_ =	sdelay $0x1  }
0x141: {  	[tilespmem:s4+$0x27D0] =	vst v36  }
0x142: {  	v41 =	vmul.f32 v38, v16;
	v40 =	vmul.f32 v37, v15;
	v36 =	vld [tilespmem:s31+$0xFFFFFFF0]  }
0x143: {  	v42 =	vmul.f32 v39, v21;
	v43 =	vmul.f32 v35, v25;
	_ =	sdelay $0x1  }
0x144: {  	v40 =	vadd.f32 v41, v40;
	v41 =	vadd.f32 v43, v42;
	_ =	sdelay $0x1  }
0x145: {  	v40 =	vadd.f32 v41, v40;
	v36 =	vadd.f32 v36, v27;
	_ =	sdelay $0x1  }
0x146: {  	v36 =	vadd.f32 v36, v40;
	_ =	sdelay $0x1  }
0x147: {  	[tilespmem:s4+$0x27E0] =	vst v36  }
0x148: {  	v38 =	vmul.f32 v38, v14;
	v37 =	vmul.f32 v37, v13;
	v36 =	vld [tilespmem:s31+$0x0]  }
.Ltmp2:
0x149: {  	v39 =	vmul.f32 v39, v18;
	v35 =	vmul.f32 v35, v20;
	(pc) =	sbr.rel @p0 .LBB2_6-.Ltmp2, $4  }
0x14a: {  	_ = 	snop  }
0x14b: {  	v37 =	vadd.f32 v38, v37;
	v38 =	vadd.f32 v35, v39  }
0x14c: {  	v35 =	vmov s3  }
0x14d: {  	s3 =	sadd.s32 $0x1, s3;
	v35 =	vand.u32 $0xF, v35;
	v37 =	vadd.f32 v38, v37;
	v36 =	vadd.f32 v36, v23  }
0x14e: {  	v35 =	vbroadcast v35, $0x0  }
0x14f: {  	v36 =	vadd.f32 v36, v37  }
0x150: {  	v53 =	vperm.xlane v5, v35;
	v38 =	vperm.xlane v6, v35  }
0x151: {  	s3 =	sadd.s32 $0x80, s31;
	v39 =	vperm.xlane v7, v35;
	v35 =	vperm.xlane v8, v35;
	[tilespmem:s4+$0x27F0] =	vst v36  }
0x152: {  	v36 =	vld [tilespmem:s3+$0xFFFFFFD0];
	v40 =	vmul.f32 v53, v24;
	v41 =	vmul.f32 v38, v26  }
0x153: {  	v42 =	vmul.f32 v39, v28;
	v43 =	vmul.f32 v35, v29;
	_ =	sdelay $0x1  }
0x154: {  	v40 =	vadd.f32 v41, v40;
	v54 =	vadd.f32 v43, v42;
	_ =	sdelay $0x1  }
0x155: {  	s2 =	sadd.s32 $0x2, s2;
	v40 =	vadd.f32 v54, v40;
	v36 =	vadd.f32 v36, v31  }
0x156: {  	s0 =	sand.u32 $0x7, s0;
	s2 =	sand.u32 $0x10, s2  }
0x157: {  	s0 =	sor.u32 s0, s2;
	v36 =	vadd.f32 v40, v36  }
0x158: {  	s0 =	sshll.u32 s0, $0x7  }
0x159: {  	[tilespmem:s0+$0x27C0] =	vst v36  }
0x15a: {  	v55 =	vmul.f32 v53, v17;
	v56 =	vmul.f32 v38, v19;
	v36 =	vld [tilespmem:s3+$0xFFFFFFE0]  }
0x15b: {  	v57 =	vmul.f32 v39, v22;
	v58 =	vmul.f32 v35, v30;
	_ =	sdelay $0x1  }
0x15c: {  	v59 =	vadd.f32 v58, v57;
	v40 =	vadd.f32 v56, v55;
	_ =	sdelay $0x1  }
0x15d: {  	v40 =	vadd.f32 v59, v40;
	v36 =	vadd.f32 v36, v32;
	_ =	sdelay $0x1  }
0x15e: {  	v36 =	vadd.f32 v36, v40;
	_ =	sdelay $0x1  }
0x15f: {  	[tilespmem:s0+$0x27D0] =	vst v36  }
0x160: {  	v60 =	vmul.f32 v53, v15;
	v61 =	vmul.f32 v38, v16;
	v36 =	vld [tilespmem:s3+$0xFFFFFFF0]  }
0x161: {  	v62 =	vmul.f32 v39, v21;
	v63 =	vmul.f32 v35, v25;
	_ =	sdelay $0x1  }
0x162: {  	v44 =	vadd.f32 v63, v62;
	v40 =	vadd.f32 v61, v60;
	_ =	sdelay $0x1  }
0x163: {  	v40 =	vadd.f32 v44, v40;
	v36 =	vadd.f32 v36, v27;
	_ =	sdelay $0x1  }
0x164: {  	v36 =	vadd.f32 v36, v40;
	_ =	sdelay $0x1  }
0x165: {  	[tilespmem:s0+$0x27E0] =	vst v36  }
0x166: {  	v37 =	vmul.f32 v53, v13;
	v38 =	vmul.f32 v38, v14;
	v36 =	vld [tilespmem:s3+$0x0]  }
0x167: {  	v39 =	vmul.f32 v39, v18;
	v35 =	vmul.f32 v35, v20;
	_ =	sdelay $0x1  }
0x168: {  	v37 =	vadd.f32 v38, v37;
	v35 =	vadd.f32 v35, v39;
	_ =	sdelay $0x1  }
0x169: {  	v35 =	vadd.f32 v35, v37;
	v36 =	vadd.f32 v36, v23;
	_ =	sdelay $0x1  }
0x16a: {  	v35 =	vadd.f32 v36, v35  }
0x16b: {  	v45 =	vperm.xlane v10, v33;
	v46 =	vperm.xlane v11, v33  }
0x16c: {  	s31 =	simm.s32 $0xFF0;
	v47 =	vperm.xlane v12, v33;
	v36 =	vperm.xlane v9, v33;
	[tilespmem:s0+$0x27F0] =	vst v35  }
0x16d: {  	v50 =	vmul.f32 v45, v26;
	v51 =	vmul.f32 v46, v28;
	v48 =	vld [tilespmem:s31+$0xFFFFFFD0]  }
0x16e: {  	v52 =	vmul.f32 v47, v29;
	v49 =	vmul.f32 v36, v24;
	_ =	sdelay $0x1  }
0x16f: {  	v53 =	vadd.f32 v52, v51;
	v39 =	vadd.f32 v50, v49;
	_ =	sdelay $0x1  }
0x170: {  	s4 =	simm.s32 $0x20;
	v39 =	vadd.f32 v53, v39;
	v38 =	vadd.f32 v48, v31  }
0x171: {  	s9 =	sand.u32 $0x7, s30;
	s0 =	sand.u32 $0x30, s4  }
0x172: {  	s0 =	sor.u32 s9, s0;
	v38 =	vadd.f32 v39, v38  }
0x173: {  	s0 =	sshll.u32 s0, $0x7  }
0x174: {  	[tilespmem:s0+$0x27C0] =	vst v38  }
0x175: {  	v57 =	vmul.f32 v47, v30;
	v55 =	vmul.f32 v45, v19;
	v38 =	vld [tilespmem:s31+$0xFFFFFFE0]  }
0x176: {  	v56 =	vmul.f32 v46, v22;
	v54 =	vmul.f32 v36, v17;
	_ =	sdelay $0x1  }
0x177: {  	v58 =	vadd.f32 v57, v56;
	v39 =	vadd.f32 v55, v54;
	_ =	sdelay $0x1  }
0x178: {  	v39 =	vadd.f32 v58, v39;
	v38 =	vadd.f32 v38, v32;
	_ =	sdelay $0x1  }
0x179: {  	v38 =	vadd.f32 v38, v39;
	_ =	sdelay $0x1  }
0x17a: {  	[tilespmem:s0+$0x27D0] =	vst v38  }
0x17b: {  	v62 =	vmul.f32 v47, v25;
	v60 =	vmul.f32 v45, v16;
	v38 =	vld [tilespmem:s31+$0xFFFFFFF0]  }
0x17c: {  	v61 =	vmul.f32 v46, v21;
	v59 =	vmul.f32 v36, v15;
	_ =	sdelay $0x1  }
0x17d: {  	v63 =	vadd.f32 v62, v61;
	v39 =	vadd.f32 v60, v59;
	_ =	sdelay $0x1  }
0x17e: {  	v39 =	vadd.f32 v63, v39;
	v38 =	vadd.f32 v38, v27;
	_ =	sdelay $0x1  }
0x17f: {  	v38 =	vadd.f32 v38, v39;
	_ =	sdelay $0x1  }
0x180: {  	[tilespmem:s0+$0x27E0] =	vst v38  }
0x181: {  	v37 =	vmul.f32 v45, v14;
	v33 =	vmul.f32 v47, v20;
	v38 =	vld [tilespmem:s31+$0x0]  }
0x182: {  	v36 =	vmul.f32 v36, v13;
	v35 =	vmul.f32 v46, v18;
	_ =	sdelay $0x1  }
0x183: {  	v36 =	vadd.f32 v37, v36;
	v35 =	vadd.f32 v33, v35;
	_ =	sdelay $0x1  }
0x184: {  	s30 =	simm.s32 $0x22;
	s2 =	simm.s32 $0x24;
	v33 =	vand.u32 $0xF, v34;
	v35 =	vadd.f32 v35, v36;
	v34 =	vadd.f32 v38, v23  }
.LBB2_8:
0x185: {  	p0 =	sne.s32 s2, $0x3E;
	v33 =	vbroadcast v33, $0x0  }
0x186: {  	v34 =	vadd.f32 v34, v35  }
0x187: {  	v35 =	vperm.xlane v9, v33;
	v36 =	vperm.xlane v10, v33  }
0x188: {  	s31 =	sadd.s32 $0x80, s31;
	v37 =	vperm.xlane v11, v33;
	v33 =	vperm.xlane v12, v33;
	[tilespmem:s0+$0x27F0] =	vst v34  }
0x189: {  	v34 =	vld [tilespmem:s31+$0xFFFFFFD0];
	v38 =	vmul.f32 v35, v24;
	v39 =	vmul.f32 v36, v26  }
0x18a: {  	v40 =	vmul.f32 v37, v28;
	v41 =	vmul.f32 v33, v29;
	_ =	sdelay $0x1  }
0x18b: {  	v38 =	vadd.f32 v39, v38;
	v39 =	vadd.f32 v41, v40;
	_ =	sdelay $0x1  }
0x18c: {  	v38 =	vadd.f32 v39, v38;
	v34 =	vadd.f32 v34, v31  }
0x18d: {  	s3 =	sand.u32 $0x7, s29;
	s0 =	sand.u32 $0x30, s30;
	s30 =	smov.u32 s2  }
0x18e: {  	s0 =	sor.u32 s3, s0;
	v34 =	vadd.f32 v38, v34  }
0x18f: {  	s0 =	sshll.u32 s0, $0x7  }
0x190: {  	[tilespmem:s0+$0x27C0] =	vst v34  }
0x191: {  	v39 =	vmul.f32 v36, v19;
	v38 =	vmul.f32 v35, v17;
	v34 =	vld [tilespmem:s31+$0xFFFFFFE0]  }
0x192: {  	v40 =	vmul.f32 v37, v22;
	v41 =	vmul.f32 v33, v30;
	_ =	sdelay $0x1  }
0x193: {  	v38 =	vadd.f32 v39, v38;
	v39 =	vadd.f32 v41, v40;
	_ =	sdelay $0x1  }
0x194: {  	v38 =	vadd.f32 v39, v38;
	v34 =	vadd.f32 v34, v32;
	_ =	sdelay $0x1  }
0x195: {  	v34 =	vadd.f32 v34, v38;
	_ =	sdelay $0x1  }
0x196: {  	[tilespmem:s0+$0x27D0] =	vst v34  }
0x197: {  	v39 =	vmul.f32 v36, v16;
	v38 =	vmul.f32 v35, v15;
	v34 =	vld [tilespmem:s31+$0xFFFFFFF0]  }
0x198: {  	v40 =	vmul.f32 v37, v21;
	v41 =	vmul.f32 v33, v25;
	_ =	sdelay $0x1  }
0x199: {  	v38 =	vadd.f32 v39, v38;
	v39 =	vadd.f32 v41, v40;
	_ =	sdelay $0x1  }
0x19a: {  	v38 =	vadd.f32 v39, v38;
	v34 =	vadd.f32 v34, v27;
	_ =	sdelay $0x1  }
0x19b: {  	v34 =	vadd.f32 v34, v38;
	_ =	sdelay $0x1  }
0x19c: {  	[tilespmem:s0+$0x27E0] =	vst v34  }
0x19d: {  	v36 =	vmul.f32 v36, v14;
	v35 =	vmul.f32 v35, v13;
	v34 =	vld [tilespmem:s31+$0x0]  }
.Ltmp3:
0x19e: {  	v37 =	vmul.f32 v37, v18;
	v33 =	vmul.f32 v33, v20;
	(pc) =	sbr.rel @p0 .LBB2_8-.Ltmp3, $4  }
0x19f: {  	_ = 	snop  }
0x1a0: {  	s29 =	sadd.s32 $0x1, s29;
	v35 =	vadd.f32 v36, v35;
	v36 =	vadd.f32 v33, v37  }
0x1a1: {  	v33 =	vmov s29  }
0x1a2: {  	s2 =	sadd.s32 $0x2, s2;
	v33 =	vand.u32 $0xF, v33;
	v35 =	vadd.f32 v36, v35;
	v34 =	vadd.f32 v34, v23  }
0x1a3: {  	v33 =	vbroadcast v33, $0x0  }
0x1a4: {  	v34 =	vadd.f32 v34, v35  }
0x1a5: {  	v46 =	vperm.xlane v9, v33;
	v36 =	vperm.xlane v10, v33  }
0x1a6: {  	s9 =	sadd.s32 $0x80, s31;
	v37 =	vperm.xlane v11, v33;
	v33 =	vperm.xlane v12, v33;
	[tilespmem:s0+$0x27F0] =	vst v34  }
0x1a7: {  	v34 =	vld [tilespmem:s9+$0xFFFFFFD0];
	v24 =	vmul.f32 v46, v24;
	v26 =	vmul.f32 v36, v26  }
0x1a8: {  	v28 =	vmul.f32 v37, v28;
	v29 =	vmul.f32 v33, v29;
	_ =	sdelay $0x1  }
0x1a9: {  	v24 =	vadd.f32 v26, v24;
	v26 =	vadd.f32 v29, v28;
	_ =	sdelay $0x1  }
0x1aa: {  	v24 =	vadd.f32 v26, v24;
	v28 =	vadd.f32 v34, v31  }
0x1ab: {  	s2 =	sand.u32 $0x30, s30;
	s3 =	sand.u32 $0x7, s29  }
0x1ac: {  	s2 =	sor.u32 s3, s2;
	v24 =	vadd.f32 v24, v28  }
0x1ad: {  	s2 =	sshll.u32 s2, $0x7  }
0x1ae: {  	[tilespmem:s2+$0x27C0] =	vst v24  }
0x1af: {  	v17 =	vmul.f32 v46, v17;
	v19 =	vmul.f32 v36, v19;
	v24 =	vld [tilespmem:s9+$0xFFFFFFE0]  }
0x1b0: {  	v22 =	vmul.f32 v37, v22;
	v26 =	vmul.f32 v33, v30;
	_ =	sdelay $0x1  }
0x1b1: {  	v17 =	vadd.f32 v19, v17;
	v19 =	vadd.f32 v26, v22;
	_ =	sdelay $0x1  }
0x1b2: {  	v17 =	vadd.f32 v19, v17;
	v22 =	vadd.f32 v24, v32;
	_ =	sdelay $0x1  }
0x1b3: {  	v17 =	vadd.f32 v22, v17;
	_ =	sdelay $0x1  }
0x1b4: {  	[tilespmem:s2+$0x27D0] =	vst v17  }
0x1b5: {  	v15 =	vmul.f32 v46, v15;
	v16 =	vmul.f32 v36, v16;
	v17 =	vld [tilespmem:s9+$0xFFFFFFF0]  }
0x1b6: {  	v19 =	vmul.f32 v37, v21;
	v21 =	vmul.f32 v33, v25;
	_ =	sdelay $0x1  }
0x1b7: {  	v15 =	vadd.f32 v16, v15;
	v16 =	vadd.f32 v21, v19;
	_ =	sdelay $0x1  }
0x1b8: {  	v15 =	vadd.f32 v16, v15;
	v17 =	vadd.f32 v17, v27;
	_ =	sdelay $0x1  }
0x1b9: {  	v15 =	vadd.f32 v17, v15;
	_ =	sdelay $0x1  }
0x1ba: {  	[tilespmem:s2+$0x27E0] =	vst v15  }
0x1bb: {  	v13 =	vmul.f32 v46, v13;
	v14 =	vmul.f32 v36, v14;
	v15 =	vld [tilespmem:s9+$0x0]  }
0x1bc: {  	v16 =	vmul.f32 v37, v18;
	v17 =	vmul.f32 v33, v20;
	_ =	sdelay $0x1  }
0x1bd: {  	v13 =	vadd.f32 v14, v13;
	v14 =	vadd.f32 v17, v16;
	_ =	sdelay $0x1  }
0x1be: {  	v13 =	vadd.f32 v14, v13;
	v15 =	vadd.f32 v15, v23;
	_ =	sdelay $0x1  }
0x1bf: {  	v13 =	vadd.f32 v15, v13;
	_ =	sdelay $0x1  }
0x1c0: {  	[tilespmem:s2+$0x27F0] =	vst v13  }
0x1c1: {  	v28 =	vld [tilespmem:$0x400]  }
0x1c2: {  	v22 =	vld [tilespmem:$0x410]  }
0x1c3: {  	v17 =	vld [tilespmem:$0x420]  }
0x1c4: {  	v13 =	vld [tilespmem:$0x430]  }
0x1c5: {  	v29 =	vld [tilespmem:$0x480]  }
0x1c6: {  	v24 =	vld [tilespmem:$0x490]  }
0x1c7: {  	v18 =	vld [tilespmem:$0x4A0]  }
0x1c8: {  	v14 =	vld [tilespmem:$0x4B0]  }
0x1c9: {  	v30 =	vld [tilespmem:$0x500]  }
0x1ca: {  	v25 =	vld [tilespmem:$0x510]  }
0x1cb: {  	v20 =	vld [tilespmem:$0x520]  }
0x1cc: {  	v15 =	vld [tilespmem:$0x530]  }
0x1cd: {  	v32 =	vld [tilespmem:$0x580]  }
0x1ce: {  	v26 =	vld [tilespmem:$0x590]  }
0x1cf: {  	v21 =	vld [tilespmem:$0x5A0]  }
0x1d0: {  	s29 =	simm.s32 $0x0;
	v16 =	vld [tilespmem:$0x5B0]  }
0x1d1: {  	v19 =	vmov s29;
	v31 =	vld [tilespmem:$0x680]  }
0x1d2: {  	v47 =	vand.u32 $0xF, v19;
	v27 =	vld [tilespmem:$0x690]  }
0x1d3: {  	v33 =	vbroadcast v47, $0x0;
	v23 =	vld [tilespmem:$0x6A0]  }
0x1d4: {  	v19 =	vld [tilespmem:$0x6B0];
	_ =	swait.ge [sflag:s24], $0x800  }
0x1d5: {  	v48 =	vperm.xlane v5, v33;
	v49 =	vperm.xlane v6, v33;
	[sflag:s24] =	ssyncset.done $0x0  }
0x1d6: {  	s30 =	simm.s32 $0x17B0;
	v50 =	vperm.xlane v7, v33;
	v33 =	vperm.xlane v8, v33;
	[sflag:s24] =	ssyncadd.s32 $0xFFFFF800  }
0x1d7: {  	v51 =	vld [tilespmem:s30+$0xFFFFFFD0];
	v38 =	vmul.f32 v48, v28;
	v39 =	vmul.f32 v49, v29  }
0x1d8: {  	v40 =	vmul.f32 v50, v30;
	v41 =	vmul.f32 v33, v32;
	_ =	sdelay $0x1  }
0x1d9: {  	v38 =	vadd.f32 v39, v38;
	v52 =	vadd.f32 v41, v40;
	_ =	sdelay $0x1  }
0x1da: {  	v37 =	vadd.f32 v51, v31;
	v38 =	vadd.f32 v52, v38  }
0x1db: {  	s4 =	sand.u32 $0x10, s29;
	s9 =	sand.u32 $0x7, s29  }
0x1dc: {  	s0 =	sor.u32 s9, s4;
	v37 =	vadd.f32 v38, v37  }
0x1dd: {  	s0 =	sshll.u32 s0, $0x7  }
0x1de: {  	[tilespmem:s0+$0x2B80] =	vst v37  }
0x1df: {  	v53 =	vmul.f32 v48, v22;
	v54 =	vmul.f32 v49, v24;
	v37 =	vld [tilespmem:s30+$0xFFFFFFE0]  }
0x1e0: {  	v55 =	vmul.f32 v50, v25;
	v56 =	vmul.f32 v33, v26;
	_ =	sdelay $0x1  }
0x1e1: {  	v57 =	vadd.f32 v56, v55;
	v38 =	vadd.f32 v54, v53;
	_ =	sdelay $0x1  }
0x1e2: {  	v38 =	vadd.f32 v57, v38;
	v37 =	vadd.f32 v37, v27;
	_ =	sdelay $0x1  }
0x1e3: {  	v37 =	vadd.f32 v37, v38;
	_ =	sdelay $0x1  }
0x1e4: {  	[tilespmem:s0+$0x2B90] =	vst v37  }
0x1e5: {  	v58 =	vmul.f32 v48, v17;
	v59 =	vmul.f32 v49, v18;
	v37 =	vld [tilespmem:s30+$0xFFFFFFF0]  }
0x1e6: {  	v60 =	vmul.f32 v50, v20;
	v61 =	vmul.f32 v33, v21;
	_ =	sdelay $0x1  }
0x1e7: {  	v62 =	vadd.f32 v61, v60;
	v38 =	vadd.f32 v59, v58;
	_ =	sdelay $0x1  }
0x1e8: {  	v38 =	vadd.f32 v62, v38;
	v37 =	vadd.f32 v37, v23;
	_ =	sdelay $0x1  }
0x1e9: {  	v37 =	vadd.f32 v37, v38;
	_ =	sdelay $0x1  }
0x1ea: {  	[tilespmem:s0+$0x2BA0] =	vst v37  }
0x1eb: {  	v34 =	vmul.f32 v48, v13;
	v35 =	vmul.f32 v49, v14;
	v37 =	vld [tilespmem:s30+$0x0]  }
0x1ec: {  	v36 =	vmul.f32 v50, v15;
	v33 =	vmul.f32 v33, v16;
	_ =	sdelay $0x1  }
0x1ed: {  	s31 =	simm.s32 $0x1;
	v35 =	vadd.f32 v35, v34;
	v36 =	vadd.f32 v33, v36  }
0x1ee: {  	v63 =	vmov s31  }
0x1ef: {  	s2 =	simm.s32 $0x2;
	v33 =	vand.u32 $0xF, v63;
	v35 =	vadd.f32 v36, v35;
	v34 =	vadd.f32 v37, v19  }
.LBB2_10:
0x1f0: {  	p0 =	sne.s32 s2, $0xF;
	v33 =	vbroadcast v33, $0x0  }
0x1f1: {  	v34 =	vadd.f32 v34, v35  }
0x1f2: {  	v35 =	vperm.xlane v5, v33;
	v36 =	vperm.xlane v6, v33  }
0x1f3: {  	s30 =	sadd.s32 $0x80, s30;
	v37 =	vperm.xlane v7, v33;
	v33 =	vperm.xlane v8, v33;
	[tilespmem:s0+$0x2BB0] =	vst v34  }
0x1f4: {  	v34 =	vld [tilespmem:s30+$0xFFFFFFD0];
	v38 =	vmul.f32 v35, v28;
	v39 =	vmul.f32 v36, v29  }
0x1f5: {  	v40 =	vmul.f32 v37, v30;
	v41 =	vmul.f32 v33, v32;
	_ =	sdelay $0x1  }
0x1f6: {  	v38 =	vadd.f32 v39, v38;
	v39 =	vadd.f32 v41, v40;
	_ =	sdelay $0x1  }
0x1f7: {  	s29 =	sadd.s32 $0x2, s29;
	v38 =	vadd.f32 v39, v38;
	v34 =	vadd.f32 v34, v31  }
0x1f8: {  	s3 =	sand.u32 $0x7, s31;
	s31 =	smov.u32 s2;
	s0 =	sand.u32 $0x10, s29  }
0x1f9: {  	s0 =	sor.u32 s3, s0;
	v34 =	vadd.f32 v38, v34  }
0x1fa: {  	s0 =	sshll.u32 s0, $0x7  }
0x1fb: {  	[tilespmem:s0+$0x2B80] =	vst v34  }
0x1fc: {  	v39 =	vmul.f32 v36, v24;
	v38 =	vmul.f32 v35, v22;
	v34 =	vld [tilespmem:s30+$0xFFFFFFE0]  }
0x1fd: {  	v40 =	vmul.f32 v37, v25;
	v41 =	vmul.f32 v33, v26;
	_ =	sdelay $0x1  }
0x1fe: {  	v38 =	vadd.f32 v39, v38;
	v39 =	vadd.f32 v41, v40;
	_ =	sdelay $0x1  }
0x1ff: {  	v38 =	vadd.f32 v39, v38;
	v34 =	vadd.f32 v34, v27;
	_ =	sdelay $0x1  }
0x200: {  	v34 =	vadd.f32 v34, v38;
	_ =	sdelay $0x1  }
0x201: {  	[tilespmem:s0+$0x2B90] =	vst v34  }
0x202: {  	v39 =	vmul.f32 v36, v18;
	v38 =	vmul.f32 v35, v17;
	v34 =	vld [tilespmem:s30+$0xFFFFFFF0]  }
0x203: {  	v40 =	vmul.f32 v37, v20;
	v41 =	vmul.f32 v33, v21;
	_ =	sdelay $0x1  }
0x204: {  	v38 =	vadd.f32 v39, v38;
	v39 =	vadd.f32 v41, v40;
	_ =	sdelay $0x1  }
0x205: {  	v38 =	vadd.f32 v39, v38;
	v34 =	vadd.f32 v34, v23;
	_ =	sdelay $0x1  }
0x206: {  	v34 =	vadd.f32 v34, v38;
	_ =	sdelay $0x1  }
0x207: {  	[tilespmem:s0+$0x2BA0] =	vst v34  }
0x208: {  	v36 =	vmul.f32 v36, v14;
	v35 =	vmul.f32 v35, v13;
	v34 =	vld [tilespmem:s30+$0x0]  }
.Ltmp4:
0x209: {  	v37 =	vmul.f32 v37, v15;
	v33 =	vmul.f32 v33, v16;
	(pc) =	sbr.rel @p0 .LBB2_10-.Ltmp4, $4  }
0x20a: {  	_ = 	snop  }
0x20b: {  	v35 =	vadd.f32 v36, v35;
	v36 =	vadd.f32 v33, v37  }
0x20c: {  	v33 =	vmov s2  }
0x20d: {  	s2 =	sadd.s32 $0x1, s2;
	v33 =	vand.u32 $0xF, v33;
	v35 =	vadd.f32 v36, v35;
	v34 =	vadd.f32 v34, v19  }
0x20e: {  	v33 =	vbroadcast v33, $0x0  }
0x20f: {  	v34 =	vadd.f32 v34, v35  }
0x210: {  	v53 =	vperm.xlane v5, v33;
	v36 =	vperm.xlane v6, v33  }
0x211: {  	s9 =	sadd.s32 $0x80, s30;
	v37 =	vperm.xlane v7, v33;
	v33 =	vperm.xlane v8, v33;
	[tilespmem:s0+$0x2BB0] =	vst v34  }
0x212: {  	v34 =	vld [tilespmem:s9+$0xFFFFFFD0];
	v38 =	vmul.f32 v53, v28;
	v39 =	vmul.f32 v36, v29  }
0x213: {  	v40 =	vmul.f32 v37, v30;
	v41 =	vmul.f32 v33, v32;
	_ =	sdelay $0x1  }
0x214: {  	v38 =	vadd.f32 v39, v38;
	v54 =	vadd.f32 v41, v40;
	_ =	sdelay $0x1  }
0x215: {  	s2 =	sadd.s32 $0x2, s29;
	v38 =	vadd.f32 v54, v38;
	v34 =	vadd.f32 v34, v31  }
0x216: {  	s3 =	sand.u32 $0x7, s31;
	s2 =	sand.u32 $0x10, s2  }
0x217: {  	s2 =	sor.u32 s3, s2;
	v34 =	vadd.f32 v38, v34  }
0x218: {  	s2 =	sshll.u32 s2, $0x7  }
0x219: {  	[tilespmem:s2+$0x2B80] =	vst v34  }
0x21a: {  	v55 =	vmul.f32 v53, v22;
	v56 =	vmul.f32 v36, v24;
	v34 =	vld [tilespmem:s9+$0xFFFFFFE0]  }
0x21b: {  	v57 =	vmul.f32 v37, v25;
	v58 =	vmul.f32 v33, v26;
	_ =	sdelay $0x1  }
0x21c: {  	v59 =	vadd.f32 v58, v57;
	v38 =	vadd.f32 v56, v55;
	_ =	sdelay $0x1  }
0x21d: {  	v38 =	vadd.f32 v59, v38;
	v34 =	vadd.f32 v34, v27;
	_ =	sdelay $0x1  }
0x21e: {  	v34 =	vadd.f32 v34, v38;
	_ =	sdelay $0x1  }
0x21f: {  	[tilespmem:s2+$0x2B90] =	vst v34  }
0x220: {  	v60 =	vmul.f32 v53, v17;
	v61 =	vmul.f32 v36, v18;
	v34 =	vld [tilespmem:s9+$0xFFFFFFF0]  }
0x221: {  	v62 =	vmul.f32 v37, v20;
	v63 =	vmul.f32 v33, v21;
	_ =	sdelay $0x1  }
0x222: {  	v42 =	vadd.f32 v63, v62;
	v38 =	vadd.f32 v61, v60;
	_ =	sdelay $0x1  }
0x223: {  	v38 =	vadd.f32 v42, v38;
	v34 =	vadd.f32 v34, v23;
	_ =	sdelay $0x1  }
0x224: {  	v34 =	vadd.f32 v34, v38;
	_ =	sdelay $0x1  }
0x225: {  	[tilespmem:s2+$0x2BA0] =	vst v34  }
0x226: {  	v35 =	vmul.f32 v53, v13;
	v36 =	vmul.f32 v36, v14;
	v34 =	vld [tilespmem:s9+$0x0]  }
0x227: {  	v37 =	vmul.f32 v37, v15;
	v33 =	vmul.f32 v33, v16;
	_ =	sdelay $0x1  }
0x228: {  	v35 =	vadd.f32 v36, v35;
	v33 =	vadd.f32 v33, v37;
	_ =	sdelay $0x1  }
0x229: {  	v33 =	vadd.f32 v33, v35;
	v34 =	vadd.f32 v34, v19  }
0x22a: {  	s29 =	simm.s32 $0x0  }
0x22b: {  	v43 =	vmov s29;
	v33 =	vadd.f32 v34, v33  }
0x22c: {  	v34 =	vand.u32 $0xF, v43  }
0x22d: {  	v44 =	vbroadcast v34, $0x0;
	[tilespmem:s2+$0x2BB0] =	vst v33  }
0x22e: {  	_ =	swait.ge [sflag:s25], $0x800  }
0x22f: {  	v34 =	vperm.xlane v9, v44;
	v45 =	vperm.xlane v10, v44;
	[sflag:s25] =	ssyncset.done $0x0  }
0x230: {  	s30 =	simm.s32 $0x1FB0;
	v46 =	vperm.xlane v11, v44;
	v33 =	vperm.xlane v12, v44;
	[sflag:s25] =	ssyncadd.s32 $0xFFFFF800  }
0x231: {  	v48 =	vmul.f32 v34, v28;
	v49 =	vmul.f32 v45, v29;
	v47 =	vld [tilespmem:s30+$0xFFFFFFD0]  }
0x232: {  	v50 =	vmul.f32 v46, v30;
	v51 =	vmul.f32 v33, v32;
	_ =	sdelay $0x1  }
0x233: {  	v38 =	vadd.f32 v49, v48;
	v52 =	vadd.f32 v51, v50  }
0x234: {  	s4 =	simm.s32 $0x0  }
0x235: {  	s0 =	sand.u32 $0xFFFFE000, s4;
	v38 =	vadd.f32 v52, v38;
	v37 =	vadd.f32 v47, v31  }
0x236: {  	s0 =	sadd.s32 $0x0, s0  }
0x237: {  	s0 =	sor.u32 $0x5000, s0;
	v37 =	vadd.f32 v38, v37  }
0x238: {  	s0 =	sshra.s32 s0, $0x2  }
0x239: {  	[tilespmem:s0+$0x2780] =	vst v37  }
0x23a: {  	v53 =	vmul.f32 v34, v22;
	v54 =	vmul.f32 v45, v24;
	v37 =	vld [tilespmem:s30+$0xFFFFFFE0]  }
0x23b: {  	v55 =	vmul.f32 v46, v25;
	v56 =	vmul.f32 v33, v26;
	_ =	sdelay $0x1  }
0x23c: {  	v57 =	vadd.f32 v56, v55;
	v38 =	vadd.f32 v54, v53;
	_ =	sdelay $0x1  }
0x23d: {  	v38 =	vadd.f32 v57, v38;
	v37 =	vadd.f32 v37, v27;
	_ =	sdelay $0x1  }
0x23e: {  	v37 =	vadd.f32 v37, v38;
	_ =	sdelay $0x1  }
0x23f: {  	[tilespmem:s0+$0x2790] =	vst v37  }
0x240: {  	v58 =	vmul.f32 v34, v17;
	v59 =	vmul.f32 v45, v18;
	v37 =	vld [tilespmem:s30+$0xFFFFFFF0]  }
0x241: {  	v60 =	vmul.f32 v46, v20;
	v61 =	vmul.f32 v33, v21;
	_ =	sdelay $0x1  }
0x242: {  	v62 =	vadd.f32 v61, v60;
	v38 =	vadd.f32 v59, v58;
	_ =	sdelay $0x1  }
0x243: {  	v38 =	vadd.f32 v62, v38;
	v37 =	vadd.f32 v37, v23;
	_ =	sdelay $0x1  }
0x244: {  	v37 =	vadd.f32 v37, v38;
	_ =	sdelay $0x1  }
0x245: {  	[tilespmem:s0+$0x27A0] =	vst v37  }
0x246: {  	v34 =	vmul.f32 v34, v13;
	v35 =	vmul.f32 v45, v14;
	v37 =	vld [tilespmem:s30+$0x0]  }
0x247: {  	v36 =	vmul.f32 v46, v15;
	v33 =	vmul.f32 v33, v16;
	_ =	sdelay $0x1  }
0x248: {  	s9 =	simm.s32 $0x1;
	v35 =	vadd.f32 v35, v34;
	v36 =	vadd.f32 v33, v36  }
0x249: {  	v63 =	vmov s9  }
0x24a: {  	s31 =	simm.s32 $0x0;
	s2 =	simm.s32 $0x2;
	v33 =	vand.u32 $0xF, v63;
	v35 =	vadd.f32 v36, v35;
	v34 =	vadd.f32 v37, v19  }
.LBB2_12:
0x24b: {  	p0 =	sne.s32 s2, $0xF;
	v33 =	vbroadcast v33, $0x0  }
0x24c: {  	v34 =	vadd.f32 v34, v35  }
0x24d: {  	v35 =	vperm.xlane v9, v33;
	v36 =	vperm.xlane v10, v33  }
0x24e: {  	s30 =	sadd.s32 $0x80, s30;
	v37 =	vperm.xlane v11, v33;
	v33 =	vperm.xlane v12, v33;
	[tilespmem:s0+$0x27B0] =	vst v34  }
0x24f: {  	v34 =	vld [tilespmem:s30+$0xFFFFFFD0];
	v38 =	vmul.f32 v35, v28;
	v39 =	vmul.f32 v36, v29  }
0x250: {  	v40 =	vmul.f32 v37, v30;
	v41 =	vmul.f32 v33, v32;
	_ =	sdelay $0x1  }
0x251: {  	s29 =	sadd.s32 $0x2, s29;
	v38 =	vadd.f32 v39, v38;
	v39 =	vadd.f32 v41, v40  }
0x252: {  	s0 =	sshll.u32 s29, $0x9  }
0x253: {  	s31 =	sadd.s32 $0x200, s31;
	s0 =	sand.u32 $0xFFFFE000, s0;
	v38 =	vadd.f32 v39, v38;
	v34 =	vadd.f32 v34, v31  }
0x254: {  	s0 =	sadd.s32 s0, s31  }
0x255: {  	s0 =	sor.u32 $0x5000, s0;
	v34 =	vadd.f32 v38, v34  }
0x256: {  	s0 =	sshra.s32 s0, $0x2  }
0x257: {  	[tilespmem:s0+$0x2780] =	vst v34  }
0x258: {  	v39 =	vmul.f32 v36, v24;
	v38 =	vmul.f32 v35, v22;
	v34 =	vld [tilespmem:s30+$0xFFFFFFE0]  }
0x259: {  	v40 =	vmul.f32 v37, v25;
	v41 =	vmul.f32 v33, v26;
	_ =	sdelay $0x1  }
0x25a: {  	v38 =	vadd.f32 v39, v38;
	v39 =	vadd.f32 v41, v40;
	_ =	sdelay $0x1  }
0x25b: {  	v38 =	vadd.f32 v39, v38;
	v34 =	vadd.f32 v34, v27;
	_ =	sdelay $0x1  }
0x25c: {  	v34 =	vadd.f32 v34, v38;
	_ =	sdelay $0x1  }
0x25d: {  	[tilespmem:s0+$0x2790] =	vst v34  }
0x25e: {  	v39 =	vmul.f32 v36, v18;
	v38 =	vmul.f32 v35, v17;
	v34 =	vld [tilespmem:s30+$0xFFFFFFF0]  }
0x25f: {  	v40 =	vmul.f32 v37, v20;
	v41 =	vmul.f32 v33, v21;
	_ =	sdelay $0x1  }
0x260: {  	v38 =	vadd.f32 v39, v38;
	v39 =	vadd.f32 v41, v40;
	_ =	sdelay $0x1  }
0x261: {  	v38 =	vadd.f32 v39, v38;
	v34 =	vadd.f32 v34, v23;
	_ =	sdelay $0x1  }
0x262: {  	v34 =	vadd.f32 v34, v38;
	_ =	sdelay $0x1  }
0x263: {  	[tilespmem:s0+$0x27A0] =	vst v34  }
0x264: {  	v36 =	vmul.f32 v36, v14;
	v35 =	vmul.f32 v35, v13;
	v34 =	vld [tilespmem:s30+$0x0]  }
.Ltmp5:
0x265: {  	v37 =	vmul.f32 v37, v15;
	v33 =	vmul.f32 v33, v16;
	(pc) =	sbr.rel @p0 .LBB2_12-.Ltmp5, $4  }
0x266: {  	_ = 	snop  }
0x267: {  	v35 =	vadd.f32 v36, v35;
	v36 =	vadd.f32 v33, v37  }
0x268: {  	v33 =	vmov s2  }
0x269: {  	s2 =	sadd.s32 $0x1, s2;
	v33 =	vand.u32 $0xF, v33;
	v35 =	vadd.f32 v36, v35;
	v34 =	vadd.f32 v34, v19  }
0x26a: {  	v33 =	vbroadcast v33, $0x0  }
0x26b: {  	v34 =	vadd.f32 v34, v35  }
0x26c: {  	v51 =	vperm.xlane v9, v33;
	v36 =	vperm.xlane v10, v33  }
0x26d: {  	s9 =	sadd.s32 $0x80, s30;
	v37 =	vperm.xlane v11, v33;
	v33 =	vperm.xlane v12, v33;
	[tilespmem:s0+$0x27B0] =	vst v34  }
0x26e: {  	v34 =	vld [tilespmem:s9+$0xFFFFFFD0];
	v28 =	vmul.f32 v51, v28;
	v29 =	vmul.f32 v36, v29  }
0x26f: {  	v30 =	vmul.f32 v37, v30;
	v32 =	vmul.f32 v33, v32;
	_ =	sdelay $0x1  }
0x270: {  	s2 =	sadd.s32 $0x2, s29;
	v28 =	vadd.f32 v29, v28;
	v29 =	vadd.f32 v32, v30  }
0x271: {  	s2 =	sshll.u32 s2, $0x9  }
0x272: {  	s3 =	sadd.s32 $0x200, s31;
	s2 =	sand.u32 $0xFFFFE000, s2;
	v28 =	vadd.f32 v29, v28;
	v30 =	vadd.f32 v34, v31  }
0x273: {  	s2 =	sadd.s32 s2, s3  }
0x274: {  	s2 =	sor.u32 $0x5000, s2;
	v28 =	vadd.f32 v28, v30  }
0x275: {  	s2 =	sshra.s32 s2, $0x2  }
0x276: {  	[tilespmem:s2+$0x2780] =	vst v28  }
0x277: {  	v22 =	vmul.f32 v51, v22;
	v24 =	vmul.f32 v36, v24;
	v28 =	vld [tilespmem:s9+$0xFFFFFFE0]  }
0x278: {  	v25 =	vmul.f32 v37, v25;
	v26 =	vmul.f32 v33, v26;
	_ =	sdelay $0x1  }
0x279: {  	v22 =	vadd.f32 v24, v22;
	v24 =	vadd.f32 v26, v25;
	_ =	sdelay $0x1  }
0x27a: {  	v22 =	vadd.f32 v24, v22;
	v25 =	vadd.f32 v28, v27;
	_ =	sdelay $0x1  }
0x27b: {  	v22 =	vadd.f32 v25, v22;
	_ =	sdelay $0x1  }
0x27c: {  	[tilespmem:s2+$0x2790] =	vst v22  }
0x27d: {  	v17 =	vmul.f32 v51, v17;
	v18 =	vmul.f32 v36, v18;
	v22 =	vld [tilespmem:s9+$0xFFFFFFF0]  }
0x27e: {  	v20 =	vmul.f32 v37, v20;
	v21 =	vmul.f32 v33, v21;
	_ =	sdelay $0x1  }
0x27f: {  	v17 =	vadd.f32 v18, v17;
	v18 =	vadd.f32 v21, v20;
	_ =	sdelay $0x1  }
0x280: {  	v17 =	vadd.f32 v18, v17;
	v20 =	vadd.f32 v22, v23;
	_ =	sdelay $0x1  }
0x281: {  	v17 =	vadd.f32 v20, v17;
	_ =	sdelay $0x1  }
0x282: {  	[tilespmem:s2+$0x27A0] =	vst v17  }
0x283: {  	v13 =	vmul.f32 v51, v13;
	v14 =	vmul.f32 v36, v14;
	v17 =	vld [tilespmem:s9+$0x0]  }
0x284: {  	v15 =	vmul.f32 v37, v15;
	v16 =	vmul.f32 v33, v16;
	_ =	sdelay $0x1  }
0x285: {  	v13 =	vadd.f32 v14, v13;
	v14 =	vadd.f32 v16, v15;
	_ =	sdelay $0x1  }
0x286: {  	v13 =	vadd.f32 v14, v13;
	v15 =	vadd.f32 v17, v19;
	_ =	sdelay $0x1  }
0x287: {  	v13 =	vadd.f32 v15, v13;
	_ =	sdelay $0x1  }
0x288: {  	[tilespmem:s2+$0x27B0] =	vst v13  }
0x289: {  	v25 =	vld [tilespmem:$0x440]  }
0x28a: {  	v17 =	vld [tilespmem:$0x450]  }
0x28b: {  	v15 =	vld [tilespmem:$0x460]  }
0x28c: {  	v13 =	vld [tilespmem:$0x470]  }
0x28d: {  	s29 =	simm.s32 $0x0;
	v26 =	vld [tilespmem:$0x4C0]  }
0x28e: {  	v14 =	vmov s29;
	v19 =	vld [tilespmem:$0x4D0]  }
0x28f: {  	v14 =	vand.u32 $0xF, v14;
	v28 =	vld [tilespmem:$0x540]  }
0x290: {  	v33 =	vbroadcast v14, $0x0;
	v30 =	vld [tilespmem:$0x5C0]  }
0x291: {  	v16 =	vld [tilespmem:$0x4E0]  }
0x292: {  	v52 =	vperm.xlane v5, v33;
	v53 =	vperm.xlane v6, v33;
	v14 =	vld [tilespmem:$0x4F0]  }
0x293: {  	s30 =	simm.s32 $0x17F0;
	v54 =	vperm.xlane v7, v33;
	v55 =	vperm.xlane v8, v33;
	v31 =	vld [tilespmem:$0x6C0]  }
0x294: {  	v23 =	vld [tilespmem:s30+$0xFFFFFFD0];
	v20 =	vmul.f32 v52, v25;
	v24 =	vmul.f32 v53, v26  }
0x295: {  	v22 =	vld [tilespmem:$0x550];
	v27 =	vmul.f32 v54, v28;
	v56 =	vmul.f32 v55, v30  }
0x296: {  	v21 =	vld [tilespmem:$0x560]  }
0x297: {  	v18 =	vld [tilespmem:$0x570];
	v38 =	vadd.f32 v24, v20;
	v27 =	vadd.f32 v56, v27  }
0x298: {  	v29 =	vld [tilespmem:$0x5D0]  }
0x299: {  	v32 =	vld [tilespmem:$0x6D0];
	v23 =	vadd.f32 v23, v31;
	v38 =	vadd.f32 v27, v38  }
0x29a: {  	s4 =	sand.u32 $0x10, s29;
	s9 =	sand.u32 $0x7, s29;
	v24 =	vld [tilespmem:$0x5E0]  }
0x29b: {  	s0 =	sor.u32 s9, s4;
	v20 =	vld [tilespmem:$0x5F0];
	v38 =	vadd.f32 v38, v23  }
0x29c: {  	s0 =	sshll.u32 s0, $0x7;
	v27 =	vld [tilespmem:$0x6E0]  }
0x29d: {  	v23 =	vld [tilespmem:$0x6F0];
	[tilespmem:s0+$0x2BC0] =	vst v38  }
0x29e: {  	v39 =	vmul.f32 v52, v17;
	v40 =	vmul.f32 v53, v19;
	v38 =	vld [tilespmem:s30+$0xFFFFFFE0]  }
0x29f: {  	v41 =	vmul.f32 v54, v22;
	v42 =	vmul.f32 v55, v29;
	_ =	sdelay $0x1  }
0x2a0: {  	v39 =	vadd.f32 v40, v39;
	v57 =	vadd.f32 v42, v41;
	_ =	sdelay $0x1  }
0x2a1: {  	v39 =	vadd.f32 v57, v39;
	v38 =	vadd.f32 v38, v32;
	_ =	sdelay $0x1  }
0x2a2: {  	v38 =	vadd.f32 v38, v39;
	_ =	sdelay $0x1  }
0x2a3: {  	[tilespmem:s0+$0x2BD0] =	vst v38  }
0x2a4: {  	v58 =	vmul.f32 v52, v15;
	v59 =	vmul.f32 v53, v16;
	v38 =	vld [tilespmem:s30+$0xFFFFFFF0]  }
0x2a5: {  	v60 =	vmul.f32 v54, v21;
	v61 =	vmul.f32 v55, v24;
	_ =	sdelay $0x1  }
0x2a6: {  	v62 =	vadd.f32 v61, v60;
	v39 =	vadd.f32 v59, v58;
	_ =	sdelay $0x1  }
0x2a7: {  	v39 =	vadd.f32 v62, v39;
	v38 =	vadd.f32 v38, v27;
	_ =	sdelay $0x1  }
0x2a8: {  	v38 =	vadd.f32 v38, v39;
	_ =	sdelay $0x1  }
0x2a9: {  	[tilespmem:s0+$0x2BE0] =	vst v38  }
0x2aa: {  	v34 =	vmul.f32 v52, v13;
	v35 =	vmul.f32 v53, v14;
	v38 =	vld [tilespmem:s30+$0x0]  }
0x2ab: {  	v36 =	vmul.f32 v54, v18;
	v37 =	vmul.f32 v55, v20;
	_ =	sdelay $0x1  }
0x2ac: {  	s31 =	simm.s32 $0x1;
	v63 =	vadd.f32 v35, v34;
	v37 =	vadd.f32 v37, v36  }
0x2ad: {  	v34 =	vmov s31  }
0x2ae: {  	s3 =	simm.s32 $0x2;
	s2 =	simm.s32 $0x0;
	v35 =	vand.u32 $0xF, v34;
	v37 =	vadd.f32 v37, v63;
	v36 =	vadd.f32 v38, v23  }
.LBB2_14:
0x2af: {  	p0 =	sne.s32 s3, $0xF;
	v35 =	vbroadcast v35, $0x0  }
0x2b0: {  	v36 =	vadd.f32 v36, v37  }
0x2b1: {  	v37 =	vperm.xlane v5, v35;
	v38 =	vperm.xlane v6, v35  }
0x2b2: {  	s30 =	sadd.s32 $0x80, s30;
	v39 =	vperm.xlane v7, v35;
	v35 =	vperm.xlane v8, v35;
	[tilespmem:s0+$0x2BF0] =	vst v36  }
0x2b3: {  	v36 =	vld [tilespmem:s30+$0xFFFFFFD0];
	v40 =	vmul.f32 v37, v25;
	v41 =	vmul.f32 v38, v26  }
0x2b4: {  	v42 =	vmul.f32 v39, v28;
	v43 =	vmul.f32 v35, v30;
	_ =	sdelay $0x1  }
0x2b5: {  	v40 =	vadd.f32 v41, v40;
	v41 =	vadd.f32 v43, v42;
	_ =	sdelay $0x1  }
0x2b6: {  	s2 =	sadd.s32 $0x2, s2;
	v40 =	vadd.f32 v41, v40;
	v36 =	vadd.f32 v36, v31  }
0x2b7: {  	s4 =	sand.u32 $0x7, s31;
	s31 =	smov.u32 s3;
	s0 =	sand.u32 $0x10, s2  }
0x2b8: {  	s0 =	sor.u32 s4, s0;
	v36 =	vadd.f32 v40, v36  }
0x2b9: {  	s0 =	sshll.u32 s0, $0x7  }
0x2ba: {  	[tilespmem:s0+$0x2BC0] =	vst v36  }
0x2bb: {  	v41 =	vmul.f32 v38, v19;
	v40 =	vmul.f32 v37, v17;
	v36 =	vld [tilespmem:s30+$0xFFFFFFE0]  }
0x2bc: {  	v42 =	vmul.f32 v39, v22;
	v43 =	vmul.f32 v35, v29;
	_ =	sdelay $0x1  }
0x2bd: {  	v40 =	vadd.f32 v41, v40;
	v41 =	vadd.f32 v43, v42;
	_ =	sdelay $0x1  }
0x2be: {  	v40 =	vadd.f32 v41, v40;
	v36 =	vadd.f32 v36, v32;
	_ =	sdelay $0x1  }
0x2bf: {  	v36 =	vadd.f32 v36, v40;
	_ =	sdelay $0x1  }
0x2c0: {  	[tilespmem:s0+$0x2BD0] =	vst v36  }
0x2c1: {  	v41 =	vmul.f32 v38, v16;
	v40 =	vmul.f32 v37, v15;
	v36 =	vld [tilespmem:s30+$0xFFFFFFF0]  }
0x2c2: {  	v42 =	vmul.f32 v39, v21;
	v43 =	vmul.f32 v35, v24;
	_ =	sdelay $0x1  }
0x2c3: {  	v40 =	vadd.f32 v41, v40;
	v41 =	vadd.f32 v43, v42;
	_ =	sdelay $0x1  }
0x2c4: {  	v40 =	vadd.f32 v41, v40;
	v36 =	vadd.f32 v36, v27;
	_ =	sdelay $0x1  }
0x2c5: {  	v36 =	vadd.f32 v36, v40;
	_ =	sdelay $0x1  }
0x2c6: {  	[tilespmem:s0+$0x2BE0] =	vst v36  }
0x2c7: {  	v38 =	vmul.f32 v38, v14;
	v37 =	vmul.f32 v37, v13;
	v36 =	vld [tilespmem:s30+$0x0]  }
.Ltmp6:
0x2c8: {  	v39 =	vmul.f32 v39, v18;
	v35 =	vmul.f32 v35, v20;
	(pc) =	sbr.rel @p0 .LBB2_14-.Ltmp6, $4  }
0x2c9: {  	_ = 	snop  }
0x2ca: {  	v37 =	vadd.f32 v38, v37;
	v38 =	vadd.f32 v35, v39  }
0x2cb: {  	v35 =	vmov s3  }
0x2cc: {  	s3 =	sadd.s32 $0x1, s3;
	v35 =	vand.u32 $0xF, v35;
	v37 =	vadd.f32 v38, v37;
	v36 =	vadd.f32 v36, v23  }
0x2cd: {  	v35 =	vbroadcast v35, $0x0  }
0x2ce: {  	v36 =	vadd.f32 v36, v37  }
0x2cf: {  	v5 =	vperm.xlane v5, v35;
	v6 =	vperm.xlane v6, v35  }
0x2d0: {  	s4 =	sadd.s32 $0x80, s30;
	v7 =	vperm.xlane v7, v35;
	v8 =	vperm.xlane v8, v35;
	[tilespmem:s0+$0x2BF0] =	vst v36  }
0x2d1: {  	v56 =	vld [tilespmem:s4+$0xFFFFFFD0];
	v57 =	vmul.f32 v5, v25;
	v58 =	vmul.f32 v6, v26  }
0x2d2: {  	v38 =	vmul.f32 v7, v28;
	v39 =	vmul.f32 v8, v30;
	_ =	sdelay $0x1  }
0x2d3: {  	v36 =	vadd.f32 v58, v57;
	v59 =	vadd.f32 v39, v38;
	_ =	sdelay $0x1  }
0x2d4: {  	s2 =	sadd.s32 $0x2, s2;
	v36 =	vadd.f32 v59, v36;
	v35 =	vadd.f32 v56, v31  }
0x2d5: {  	s3 =	sand.u32 $0x7, s31;
	s2 =	sand.u32 $0x10, s2  }
0x2d6: {  	s2 =	sor.u32 s3, s2;
	v35 =	vadd.f32 v36, v35  }
0x2d7: {  	s2 =	sshll.u32 s2, $0x7  }
0x2d8: {  	[tilespmem:s2+$0x2BC0] =	vst v35  }
0x2d9: {  	v60 =	vmul.f32 v5, v17;
	v61 =	vmul.f32 v6, v19;
	v35 =	vld [tilespmem:s4+$0xFFFFFFE0]  }
0x2da: {  	v62 =	vmul.f32 v7, v22;
	v63 =	vmul.f32 v8, v29;
	_ =	sdelay $0x1  }
0x2db: {  	v42 =	vadd.f32 v63, v62;
	v36 =	vadd.f32 v61, v60;
	_ =	sdelay $0x1  }
0x2dc: {  	v36 =	vadd.f32 v42, v36;
	v35 =	vadd.f32 v35, v32;
	_ =	sdelay $0x1  }
0x2dd: {  	v35 =	vadd.f32 v35, v36;
	_ =	sdelay $0x1  }
0x2de: {  	[tilespmem:s2+$0x2BD0] =	vst v35  }
0x2df: {  	v43 =	vmul.f32 v5, v15;
	v44 =	vmul.f32 v6, v16;
	v35 =	vld [tilespmem:s4+$0xFFFFFFF0]  }
0x2e0: {  	v45 =	vmul.f32 v7, v21;
	v46 =	vmul.f32 v8, v24;
	_ =	sdelay $0x1  }
0x2e1: {  	v47 =	vadd.f32 v46, v45;
	v36 =	vadd.f32 v44, v43;
	_ =	sdelay $0x1  }
0x2e2: {  	v36 =	vadd.f32 v47, v36;
	v35 =	vadd.f32 v35, v27;
	_ =	sdelay $0x1  }
0x2e3: {  	v35 =	vadd.f32 v35, v36;
	_ =	sdelay $0x1  }
0x2e4: {  	[tilespmem:s2+$0x2BE0] =	vst v35  }
0x2e5: {  	v5 =	vmul.f32 v5, v13;
	v6 =	vmul.f32 v6, v14;
	v35 =	vld [tilespmem:s4+$0x0]  }
0x2e6: {  	v7 =	vmul.f32 v7, v18;
	v8 =	vmul.f32 v8, v20;
	_ =	sdelay $0x1  }
0x2e7: {  	v5 =	vadd.f32 v6, v5;
	v6 =	vadd.f32 v8, v7;
	_ =	sdelay $0x1  }
0x2e8: {  	v5 =	vadd.f32 v6, v5;
	v7 =	vadd.f32 v35, v23;
	_ =	sdelay $0x1  }
0x2e9: {  	v5 =	vadd.f32 v7, v5  }
0x2ea: {  	v8 =	vperm.xlane v12, v33;
	v6 =	vperm.xlane v9, v33  }
0x2eb: {  	s30 =	simm.s32 $0x1FF0;
	v7 =	vperm.xlane v10, v33;
	[tilespmem:s2+$0x2BF0] =	vst v5;
	v5 =	vperm.xlane v11, v33  }
0x2ec: {  	v52 =	vmul.f32 v8, v30;
	v49 =	vmul.f32 v6, v25;
	v48 =	vld [tilespmem:s30+$0xFFFFFFD0]  }
0x2ed: {  	v50 =	vmul.f32 v7, v26;
	v51 =	vmul.f32 v5, v28;
	_ =	sdelay $0x1  }
0x2ee: {  	v35 =	vadd.f32 v50, v49;
	v53 =	vadd.f32 v52, v51  }
0x2ef: {  	s9 =	simm.s32 $0x0  }
0x2f0: {  	s0 =	sand.u32 $0xFFFFE000, s9;
	v33 =	vadd.f32 v48, v31;
	v35 =	vadd.f32 v53, v35  }
0x2f1: {  	s0 =	sadd.s32 $0x0, s0  }
0x2f2: {  	s0 =	sor.u32 $0x5000, s0;
	v33 =	vadd.f32 v35, v33  }
0x2f3: {  	s0 =	sshra.s32 s0, $0x2  }
0x2f4: {  	[tilespmem:s0+$0x27C0] =	vst v33  }
0x2f5: {  	v57 =	vmul.f32 v8, v29;
	v54 =	vmul.f32 v6, v17;
	v33 =	vld [tilespmem:s30+$0xFFFFFFE0]  }
0x2f6: {  	v55 =	vmul.f32 v7, v19;
	v56 =	vmul.f32 v5, v22;
	_ =	sdelay $0x1  }
0x2f7: {  	v58 =	vadd.f32 v57, v56;
	v35 =	vadd.f32 v55, v54;
	_ =	sdelay $0x1  }
0x2f8: {  	v35 =	vadd.f32 v58, v35;
	v33 =	vadd.f32 v33, v32;
	_ =	sdelay $0x1  }
0x2f9: {  	v33 =	vadd.f32 v33, v35;
	_ =	sdelay $0x1  }
0x2fa: {  	[tilespmem:s0+$0x27D0] =	vst v33  }
0x2fb: {  	v62 =	vmul.f32 v8, v24;
	v59 =	vmul.f32 v6, v15;
	v33 =	vld [tilespmem:s30+$0xFFFFFFF0]  }
0x2fc: {  	v60 =	vmul.f32 v7, v16;
	v61 =	vmul.f32 v5, v21;
	_ =	sdelay $0x1  }
0x2fd: {  	v63 =	vadd.f32 v62, v61;
	v35 =	vadd.f32 v60, v59;
	_ =	sdelay $0x1  }
0x2fe: {  	v35 =	vadd.f32 v63, v35;
	v33 =	vadd.f32 v33, v27;
	_ =	sdelay $0x1  }
0x2ff: {  	v33 =	vadd.f32 v33, v35;
	_ =	sdelay $0x1  }
0x300: {  	[tilespmem:s0+$0x27E0] =	vst v33  }
0x301: {  	v8 =	vmul.f32 v8, v20;
	v6 =	vmul.f32 v6, v13;
	v33 =	vld [tilespmem:s30+$0x0]  }
0x302: {  	v7 =	vmul.f32 v7, v14;
	v5 =	vmul.f32 v5, v18;
	_ =	sdelay $0x1  }
0x303: {  	v7 =	vadd.f32 v7, v6;
	v8 =	vadd.f32 v8, v5;
	_ =	sdelay $0x1  }
0x304: {  	s31 =	simm.s32 $0x0;
	s2 =	simm.s32 $0x2;
	v5 =	vand.u32 $0xF, v34;
	v7 =	vadd.f32 v8, v7;
	v6 =	vadd.f32 v33, v23  }
.LBB2_16:
0x305: {  	p0 =	sne.s32 s2, $0xF;
	v5 =	vbroadcast v5, $0x0  }
0x306: {  	v6 =	vadd.f32 v6, v7  }
0x307: {  	v7 =	vperm.xlane v9, v5;
	v8 =	vperm.xlane v10, v5  }
0x308: {  	s30 =	sadd.s32 $0x80, s30;
	v33 =	vperm.xlane v11, v5;
	v5 =	vperm.xlane v12, v5;
	[tilespmem:s0+$0x27F0] =	vst v6  }
0x309: {  	v6 =	vld [tilespmem:s30+$0xFFFFFFD0];
	v34 =	vmul.f32 v7, v25;
	v35 =	vmul.f32 v8, v26  }
0x30a: {  	v36 =	vmul.f32 v33, v28;
	v37 =	vmul.f32 v5, v30;
	_ =	sdelay $0x1  }
0x30b: {  	s29 =	sadd.s32 $0x2, s29;
	v34 =	vadd.f32 v35, v34;
	v35 =	vadd.f32 v37, v36  }
0x30c: {  	s0 =	sshll.u32 s29, $0x9  }
0x30d: {  	s31 =	sadd.s32 $0x200, s31;
	s0 =	sand.u32 $0xFFFFE000, s0;
	v34 =	vadd.f32 v35, v34;
	v6 =	vadd.f32 v6, v31  }
0x30e: {  	s0 =	sadd.s32 s0, s31  }
0x30f: {  	s0 =	sor.u32 $0x5000, s0;
	v6 =	vadd.f32 v34, v6  }
0x310: {  	s0 =	sshra.s32 s0, $0x2  }
0x311: {  	[tilespmem:s0+$0x27C0] =	vst v6  }
0x312: {  	v35 =	vmul.f32 v8, v19;
	v34 =	vmul.f32 v7, v17;
	v6 =	vld [tilespmem:s30+$0xFFFFFFE0]  }
0x313: {  	v36 =	vmul.f32 v33, v22;
	v37 =	vmul.f32 v5, v29;
	_ =	sdelay $0x1  }
0x314: {  	v34 =	vadd.f32 v35, v34;
	v35 =	vadd.f32 v37, v36;
	_ =	sdelay $0x1  }
0x315: {  	v34 =	vadd.f32 v35, v34;
	v6 =	vadd.f32 v6, v32;
	_ =	sdelay $0x1  }
0x316: {  	v6 =	vadd.f32 v6, v34;
	_ =	sdelay $0x1  }
0x317: {  	[tilespmem:s0+$0x27D0] =	vst v6  }
0x318: {  	v35 =	vmul.f32 v8, v16;
	v34 =	vmul.f32 v7, v15;
	v6 =	vld [tilespmem:s30+$0xFFFFFFF0]  }
0x319: {  	v36 =	vmul.f32 v33, v21;
	v37 =	vmul.f32 v5, v24;
	_ =	sdelay $0x1  }
0x31a: {  	v34 =	vadd.f32 v35, v34;
	v35 =	vadd.f32 v37, v36;
	_ =	sdelay $0x1  }
0x31b: {  	v34 =	vadd.f32 v35, v34;
	v6 =	vadd.f32 v6, v27;
	_ =	sdelay $0x1  }
0x31c: {  	v6 =	vadd.f32 v6, v34;
	_ =	sdelay $0x1  }
0x31d: {  	[tilespmem:s0+$0x27E0] =	vst v6  }
0x31e: {  	v8 =	vmul.f32 v8, v14;
	v7 =	vmul.f32 v7, v13;
	v6 =	vld [tilespmem:s30+$0x0]  }
.Ltmp7:
0x31f: {  	v33 =	vmul.f32 v33, v18;
	v5 =	vmul.f32 v5, v20;
	(pc) =	sbr.rel @p0 .LBB2_16-.Ltmp7, $4  }
0x320: {  	_ = 	snop  }
0x321: {  	v7 =	vadd.f32 v8, v7;
	v8 =	vadd.f32 v5, v33  }
0x322: {  	v5 =	vmov s2  }
0x323: {  	s2 =	sadd.s32 $0x1, s2;
	v5 =	vand.u32 $0xF, v5;
	v7 =	vadd.f32 v8, v7;
	v6 =	vadd.f32 v6, v23  }
0x324: {  	v5 =	vbroadcast v5, $0x0  }
0x325: {  	v6 =	vadd.f32 v6, v7  }
0x326: {  	v7 =	vperm.xlane v9, v5;
	v8 =	vperm.xlane v10, v5  }
0x327: {  	s30 =	sadd.s32 $0x80, s30;
	v48 =	vperm.xlane v11, v5;
	v5 =	vperm.xlane v12, v5;
	[tilespmem:s0+$0x27F0] =	vst v6  }
0x328: {  	v6 =	vld [tilespmem:s30+$0xFFFFFFD0];
	v49 =	vmul.f32 v7, v25;
	v50 =	vmul.f32 v8, v26  }
0x329: {  	v51 =	vmul.f32 v48, v28;
	v52 =	vmul.f32 v5, v30;
	_ =	sdelay $0x1  }
0x32a: {  	s2 =	sadd.s32 $0x2, s29;
	v10 =	vadd.f32 v50, v49;
	v53 =	vadd.f32 v52, v51  }
0x32b: {  	s2 =	sshll.u32 s2, $0x9  }
0x32c: {  	s3 =	sadd.s32 $0x200, s31;
	s2 =	sand.u32 $0xFFFFE000, s2;
	v10 =	vadd.f32 v53, v10;
	v6 =	vadd.f32 v6, v31  }
0x32d: {  	s2 =	sadd.s32 s2, s3  }
0x32e: {  	s2 =	sor.u32 $0x5000, s2;
	v6 =	vadd.f32 v10, v6  }
0x32f: {  	s2 =	sshra.s32 s2, $0x2  }
0x330: {  	[tilespmem:s2+$0x27C0] =	vst v6  }
0x331: {  	v54 =	vmul.f32 v7, v17;
	v55 =	vmul.f32 v8, v19;
	v6 =	vld [tilespmem:s30+$0xFFFFFFE0]  }
0x332: {  	v56 =	vmul.f32 v48, v22;
	v57 =	vmul.f32 v5, v29;
	_ =	sdelay $0x1  }
0x333: {  	v58 =	vadd.f32 v57, v56;
	v10 =	vadd.f32 v55, v54;
	_ =	sdelay $0x1  }
0x334: {  	v10 =	vadd.f32 v58, v10;
	v6 =	vadd.f32 v6, v32;
	_ =	sdelay $0x1  }
0x335: {  	v6 =	vadd.f32 v6, v10;
	_ =	sdelay $0x1  }
0x336: {  	[tilespmem:s2+$0x27D0] =	vst v6  }
0x337: {  	v59 =	vmul.f32 v7, v15;
	v60 =	vmul.f32 v8, v16;
	v6 =	vld [tilespmem:s30+$0xFFFFFFF0]  }
0x338: {  	v61 =	vmul.f32 v48, v21;
	v62 =	vmul.f32 v5, v24;
	_ =	sdelay $0x1  }
0x339: {  	v63 =	vadd.f32 v62, v61;
	v10 =	vadd.f32 v60, v59;
	_ =	sdelay $0x1  }
0x33a: {  	v10 =	vadd.f32 v63, v10;
	v6 =	vadd.f32 v6, v27;
	_ =	sdelay $0x1  }
0x33b: {  	v6 =	vadd.f32 v6, v10;
	_ =	sdelay $0x1  }
0x33c: {  	[tilespmem:s2+$0x27E0] =	vst v6  }
0x33d: {  	v7 =	vmul.f32 v7, v13;
	v8 =	vmul.f32 v8, v14;
	v6 =	vld [tilespmem:s30+$0x0]  }
0x33e: {  	v9 =	vmul.f32 v48, v18;
	v5 =	vmul.f32 v5, v20;
	_ =	sdelay $0x1  }
0x33f: {  	v7 =	vadd.f32 v8, v7;
	v5 =	vadd.f32 v5, v9;
	_ =	sdelay $0x1  }
0x340: {  	v5 =	vadd.f32 v5, v7;
	v6 =	vadd.f32 v6, v23;
	_ =	sdelay $0x1  }
0x341: {  	s28 =	sadd.s32 $0x1, s28;
	v5 =	vadd.f32 v6, v5  }
0x342: {  	p0 =	sne.s32 s28, s8  }
.Ltmp8:
0x343: {  	[tilespmem:s2+$0x27F0] =	vst v5;
	(pc) =	sbr.rel @p0 .LBB2_1-.Ltmp8, $4  }
0x344: {  	[hbm4b:s7+s5] =	stream.linear.scatter [tilespmem:s26], [sflag:$0x6], $0x2000, $0x38;
	[tilespmem:$0x4780] =	vst v63  }
0x345: {  	_ =	swait.ge [sflag:s11], $0x2000  }
0x346: {  	[sflag:s11] =	ssyncset.done $0x0  }
0x347: {  	[sflag:s11] =	ssyncadd.s32 $0xFFFFE000  }
0x348: {  	_ =	sfence.sel $0x180000  }
0x349: {  	[bflag:$0x0] =	sbarrier.arrive $0xFFFF  }
0x34a: {  	_ =	strace $0x90000047  }
0x34b: {  	s0 =	stileid.u32;
	[bflag:$0x2] =	sbarrier.arrive $0xFFFF  }
0x34c: {  	p0 =	sne.s32 s0, $0x0;
	s0 =	rddreg [dreg:$0x5]  }
0x34d: {  	s0 =	sadd.s32 @!p0 $0x100000, s0  }
0x34e: {  	[sflag:s0] =	ssyncadd.tile.s32 @!p0 $0x1;
	_ =	shalt  }
.Lfunc_end2:
_tile_overlayer_lowered:
.L_overlay_start_2:
0x34f: {  	(tag) =	ssettag $0x2  }
0x350: {  	s0 =	rddreg [dreg:$0x0];
	s2 =	stileid.u32  }
0x351: {  	s1 =	rddreg [dreg:$0x1];
	p0 =	sne.s32 s2, $0x0  }
0x352: {  	s3 =	rddreg [dreg:$0x2];
	[bflag:$0x3] =	sbarrier.arrive $0xFFFF;
	s2 =	simm.s32 @!p0 $0x1C06  }
0x353: {  	[timem:s3], [sflag:s2] =	dma.local @!p0 [hbm:s0], s1  }
0x354: {  	s0 =	simm.s32 @!p0 $0x6  }
0x355: {  	_ =	swait.ge @!p0 [sflag:s0], s1  }
0x356: {  	s1 =	ssub.s32 @!p0 $0x0, s1;
	[sflag:s0] =	ssyncset.done @!p0 $0x0  }
0x357: {  	[sflag:s0] =	ssyncadd.s32 @!p0 s1  }
0x358: {  	[bflag:$0x3] =	sbarrier.arrive $0xFFFF  }
0x359: {  	_ =	shalt  }

</sc_bundles>
